<compile_context>
chip_gen: v7x
topology: tpu7x:2x2x1
jax: 0.10.2.dev20260603
libtpu: 0.0.44.dev20260713+nightly
codegen_flags: <defaults>
</compile_context>

<pallas_src>
import functools

import jax
import jax.numpy as jnp
from jax import lax
from jax.experimental import pallas as pl
from jax.experimental.pallas import tpu as pltpu
from jax.experimental.pallas import tpu_sc as plsc

NC = 2
NS = 16
NW = NC * NS
L = 16
UNROLL = 5


def _rotate(v, idx):
    dn = lax.GatherDimensionNumbers(
        offset_dims=(), collapsed_slice_dims=(0,), start_index_map=(0,))
    return lax.gather(v, idx[:, None], dn, slice_sizes=(1,),
                      mode=lax.GatherScatterMode.PROMISE_IN_BOUNDS)


def _rsqrt(v):
    magic = jnp.full((L,), 0x5F3759DF, dtype=jnp.int32)
    half = v * 0.5
    i = lax.bitcast_convert_type(v, jnp.int32)
    i = magic - lax.shift_right_logical(i, 1)
    y = lax.bitcast_convert_type(i, jnp.float32)
    for _ in range(2):
        y = y * (1.5 - half * y * y)
    return y


def kernel(inputs, token_table, pos_table, gamma, beta):
    B, S = inputs.shape
    V, H = token_table.shape
    assert H == 4 * L and B % NW == 0 and S == 200 and S % UNROLL == 0
    CA, CB = 104, 96
    SEQ_PER_W = B // NW
    PAIRS = SEQ_PER_W // 2

    pos_s = pos_table[:S]
    inputs_flat = inputs.reshape(B * S)

    mesh = plsc.VectorSubcoreMesh(core_axis_name="c", subcore_axis_name="s")

    @functools.partial(
        pl.kernel,
        out_type=jax.ShapeDtypeStruct((B, S, H), jnp.float32),
        mesh=mesh,
        compiler_params=pltpu.CompilerParams(use_tc_tiling_on_sc=False),
        scratch_types=[
            pltpu.VMEM((S, H), jnp.float32),
            pltpu.VMEM((H,), jnp.float32),
            pltpu.VMEM((H,), jnp.float32),
            pltpu.VMEM((SEQ_PER_W * S,), jnp.int32),
            pltpu.VMEM((S, H), jnp.float32),
            pltpu.VMEM((S, H), jnp.float32),
            pltpu.VMEM((S, H), jnp.float32),
            pltpu.VMEM((S, H), jnp.float32),
            pltpu.SemaphoreType.DMA,
            pltpu.SemaphoreType.DMA,
            pltpu.SemaphoreType.DMA,
            pltpu.SemaphoreType.DMA,
        ],
    )
    def k(inputs_hbm, token_hbm, pos_hbm, gamma_hbm, beta_hbm, out_hbm,
          pos_v, gamma_v, beta_v, idx_v, rows_a, rows_b, sta_a, sta_b,
          sem_ga, sem_gb, sem_oa, sem_ob):
        wid = lax.axis_index("s") * NC + lax.axis_index("c")
        base = pl.multiple_of(wid * SEQ_PER_W, 8)
        flat_base = pl.multiple_of(wid * (SEQ_PER_W * S), 8)
        pltpu.sync_copy(inputs_hbm.at[pl.ds(flat_base, SEQ_PER_W * S)], idx_v)
        pltpu.sync_copy(pos_hbm, pos_v)
        pltpu.sync_copy(gamma_hbm, gamma_v)
        pltpu.sync_copy(beta_hbm, beta_v)

        g = [gamma_v[pl.ds(i * L, L)] for i in range(4)]
        bt = [beta_v[pl.ds(i * L, L)] for i in range(4)]
        iota = lax.iota(jnp.int32, L)
        rots = [(iota + sh) & (L - 1) for sh in (1, 2, 4, 8)]

        def gather(j, rows_ref, sem):
            off = pl.multiple_of(j * S, 8)
            cp0 = pltpu.async_copy(token_hbm.at[idx_v.at[pl.ds(off, CA)]],
                                   rows_ref.at[pl.ds(0, CA)], sem)
            cp1 = pltpu.async_copy(
                token_hbm.at[idx_v.at[pl.ds(off + CA, CB)]],
                rows_ref.at[pl.ds(CA, CB)], sem)
            return cp0, cp1

        def drain_gather(j, rows_ref, sem):
            off = pl.multiple_of(j * S, 8)
            pltpu.make_async_copy(token_hbm.at[idx_v.at[pl.ds(off, CA)]],
                                  rows_ref.at[pl.ds(0, CA)], sem).wait()
            pltpu.make_async_copy(
                token_hbm.at[idx_v.at[pl.ds(off + CA, CB)]],
                rows_ref.at[pl.ds(CA, CB)], sem).wait()

        def drain_out(b, sta_ref, sem):
            pltpu.make_async_copy(sta_ref, out_hbm.at[b], sem).wait()

        def compute(rows_ref, sta_ref):
            def do_block(v, c):
                rb = v * UNROLL
                for u in range(UNROLL):
                    r = rb + u
                    x = [rows_ref[r, pl.ds(i * L, L)] +
                         pos_v[r, pl.ds(i * L, L)] for i in range(4)]
                    s = (x[0] + x[1]) + (x[2] + x[3])
                    q = ((x[0] * x[0] + x[1] * x[1]) +
                         (x[2] * x[2] + x[3] * x[3]))
                    for rot in rots:
                        s = s + _rotate(s, rot)
                        q = q + _rotate(q, rot)
                    mean = s * (1.0 / H)
                    var = q * (1.0 / H) - mean * mean
                    rstd = _rsqrt(var + 1e-12)
                    for i in range(4):
                        sta_ref[r, pl.ds(i * L, L)] = \
                            (x[i] - mean) * rstd * g[i] + bt[i]
                return c

            lax.fori_loop(0, S // UNROLL, do_block, 0)

        gather(0, rows_a, sem_ga)
        gather(1, rows_b, sem_gb)

        def pair(t, c):
            for (par, rows_ref, sta_ref, sem_g, sem_o) in (
                    (0, rows_a, sta_a, sem_ga, sem_oa),
                    (1, rows_b, sta_b, sem_gb, sem_ob)):
                j = 2 * t + par
                b = base + j
                drain_gather(j, rows_ref, sem_g)

                @pl.when(t > 0)
                def _():
                    drain_out(b, sta_ref, sem_o)

                compute(rows_ref, sta_ref)
                pltpu.async_copy(sta_ref, out_hbm.at[b], sem_o)

                @pl.when(t < PAIRS - 1)
                def _():
                    gather(j + 2, rows_ref, sem_g)
            return c

        lax.fori_loop(0, PAIRS, pair, 0)
        drain_out(base, sta_a, sem_oa)
        drain_out(base, sta_b, sem_ob)

    return k(inputs_flat, token_table, pos_s, gamma, beta)

# --- scband reference (transcript-rebuilt; emitter-appended) ---
"""Pipeline reference for scband-embeddings-layer-46316927320444 (READ-ONLY COPY).

The authoritative reference and input builder live on the scoring server;
editing this copy changes nothing except your own understanding.
"""

import jax, jax.numpy as jnp
import numpy as np

VOCAB = 1000000
HID = 64
POS = 1000
B = 1024
S = 200


def setup_inputs(seed: int = 0) -> dict:
    key = jax.random.key(seed)
    k1, k2, k3 = jax.random.split(key, 3)
    inputs = jax.random.randint(k1, (B, S), 0, VOCAB, dtype=jnp.int32)
    token_table = jax.random.normal(k2, (VOCAB, HID), dtype=jnp.float32) * 0.02
    pos_table = jax.random.normal(k3, (POS, HID), dtype=jnp.float32) * 0.02
    gamma = jnp.ones((HID,), dtype=jnp.float32)
    beta = jnp.zeros((HID,), dtype=jnp.float32)
    return {"inputs": inputs, "token_table": token_table, "pos_table": pos_table, "gamma": gamma, "beta": beta}


def reference(inputs, token_table, pos_table, gamma, beta):
    seq_len = inputs.shape[1]
    position_ids = jnp.arange(seq_len)
    position_emb = jnp.take(pos_table, position_ids, axis=0)  # [S, HID]
    token_emb = jnp.take(token_table, inputs, axis=0)         # [B, S, HID]
    emb = token_emb + position_emb[None, :, :]
    mean = jnp.mean(emb, axis=-1, keepdims=True)
    var = jnp.var(emb, axis=-1, keepdims=True)
    norm = (emb - mean) / jnp.sqrt(var + 1e-12)
    out = norm * gamma + beta
    # Dropout is identity at inference time
    return out

if __name__ == "__main__":
    import jax
    _d = setup_inputs()
    print(jax.jit(kernel)(*tuple(_d.values())))

</pallas_src>

<mosaic_0001>
#map = affine_map<(d0, d1) -> (0)>
#map1 = affine_map<(d0, d1) -> (0, 0)>
#map2 = affine_map<(d0, d1) -> (0, 0, 0)>
module attributes {stable_mosaic.version = 14 : i64} {
  func.func @k(%arg0: i32, %arg1: i32, %arg2: memref<204800xi32, #tpu.memory_space<hbm>>, %arg3: memref<1000000x64xf32, #tpu.memory_space<hbm>>, %arg4: memref<200x64xf32, #tpu.memory_space<hbm>>, %arg5: memref<64xf32, #tpu.memory_space<hbm>>, %arg6: memref<64xf32, #tpu.memory_space<hbm>>, %arg7: memref<1024x200x64xf32, #tpu.memory_space<hbm>>, %arg8: memref<200x64xf32, #tpu.memory_space<vmem>>, %arg9: memref<64xf32, #tpu.memory_space<vmem>>, %arg10: memref<64xf32, #tpu.memory_space<vmem>>, %arg11: memref<6400xi32, #tpu.memory_space<vmem>>, %arg12: memref<200x64xf32, #tpu.memory_space<vmem>>, %arg13: memref<200x64xf32, #tpu.memory_space<vmem>>, %arg14: memref<200x64xf32, #tpu.memory_space<vmem>>, %arg15: memref<200x64xf32, #tpu.memory_space<vmem>>, %arg16: memref<!tpu.dma_semaphore, #tpu.memory_space<semaphore_mem>>, %arg17: memref<!tpu.dma_semaphore, #tpu.memory_space<semaphore_mem>>, %arg18: memref<!tpu.dma_semaphore, #tpu.memory_space<semaphore_mem>>, %arg19: memref<!tpu.dma_semaphore, #tpu.memory_space<semaphore_mem>>) attributes {dimension_semantics = [#tpu.dimension_semantics<core_parallel>, #tpu.dimension_semantics<subcore_parallel>], iteration_bounds = array<i64: 2, 16>, scalar_prefetch = 0 : i64, scratch_operands = 12 : i64, tpu.core_type = #tpu.core_type<sc_vector_subcore>, window_params = [{transform_indices = #map}, {transform_indices = #map1}, {transform_indices = #map1}, {transform_indices = #map}, {transform_indices = #map}, {transform_indices = #map2}]} {
    %mul3A = arith.constant 2 : i32
    %mul3A_0 = arith.muli %arg1, %mul3A : i32
    %add3A = arith.addi %mul3A_0, %arg0 : i32
    %mul3A_1 = arith.constant 32 : i32
    %mul3A_2 = arith.muli %add3A, %mul3A_1 : i32
    %multiple_of3A = tpu.assume_multiple %mul3A_2, 8 : i32
    %mul3A_3 = arith.constant 6400 : i32
    %mul3A_4 = arith.muli %add3A, %mul3A_3 : i32
    %multiple_of3A_5 = tpu.assume_multiple %mul3A_4, 8 : i32
    "tpu.region"() ({
      %run_scoped3A = tpu.sem_alloc : memref<!tpu.dma_semaphore, #tpu.memory_space<semaphore_mem>>
      %dma_start3A_107 = tpu.memref_slice %arg2[%multiple_of3A_5] : memref<204800xi32, #tpu.memory_space<hbm>> -> memref<6400xi32, #tpu.memory_space<hbm>>
      %dma_start3A_108 = tpu.memref_slice %arg2[%multiple_of3A_5] : memref<204800xi32, #tpu.memory_space<hbm>> -> memref<6400xi32, #tpu.memory_space<hbm>>
      tpu.enqueue_dma source(%dma_start3A_108 : memref<6400xi32, #tpu.memory_space<hbm>>) target(%arg11 : memref<6400xi32, #tpu.memory_space<vmem>>) target_semaphore(%run_scoped3A : memref<!tpu.dma_semaphore, #tpu.memory_space<semaphore_mem>>)
      %dma_wait3A_109 = tpu.memref_slice %arg2[%multiple_of3A_5] : memref<204800xi32, #tpu.memory_space<hbm>> -> memref<6400xi32, #tpu.memory_space<hbm>>
      %dma_wait3A_110 = tpu.memref_slice %arg2[%multiple_of3A_5] : memref<204800xi32, #tpu.memory_space<hbm>> -> memref<6400xi32, #tpu.memory_space<hbm>>
      tpu.wait_dma2 semaphore(%run_scoped3A : memref<!tpu.dma_semaphore, #tpu.memory_space<semaphore_mem>>) src(%dma_wait3A_110 : memref<6400xi32, #tpu.memory_space<hbm>>) dst(%arg11 : memref<6400xi32, #tpu.memory_space<vmem>>)
      tpu.yield
    }) : () -> ()
    "tpu.region"() ({
      %run_scoped3A = tpu.sem_alloc : memref<!tpu.dma_semaphore, #tpu.memory_space<semaphore_mem>>
      tpu.enqueue_dma source(%arg4 : memref<200x64xf32, #tpu.memory_space<hbm>>) target(%arg8 : memref<200x64xf32, #tpu.memory_space<vmem>>) target_semaphore(%run_scoped3A : memref<!tpu.dma_semaphore, #tpu.memory_space<semaphore_mem>>)
      tpu.wait_dma2 semaphore(%run_scoped3A : memref<!tpu.dma_semaphore, #tpu.memory_space<semaphore_mem>>) src(%arg4 : memref<200x64xf32, #tpu.memory_space<hbm>>) dst(%arg8 : memref<200x64xf32, #tpu.memory_space<vmem>>)
      tpu.yield
    }) : () -> ()
    "tpu.region"() ({
      %run_scoped3A = tpu.sem_alloc : memref<!tpu.dma_semaphore, #tpu.memory_space<semaphore_mem>>
      tpu.enqueue_dma source(%arg5 : memref<64xf32, #tpu.memory_space<hbm>>) target(%arg9 : memref<64xf32, #tpu.memory_space<vmem>>) target_semaphore(%run_scoped3A : memref<!tpu.dma_semaphore, #tpu.memory_space<semaphore_mem>>)
      tpu.wait_dma2 semaphore(%run_scoped3A : memref<!tpu.dma_semaphore, #tpu.memory_space<semaphore_mem>>) src(%arg5 : memref<64xf32, #tpu.memory_space<hbm>>) dst(%arg9 : memref<64xf32, #tpu.memory_space<vmem>>)
      tpu.yield
    }) : () -> ()
    "tpu.region"() ({
      %run_scoped3A = tpu.sem_alloc : memref<!tpu.dma_semaphore, #tpu.memory_space<semaphore_mem>>
      tpu.enqueue_dma source(%arg6 : memref<64xf32, #tpu.memory_space<hbm>>) target(%arg10 : memref<64xf32, #tpu.memory_space<vmem>>) target_semaphore(%run_scoped3A : memref<!tpu.dma_semaphore, #tpu.memory_space<semaphore_mem>>)
      tpu.wait_dma2 semaphore(%run_scoped3A : memref<!tpu.dma_semaphore, #tpu.memory_space<semaphore_mem>>) src(%arg6 : memref<64xf32, #tpu.memory_space<hbm>>) dst(%arg10 : memref<64xf32, #tpu.memory_space<vmem>>)
      tpu.yield
    }) : () -> ()
    %get3A = arith.constant 0 : index
    %get3A_6 = tpu.vector_load %arg9[%get3A] {strides = array<i32>} : memref<64xf32, #tpu.memory_space<vmem>>, vector<16xf32>,
    %get3A_7 = vector.shape_cast %get3A_6 : vector<16xf32> to vector<16xf32>
    %get3A_8 = arith.constant 16 : index
    %get3A_9 = tpu.vector_load %arg9[%get3A_8] {strides = array<i32>} : memref<64xf32, #tpu.memory_space<vmem>>, vector<16xf32>,
    %get3A_10 = vector.shape_cast %get3A_9 : vector<16xf32> to vector<16xf32>
    %get3A_11 = arith.constant 32 : index
    %get3A_12 = tpu.vector_load %arg9[%get3A_11] {strides = array<i32>} : memref<64xf32, #tpu.memory_space<vmem>>, vector<16xf32>,
    %get3A_13 = vector.shape_cast %get3A_12 : vector<16xf32> to vector<16xf32>
    %get3A_14 = arith.constant 48 : index
    %get3A_15 = tpu.vector_load %arg9[%get3A_14] {strides = array<i32>} : memref<64xf32, #tpu.memory_space<vmem>>, vector<16xf32>,
    %get3A_16 = vector.shape_cast %get3A_15 : vector<16xf32> to vector<16xf32>
    %get3A_17 = arith.constant 0 : index
    %get3A_18 = tpu.vector_load %arg10[%get3A_17] {strides = array<i32>} : memref<64xf32, #tpu.memory_space<vmem>>, vector<16xf32>,
    %get3A_19 = vector.shape_cast %get3A_18 : vector<16xf32> to vector<16xf32>
    %get3A_20 = arith.constant 16 : index
    %get3A_21 = tpu.vector_load %arg10[%get3A_20] {strides = array<i32>} : memref<64xf32, #tpu.memory_space<vmem>>, vector<16xf32>,
    %get3A_22 = vector.shape_cast %get3A_21 : vector<16xf32> to vector<16xf32>
    %get3A_23 = arith.constant 32 : index
    %get3A_24 = tpu.vector_load %arg10[%get3A_23] {strides = array<i32>} : memref<64xf32, #tpu.memory_space<vmem>>, vector<16xf32>,
    %get3A_25 = vector.shape_cast %get3A_24 : vector<16xf32> to vector<16xf32>
    %get3A_26 = arith.constant 48 : index
    %get3A_27 = tpu.vector_load %arg10[%get3A_26] {strides = array<i32>} : memref<64xf32, #tpu.memory_space<vmem>>, vector<16xf32>,
    %get3A_28 = vector.shape_cast %get3A_27 : vector<16xf32> to vector<16xf32>
    %iota3A = tpu.iota {dimensions = array<i32: 0>} : vector<16xi32>
    %add3A_29 = arith.constant 1 : i32
    %add3A_30 = vector.broadcast %add3A_29 : i32 to vector<16xi32>
    %add3A_31 = arith.addi %iota3A, %add3A_30 : vector<16xi32>
    %and3A = arith.constant 15 : i32
    %and3A_32 = vector.broadcast %and3A : i32 to vector<16xi32>
    %and3A_33 = arith.andi %add3A_31, %and3A_32 : vector<16xi32>
    %add3A_34 = arith.constant 2 : i32
    %add3A_35 = vector.broadcast %add3A_34 : i32 to vector<16xi32>
    %add3A_36 = arith.addi %iota3A, %add3A_35 : vector<16xi32>
    %and3A_37 = arith.constant 15 : i32
    %and3A_38 = vector.broadcast %and3A_37 : i32 to vector<16xi32>
    %and3A_39 = arith.andi %add3A_36, %and3A_38 : vector<16xi32>
    %add3A_40 = arith.constant 4 : i32
    %add3A_41 = vector.broadcast %add3A_40 : i32 to vector<16xi32>
    %add3A_42 = arith.addi %iota3A, %add3A_41 : vector<16xi32>
    %and3A_43 = arith.constant 15 : i32
    %and3A_44 = vector.broadcast %and3A_43 : i32 to vector<16xi32>
    %and3A_45 = arith.andi %add3A_42, %and3A_44 : vector<16xi32>
    %add3A_46 = arith.constant 8 : i32
    %add3A_47 = vector.broadcast %add3A_46 : i32 to vector<16xi32>
    %add3A_48 = arith.addi %iota3A, %add3A_47 : vector<16xi32>
    %and3A_49 = arith.constant 15 : i32
    %and3A_50 = vector.broadcast %and3A_49 : i32 to vector<16xi32>
    %and3A_51 = arith.andi %add3A_48, %and3A_50 : vector<16xi32>
    %multiple_of3A_52 = arith.constant 0 : i32
    %multiple_of3A_53 = tpu.assume_multiple %multiple_of3A_52, 8 : i32
    %dma_start3A = arith.constant 0 : i32
    %dma_start3A_54 = arith.constant 0 : i32
    %dma_start3A_55 = tpu.memref_slice %arg12[%dma_start3A, %dma_start3A_54] : memref<200x64xf32, #tpu.memory_space<vmem>> -> memref<104x64xf32, #tpu.memory_space<vmem>>
    %dma_start3A_56 = tpu.memref_slice %arg11[%multiple_of3A_53] : memref<6400xi32, #tpu.memory_space<vmem>> -> memref<104xi32, #tpu.memory_space<vmem>>
    %dma_start3A_57 = arith.constant 0 : i32
    %dma_start3A_58 = arith.constant 0 : i32
    %dma_start3A_59 = tpu.memref_slice %arg3[%dma_start3A_57, %dma_start3A_58] : memref<1000000x64xf32, #tpu.memory_space<hbm>> -> memref<1000000x64xf32, #tpu.memory_space<hbm>>
    tpu.enqueue_indirect_dma source(%dma_start3A_59 : memref<1000000x64xf32, #tpu.memory_space<hbm>>) target(%dma_start3A_55 : memref<104x64xf32, #tpu.memory_space<vmem>>) offsets(%dma_start3A_56 : memref<104xi32, #tpu.memory_space<vmem>>) semaphore(%arg16 : memref<!tpu.dma_semaphore, #tpu.memory_space<semaphore_mem>>)
    %add3A_60 = arith.constant 104 : i32
    %add3A_61 = arith.addi %multiple_of3A_53, %add3A_60 : i32
    %dma_start3A_62 = arith.constant 104 : i32
    %dma_start3A_63 = arith.constant 0 : i32
    %dma_start3A_64 = tpu.memref_slice %arg12[%dma_start3A_62, %dma_start3A_63] : memref<200x64xf32, #tpu.memory_space<vmem>> -> memref<96x64xf32, #tpu.memory_space<vmem>>
    %dma_start3A_65 = tpu.memref_slice %arg11[%add3A_61] : memref<6400xi32, #tpu.memory_space<vmem>> -> memref<96xi32, #tpu.memory_space<vmem>>
    %dma_start3A_66 = arith.constant 0 : i32
    %dma_start3A_67 = arith.constant 0 : i32
    %dma_start3A_68 = tpu.memref_slice %arg3[%dma_start3A_66, %dma_start3A_67] : memref<1000000x64xf32, #tpu.memory_space<hbm>> -> memref<1000000x64xf32, #tpu.memory_space<hbm>>
    tpu.enqueue_indirect_dma source(%dma_start3A_68 : memref<1000000x64xf32, #tpu.memory_space<hbm>>) target(%dma_start3A_64 : memref<96x64xf32, #tpu.memory_space<vmem>>) offsets(%dma_start3A_65 : memref<96xi32, #tpu.memory_space<vmem>>) semaphore(%arg16 : memref<!tpu.dma_semaphore, #tpu.memory_space<semaphore_mem>>)
    %multiple_of3A_69 = arith.constant 200 : i32
    %multiple_of3A_70 = tpu.assume_multiple %multiple_of3A_69, 8 : i32
    %dma_start3A_71 = arith.constant 0 : i32
    %dma_start3A_72 = arith.constant 0 : i32
    %dma_start3A_73 = tpu.memref_slice %arg13[%dma_start3A_71, %dma_start3A_72] : memref<200x64xf32, #tpu.memory_space<vmem>> -> memref<104x64xf32, #tpu.memory_space<vmem>>
    %dma_start3A_74 = tpu.memref_slice %arg11[%multiple_of3A_70] : memref<6400xi32, #tpu.memory_space<vmem>> -> memref<104xi32, #tpu.memory_space<vmem>>
    %dma_start3A_75 = arith.constant 0 : i32
    %dma_start3A_76 = arith.constant 0 : i32
    %dma_start3A_77 = tpu.memref_slice %arg3[%dma_start3A_75, %dma_start3A_76] : memref<1000000x64xf32, #tpu.memory_space<hbm>> -> memref<1000000x64xf32, #tpu.memory_space<hbm>>
    tpu.enqueue_indirect_dma source(%dma_start3A_77 : memref<1000000x64xf32, #tpu.memory_space<hbm>>) target(%dma_start3A_73 : memref<104x64xf32, #tpu.memory_space<vmem>>) offsets(%dma_start3A_74 : memref<104xi32, #tpu.memory_space<vmem>>) semaphore(%arg17 : memref<!tpu.dma_semaphore, #tpu.memory_space<semaphore_mem>>)
    %add3A_78 = arith.constant 104 : i32
    %add3A_79 = arith.addi %multiple_of3A_70, %add3A_78 : i32
    %dma_start3A_80 = arith.constant 104 : i32
    %dma_start3A_81 = arith.constant 0 : i32
    %dma_start3A_82 = tpu.memref_slice %arg13[%dma_start3A_80, %dma_start3A_81] : memref<200x64xf32, #tpu.memory_space<vmem>> -> memref<96x64xf32, #tpu.memory_space<vmem>>
    %dma_start3A_83 = tpu.memref_slice %arg11[%add3A_79] : memref<6400xi32, #tpu.memory_space<vmem>> -> memref<96xi32, #tpu.memory_space<vmem>>
    %dma_start3A_84 = arith.constant 0 : i32
    %dma_start3A_85 = arith.constant 0 : i32
    %dma_start3A_86 = tpu.memref_slice %arg3[%dma_start3A_84, %dma_start3A_85] : memref<1000000x64xf32, #tpu.memory_space<hbm>> -> memref<1000000x64xf32, #tpu.memory_space<hbm>>
    tpu.enqueue_indirect_dma source(%dma_start3A_86 : memref<1000000x64xf32, #tpu.memory_space<hbm>>) target(%dma_start3A_82 : memref<96x64xf32, #tpu.memory_space<vmem>>) offsets(%dma_start3A_83 : memref<96xi32, #tpu.memory_space<vmem>>) semaphore(%arg17 : memref<!tpu.dma_semaphore, #tpu.memory_space<semaphore_mem>>)
    %scan3A = arith.constant 0 : i32
    %scan3A_87 = arith.constant 0 : i32
    %scan3A_88 = arith.constant 16 : i32
    %scan3A_89 = arith.addi %scan3A_87, %scan3A_88 : i32
    %scan3A_90 = arith.constant 1 : i32
    scf.for %scan3A_107 = %scan3A_87 to %scan3A_89 step %scan3A_90  : i32 {
      %mul3A_108 = arith.constant 2 : i32
      %mul3A_109 = arith.muli %mul3A_108, %scan3A_107 : i32
      %add3A_110 = arith.constant 0 : i32
      %add3A_111 = arith.addi %mul3A_109, %add3A_110 : i32
      %add3A_112 = arith.addi %multiple_of3A, %add3A_111 : i32
      %mul3A_113 = arith.constant 200 : i32
      %mul3A_114 = arith.muli %add3A_111, %mul3A_113 : i32
      %multiple_of3A_115 = tpu.assume_multiple %mul3A_114, 8 : i32
      %dma_wait3A_116 = arith.constant 0 : i32
      %dma_wait3A_117 = arith.constant 0 : i32
      %dma_wait3A_118 = tpu.memref_slice %arg12[%dma_wait3A_116, %dma_wait3A_117] : memref<200x64xf32, #tpu.memory_space<vmem>> -> memref<104x64xf32, #tpu.memory_space<vmem>>
      %dma_wait3A_119 = tpu.memref_slice %arg11[%multiple_of3A_115] : memref<6400xi32, #tpu.memory_space<vmem>> -> memref<104xi32, #tpu.memory_space<vmem>>
      %dma_wait3A_120 = arith.constant 0 : i32
      %dma_wait3A_121 = arith.constant 0 : i32
      %dma_wait3A_122 = tpu.memref_slice %arg3[%dma_wait3A_120, %dma_wait3A_121] : memref<1000000x64xf32, #tpu.memory_space<hbm>> -> memref<1000000x64xf32, #tpu.memory_space<hbm>>
      tpu.wait_indirect_dma semaphore(%arg16 : memref<!tpu.dma_semaphore, #tpu.memory_space<semaphore_mem>>) src(%dma_wait3A_122 : memref<1000000x64xf32, #tpu.memory_space<hbm>>) dst(%dma_wait3A_118 : memref<104x64xf32, #tpu.memory_space<vmem>>)
      %add3A_123 = arith.constant 104 : i32
      %add3A_124 = arith.addi %multiple_of3A_115, %add3A_123 : i32
      %dma_wait3A_125 = arith.constant 104 : i32
      %dma_wait3A_126 = arith.constant 0 : i32
      %dma_wait3A_127 = tpu.memref_slice %arg12[%dma_wait3A_125, %dma_wait3A_126] : memref<200x64xf32, #tpu.memory_space<vmem>> -> memref<96x64xf32, #tpu.memory_space<vmem>>
      %dma_wait3A_128 = tpu.memref_slice %arg11[%add3A_124] : memref<6400xi32, #tpu.memory_space<vmem>> -> memref<96xi32, #tpu.memory_space<vmem>>
      %dma_wait3A_129 = arith.constant 0 : i32
      %dma_wait3A_130 = arith.constant 0 : i32
      %dma_wait3A_131 = tpu.memref_slice %arg3[%dma_wait3A_129, %dma_wait3A_130] : memref<1000000x64xf32, #tpu.memory_space<hbm>> -> memref<1000000x64xf32, #tpu.memory_space<hbm>>
      tpu.wait_indirect_dma semaphore(%arg16 : memref<!tpu.dma_semaphore, #tpu.memory_space<semaphore_mem>>) src(%dma_wait3A_131 : memref<1000000x64xf32, #tpu.memory_space<hbm>>) dst(%dma_wait3A_127 : memref<96x64xf32, #tpu.memory_space<vmem>>)
      %gt3A = arith.constant 0 : i32
      %gt3A_132 = arith.cmpi sgt, %scan3A_107, %gt3A : i32
      %convert_element_type3A = arith.extui %gt3A_132 : i1 to i32
      %cond3A = arith.constant 0 : i32
      %cond3A_133 = arith.cmpi ne, %convert_element_type3A, %cond3A : i32
      scf.if %cond3A_133 {
        %dma_wait3A_200 = arith.constant 0 : i32
        %dma_wait3A_201 = arith.constant 0 : i32
        %dma_wait3A_202 = tpu.memref_slice %arg7[%add3A_112, %dma_wait3A_200, %dma_wait3A_201] : memref<1024x200x64xf32, #tpu.memory_space<hbm>> -> memref<1x200x64xf32, #tpu.memory_space<hbm>>
        %dma_wait3A_203 = tpu.memref_squeeze %dma_wait3A_202 : memref<1x200x64xf32, #tpu.memory_space<hbm>> -> memref<200x64xf32, #tpu.memory_space<hbm>>
        %dma_wait3A_204 = arith.constant 0 : i32
        %dma_wait3A_205 = arith.constant 0 : i32
        %dma_wait3A_206 = tpu.memref_slice %arg7[%add3A_112, %dma_wait3A_204, %dma_wait3A_205] : memref<1024x200x64xf32, #tpu.memory_space<hbm>> -> memref<1x200x64xf32, #tpu.memory_space<hbm>>
        %dma_wait3A_207 = tpu.memref_squeeze %dma_wait3A_206 : memref<1x200x64xf32, #tpu.memory_space<hbm>> -> memref<200x64xf32, #tpu.memory_space<hbm>>
        tpu.wait_dma2 semaphore(%arg18 : memref<!tpu.dma_semaphore, #tpu.memory_space<semaphore_mem>>) src(%arg14 : memref<200x64xf32, #tpu.memory_space<vmem>>) dst(%dma_wait3A_207 : memref<200x64xf32, #tpu.memory_space<hbm>>)
      } else {
      }
      %scan3A_134 = arith.constant 0 : i32
      %scan3A_135 = arith.constant 0 : i32
      %scan3A_136 = arith.constant 40 : i32
      %scan3A_137 = arith.addi %scan3A_135, %scan3A_136 : i32
      %scan3A_138 = arith.constant 1 : i32
      scf.for %scan3A_200 = %scan3A_135 to %scan3A_137 step %scan3A_138  : i32 {
        %mul3A_201 = arith.constant 5 : i32
        %mul3A_202 = arith.muli %scan3A_200, %mul3A_201 : i32
        %add3A_203 = arith.constant 0 : i32
        %add3A_204 = arith.addi %mul3A_202, %add3A_203 : i32
        %get3A_205 = arith.index_cast %add3A_204 : i32 to index
        %get3A_206 = arith.constant 0 : index
        %get3A_207 = tpu.vector_load %arg12[%get3A_205, %get3A_206] {strides = array<i32>} : memref<200x64xf32, #tpu.memory_space<vmem>>, vector<1x16xf32>,
        %get3A_208 = vector.shape_cast %get3A_207 : vector<1x16xf32> to vector<16xf32>
        %get3A_209 = arith.index_cast %add3A_204 : i32 to index
        %get3A_210 = arith.constant 0 : index
        %get3A_211 = tpu.vector_load %arg8[%get3A_209, %get3A_210] {strides = array<i32>} : memref<200x64xf32, #tpu.memory_space<vmem>>, vector<1x16xf32>,
        %get3A_212 = vector.shape_cast %get3A_211 : vector<1x16xf32> to vector<16xf32>
        %add3A_213 = arith.addf %get3A_208, %get3A_212 : vector<16xf32>
        %get3A_214 = arith.index_cast %add3A_204 : i32 to index
        %get3A_215 = arith.constant 16 : index
        %get3A_216 = tpu.vector_load %arg12[%get3A_214, %get3A_215] {strides = array<i32>} : memref<200x64xf32, #tpu.memory_space<vmem>>, vector<1x16xf32>,
        %get3A_217 = vector.shape_cast %get3A_216 : vector<1x16xf32> to vector<16xf32>
        %get3A_218 = arith.index_cast %add3A_204 : i32 to index
        %get3A_219 = arith.constant 16 : index
        %get3A_220 = tpu.vector_load %arg8[%get3A_218, %get3A_219] {strides = array<i32>} : memref<200x64xf32, #tpu.memory_space<vmem>>, vector<1x16xf32>,
        %get3A_221 = vector.shape_cast %get3A_220 : vector<1x16xf32> to vector<16xf32>
        %add3A_222 = arith.addf %get3A_217, %get3A_221 : vector<16xf32>
        %get3A_223 = arith.index_cast %add3A_204 : i32 to index
        %get3A_224 = arith.constant 32 : index
        %get3A_225 = tpu.vector_load %arg12[%get3A_223, %get3A_224] {strides = array<i32>} : memref<200x64xf32, #tpu.memory_space<vmem>>, vector<1x16xf32>,
        %get3A_226 = vector.shape_cast %get3A_225 : vector<1x16xf32> to vector<16xf32>
        %get3A_227 = arith.index_cast %add3A_204 : i32 to index
        %get3A_228 = arith.constant 32 : index
        %get3A_229 = tpu.vector_load %arg8[%get3A_227, %get3A_228] {strides = array<i32>} : memref<200x64xf32, #tpu.memory_space<vmem>>, vector<1x16xf32>,
        %get3A_230 = vector.shape_cast %get3A_229 : vector<1x16xf32> to vector<16xf32>
        %add3A_231 = arith.addf %get3A_226, %get3A_230 : vector<16xf32>
        %get3A_232 = arith.index_cast %add3A_204 : i32 to index
        %get3A_233 = arith.constant 48 : index
        %get3A_234 = tpu.vector_load %arg12[%get3A_232, %get3A_233] {strides = array<i32>} : memref<200x64xf32, #tpu.memory_space<vmem>>, vector<1x16xf32>,
        %get3A_235 = vector.shape_cast %get3A_234 : vector<1x16xf32> to vector<16xf32>
        %get3A_236 = arith.index_cast %add3A_204 : i32 to index
        %get3A_237 = arith.constant 48 : index
        %get3A_238 = tpu.vector_load %arg8[%get3A_236, %get3A_237] {strides = array<i32>} : memref<200x64xf32, #tpu.memory_space<vmem>>, vector<1x16xf32>,
        %get3A_239 = vector.shape_cast %get3A_238 : vector<1x16xf32> to vector<16xf32>
        %add3A_240 = arith.addf %get3A_235, %get3A_239 : vector<16xf32>
        %add3A_241 = arith.addf %add3A_213, %add3A_222 : vector<16xf32>
        %add3A_242 = arith.addf %add3A_231, %add3A_240 : vector<16xf32>
        %add3A_243 = arith.addf %add3A_241, %add3A_242 : vector<16xf32>
        %mul3A_244 = arith.mulf %add3A_213, %add3A_213 : vector<16xf32>
        %mul3A_245 = arith.mulf %add3A_222, %add3A_222 : vector<16xf32>
        %add3A_246 = arith.addf %mul3A_244, %mul3A_245 : vector<16xf32>
        %mul3A_247 = arith.mulf %add3A_231, %add3A_231 : vector<16xf32>
        %mul3A_248 = arith.mulf %add3A_240, %add3A_240 : vector<16xf32>
        %add3A_249 = arith.addf %mul3A_247, %mul3A_248 : vector<16xf32>
        %add3A_250 = arith.addf %add3A_246, %add3A_249 : vector<16xf32>
        %broadcast_in_dim3A = vector.shape_cast %and3A_33 : vector<16xi32> to vector<16x1xi32>
        %gather3A = vector.shape_cast %broadcast_in_dim3A : vector<16x1xi32> to vector<16xi32>
        %gather3A_251 = tpu.dynamic_gather %add3A_243[%gather3A] in [0] : vector<16xf32>, vector<16xi32> -> vector<16xf32>
        %add3A_252 = arith.addf %add3A_243, %gather3A_251 : vector<16xf32>
        %broadcast_in_dim3A_253 = vector.shape_cast %and3A_33 : vector<16xi32> to vector<16x1xi32>
        %gather3A_254 = vector.shape_cast %broadcast_in_dim3A_253 : vector<16x1xi32> to vector<16xi32>
        %gather3A_255 = tpu.dynamic_gather %add3A_250[%gather3A_254] in [0] : vector<16xf32>, vector<16xi32> -> vector<16xf32>
        %add3A_256 = arith.addf %add3A_250, %gather3A_255 : vector<16xf32>
        %broadcast_in_dim3A_257 = vector.shape_cast %and3A_39 : vector<16xi32> to vector<16x1xi32>
        %gather3A_258 = vector.shape_cast %broadcast_in_dim3A_257 : vector<16x1xi32> to vector<16xi32>
        %gather3A_259 = tpu.dynamic_gather %add3A_252[%gather3A_258] in [0] : vector<16xf32>, vector<16xi32> -> vector<16xf32>
        %add3A_260 = arith.addf %add3A_252, %gather3A_259 : vector<16xf32>
        %broadcast_in_dim3A_261 = vector.shape_cast %and3A_39 : vector<16xi32> to vector<16x1xi32>
        %gather3A_262 = vector.shape_cast %broadcast_in_dim3A_261 : vector<16x1xi32> to vector<16xi32>
        %gather3A_263 = tpu.dynamic_gather %add3A_256[%gather3A_262] in [0] : vector<16xf32>, vector<16xi32> -> vector<16xf32>
        %add3A_264 = arith.addf %add3A_256, %gather3A_263 : vector<16xf32>
        %broadcast_in_dim3A_265 = vector.shape_cast %and3A_45 : vector<16xi32> to vector<16x1xi32>
        %gather3A_266 = vector.shape_cast %broadcast_in_dim3A_265 : vector<16x1xi32> to vector<16xi32>
        %gather3A_267 = tpu.dynamic_gather %add3A_260[%gather3A_266] in [0] : vector<16xf32>, vector<16xi32> -> vector<16xf32>
        %add3A_268 = arith.addf %add3A_260, %gather3A_267 : vector<16xf32>
        %broadcast_in_dim3A_269 = vector.shape_cast %and3A_45 : vector<16xi32> to vector<16x1xi32>
        %gather3A_270 = vector.shape_cast %broadcast_in_dim3A_269 : vector<16x1xi32> to vector<16xi32>
        %gather3A_271 = tpu.dynamic_gather %add3A_264[%gather3A_270] in [0] : vector<16xf32>, vector<16xi32> -> vector<16xf32>
        %add3A_272 = arith.addf %add3A_264, %gather3A_271 : vector<16xf32>
        %broadcast_in_dim3A_273 = vector.shape_cast %and3A_51 : vector<16xi32> to vector<16x1xi32>
        %gather3A_274 = vector.shape_cast %broadcast_in_dim3A_273 : vector<16x1xi32> to vector<16xi32>
        %gather3A_275 = tpu.dynamic_gather %add3A_268[%gather3A_274] in [0] : vector<16xf32>, vector<16xi32> -> vector<16xf32>
        %add3A_276 = arith.addf %add3A_268, %gather3A_275 : vector<16xf32>
        %broadcast_in_dim3A_277 = vector.shape_cast %and3A_51 : vector<16xi32> to vector<16x1xi32>
        %gather3A_278 = vector.shape_cast %broadcast_in_dim3A_277 : vector<16x1xi32> to vector<16xi32>
        %gather3A_279 = tpu.dynamic_gather %add3A_272[%gather3A_278] in [0] : vector<16xf32>, vector<16xi32> -> vector<16xf32>
        %add3A_280 = arith.addf %add3A_272, %gather3A_279 : vector<16xf32>
        %mul3A_281 = arith.constant 1.562500e-02 : f32
        %mul3A_282 = vector.broadcast %mul3A_281 : f32 to vector<16xf32>
        %mul3A_283 = arith.mulf %add3A_276, %mul3A_282 : vector<16xf32>
        %mul3A_284 = arith.constant 1.562500e-02 : f32
        %mul3A_285 = vector.broadcast %mul3A_284 : f32 to vector<16xf32>
        %mul3A_286 = arith.mulf %add3A_280, %mul3A_285 : vector<16xf32>
        %mul3A_287 = arith.mulf %mul3A_283, %mul3A_283 : vector<16xf32>
        %sub3A = arith.subf %mul3A_286, %mul3A_287 : vector<16xf32>
        %add3A_288 = arith.constant 9.99999996E-13 : f32
        %add3A_289 = vector.broadcast %add3A_288 : f32 to vector<16xf32>
        %add3A_290 = arith.addf %sub3A, %add3A_289 : vector<16xf32>
        %broadcast_in_dim3A_291 = arith.constant 1597463007 : i32
        %broadcast_in_dim3A_292 = vector.broadcast %broadcast_in_dim3A_291 : i32 to vector<16xi32>
        %mul3A_293 = arith.constant 5.000000e-01 : f32
        %mul3A_294 = vector.broadcast %mul3A_293 : f32 to vector<16xf32>
        %mul3A_295 = arith.mulf %add3A_290, %mul3A_294 : vector<16xf32>
        %bitcast_convert_type3A = tpu.bitcast %add3A_290 : vector<16xf32> -> vector<16xi32>
        %shift_right_logical3A = arith.constant 1 : i32
        %shift_right_logical3A_296 = vector.broadcast %shift_right_logical3A : i32 to vector<16xi32>
        %shift_right_logical3A_297 = arith.shrui %bitcast_convert_type3A, %shift_right_logical3A_296 : vector<16xi32>
        %sub3A_298 = arith.subi %broadcast_in_dim3A_292, %shift_right_logical3A_297 : vector<16xi32>
        %bitcast_convert_type3A_299 = tpu.bitcast %sub3A_298 : vector<16xi32> -> vector<16xf32>
        %mul3A_300 = arith.mulf %mul3A_295, %bitcast_convert_type3A_299 : vector<16xf32>
        %mul3A_301 = arith.mulf %mul3A_300, %bitcast_convert_type3A_299 : vector<16xf32>
        %sub3A_302 = arith.constant 1.500000e+00 : f32
        %sub3A_303 = vector.broadcast %sub3A_302 : f32 to vector<16xf32>
        %sub3A_304 = arith.subf %sub3A_303, %mul3A_301 : vector<16xf32>
        %mul3A_305 = arith.mulf %bitcast_convert_type3A_299, %sub3A_304 : vector<16xf32>
        %mul3A_306 = arith.mulf %mul3A_295, %mul3A_305 : vector<16xf32>
        %mul3A_307 = arith.mulf %mul3A_306, %mul3A_305 : vector<16xf32>
        %sub3A_308 = arith.constant 1.500000e+00 : f32
        %sub3A_309 = vector.broadcast %sub3A_308 : f32 to vector<16xf32>
        %sub3A_310 = arith.subf %sub3A_309, %mul3A_307 : vector<16xf32>
        %mul3A_311 = arith.mulf %mul3A_305, %sub3A_310 : vector<16xf32>
        %sub3A_312 = arith.subf %add3A_213, %mul3A_283 : vector<16xf32>
        %mul3A_313 = arith.mulf %sub3A_312, %mul3A_311 : vector<16xf32>
        %mul3A_314 = arith.mulf %mul3A_313, %get3A_7 : vector<16xf32>
        %add3A_315 = arith.addf %mul3A_314, %get3A_19 : vector<16xf32>
        %swap3A = arith.index_cast %add3A_204 : i32 to index
        %swap3A_316 = arith.constant 0 : index
        %swap3A_317 = tpu.vector_load %arg14[%swap3A, %swap3A_316] {strides = array<i32>} : memref<200x64xf32, #tpu.memory_space<vmem>>, vector<1x16xf32>,
        %swap3A_318 = vector.shape_cast %swap3A_317 : vector<1x16xf32> to vector<16xf32>
        %swap3A_319 = vector.shape_cast %add3A_315 : vector<16xf32> to vector<1x16xf32>
        tpu.vector_store %arg14[%swap3A, %swap3A_316], %swap3A_319 {strides = array<i32>} : memref<200x64xf32, #tpu.memory_space<vmem>>, vector<1x16xf32>,
        %sub3A_320 = arith.subf %add3A_222, %mul3A_283 : vector<16xf32>
        %mul3A_321 = arith.mulf %sub3A_320, %mul3A_311 : vector<16xf32>
        %mul3A_322 = arith.mulf %mul3A_321, %get3A_10 : vector<16xf32>
        %add3A_323 = arith.addf %mul3A_322, %get3A_22 : vector<16xf32>
        %swap3A_324 = arith.index_cast %add3A_204 : i32 to index
        %swap3A_325 = arith.constant 16 : index
        %swap3A_326 = tpu.vector_load %arg14[%swap3A_324, %swap3A_325] {strides = array<i32>} : memref<200x64xf32, #tpu.memory_space<vmem>>, vector<1x16xf32>,
        %swap3A_327 = vector.shape_cast %swap3A_326 : vector<1x16xf32> to vector<16xf32>
        %swap3A_328 = vector.shape_cast %add3A_323 : vector<16xf32> to vector<1x16xf32>
        tpu.vector_store %arg14[%swap3A_324, %swap3A_325], %swap3A_328 {strides = array<i32>} : memref<200x64xf32, #tpu.memory_space<vmem>>, vector<1x16xf32>,
        %sub3A_329 = arith.subf %add3A_231, %mul3A_283 : vector<16xf32>
        %mul3A_330 = arith.mulf %sub3A_329, %mul3A_311 : vector<16xf32>
        %mul3A_331 = arith.mulf %mul3A_330, %get3A_13 : vector<16xf32>
        %add3A_332 = arith.addf %mul3A_331, %get3A_25 : vector<16xf32>
        %swap3A_333 = arith.index_cast %add3A_204 : i32 to index
        %swap3A_334 = arith.constant 32 : index
        %swap3A_335 = tpu.vector_load %arg14[%swap3A_333, %swap3A_334] {strides = array<i32>} : memref<200x64xf32, #tpu.memory_space<vmem>>, vector<1x16xf32>,
        %swap3A_336 = vector.shape_cast %swap3A_335 : vector<1x16xf32> to vector<16xf32>
        %swap3A_337 = vector.shape_cast %add3A_332 : vector<16xf32> to vector<1x16xf32>
        tpu.vector_store %arg14[%swap3A_333, %swap3A_334], %swap3A_337 {strides = array<i32>} : memref<200x64xf32, #tpu.memory_space<vmem>>, vector<1x16xf32>,
        %sub3A_338 = arith.subf %add3A_240, %mul3A_283 : vector<16xf32>
        %mul3A_339 = arith.mulf %sub3A_338, %mul3A_311 : vector<16xf32>
        %mul3A_340 = arith.mulf %mul3A_339, %get3A_16 : vector<16xf32>
        %add3A_341 = arith.addf %mul3A_340, %get3A_28 : vector<16xf32>
        %swap3A_342 = arith.index_cast %add3A_204 : i32 to index
        %swap3A_343 = arith.constant 48 : index
        %swap3A_344 = tpu.vector_load %arg14[%swap3A_342, %swap3A_343] {strides = array<i32>} : memref<200x64xf32, #tpu.memory_space<vmem>>, vector<1x16xf32>,
        %swap3A_345 = vector.shape_cast %swap3A_344 : vector<1x16xf32> to vector<16xf32>
        %swap3A_346 = vector.shape_cast %add3A_341 : vector<16xf32> to vector<1x16xf32>
        tpu.vector_store %arg14[%swap3A_342, %swap3A_343], %swap3A_346 {strides = array<i32>} : memref<200x64xf32, #tpu.memory_space<vmem>>, vector<1x16xf32>,
        %add3A_347 = arith.constant 1 : i32
        %add3A_348 = arith.addi %mul3A_202, %add3A_347 : i32
        %get3A_349 = arith.index_cast %add3A_348 : i32 to index
        %get3A_350 = arith.constant 0 : index
        %get3A_351 = tpu.vector_load %arg12[%get3A_349, %get3A_350] {strides = array<i32>} : memref<200x64xf32, #tpu.memory_space<vmem>>, vector<1x16xf32>,
        %get3A_352 = vector.shape_cast %get3A_351 : vector<1x16xf32> to vector<16xf32>
        %get3A_353 = arith.index_cast %add3A_348 : i32 to index
        %get3A_354 = arith.constant 0 : index
        %get3A_355 = tpu.vector_load %arg8[%get3A_353, %get3A_354] {strides = array<i32>} : memref<200x64xf32, #tpu.memory_space<vmem>>, vector<1x16xf32>,
        %get3A_356 = vector.shape_cast %get3A_355 : vector<1x16xf32> to vector<16xf32>
        %add3A_357 = arith.addf %get3A_352, %get3A_356 : vector<16xf32>
        %get3A_358 = arith.index_cast %add3A_348 : i32 to index
        %get3A_359 = arith.constant 16 : index
        %get3A_360 = tpu.vector_load %arg12[%get3A_358, %get3A_359] {strides = array<i32>} : memref<200x64xf32, #tpu.memory_space<vmem>>, vector<1x16xf32>,
        %get3A_361 = vector.shape_cast %get3A_360 : vector<1x16xf32> to vector<16xf32>
        %get3A_362 = arith.index_cast %add3A_348 : i32 to index
        %get3A_363 = arith.constant 16 : index
        %get3A_364 = tpu.vector_load %arg8[%get3A_362, %get3A_363] {strides = array<i32>} : memref<200x64xf32, #tpu.memory_space<vmem>>, vector<1x16xf32>,
        %get3A_365 = vector.shape_cast %get3A_364 : vector<1x16xf32> to vector<16xf32>
        %add3A_366 = arith.addf %get3A_361, %get3A_365 : vector<16xf32>
        %get3A_367 = arith.index_cast %add3A_348 : i32 to index
        %get3A_368 = arith.constant 32 : index
        %get3A_369 = tpu.vector_load %arg12[%get3A_367, %get3A_368] {strides = array<i32>} : memref<200x64xf32, #tpu.memory_space<vmem>>, vector<1x16xf32>,
        %get3A_370 = vector.shape_cast %get3A_369 : vector<1x16xf32> to vector<16xf32>
        %get3A_371 = arith.index_cast %add3A_348 : i32 to index
        %get3A_372 = arith.constant 32 : index
        %get3A_373 = tpu.vector_load %arg8[%get3A_371, %get3A_372] {strides = array<i32>} : memref<200x64xf32, #tpu.memory_space<vmem>>, vector<1x16xf32>,
        %get3A_374 = vector.shape_cast %get3A_373 : vector<1x16xf32> to vector<16xf32>
        %add3A_375 = arith.addf %get3A_370, %get3A_374 : vector<16xf32>
        %get3A_376 = arith.index_cast %add3A_348 : i32 to index
        %get3A_377 = arith.constant 48 : index
        %get3A_378 = tpu.vector_load %arg12[%get3A_376, %get3A_377] {strides = array<i32>} : memref<200x64xf32, #tpu.memory_space<vmem>>, vector<1x16xf32>,
        %get3A_379 = vector.shape_cast %get3A_378 : vector<1x16xf32> to vector<16xf32>
        %get3A_380 = arith.index_cast %add3A_348 : i32 to index
        %get3A_381 = arith.constant 48 : index
        %get3A_382 = tpu.vector_load %arg8[%get3A_380, %get3A_381] {strides = array<i32>} : memref<200x64xf32, #tpu.memory_space<vmem>>, vector<1x16xf32>,
        %get3A_383 = vector.shape_cast %get3A_382 : vector<1x16xf32> to vector<16xf32>
        %add3A_384 = arith.addf %get3A_379, %get3A_383 : vector<16xf32>
        %add3A_385 = arith.addf %add3A_357, %add3A_366 : vector<16xf32>
        %add3A_386 = arith.addf %add3A_375, %add3A_384 : vector<16xf32>
        %add3A_387 = arith.addf %add3A_385, %add3A_386 : vector<16xf32>
        %mul3A_388 = arith.mulf %add3A_357, %add3A_357 : vector<16xf32>
        %mul3A_389 = arith.mulf %add3A_366, %add3A_366 : vector<16xf32>
        %add3A_390 = arith.addf %mul3A_388, %mul3A_389 : vector<16xf32>
        %mul3A_391 = arith.mulf %add3A_375, %add3A_375 : vector<16xf32>
        %mul3A_392 = arith.mulf %add3A_384, %add3A_384 : vector<16xf32>
        %add3A_393 = arith.addf %mul3A_391, %mul3A_392 : vector<16xf32>
        %add3A_394 = arith.addf %add3A_390, %add3A_393 : vector<16xf32>
        %broadcast_in_dim3A_395 = vector.shape_cast %and3A_33 : vector<16xi32> to vector<16x1xi32>
        %gather3A_396 = vector.shape_cast %broadcast_in_dim3A_395 : vector<16x1xi32> to vector<16xi32>
        %gather3A_397 = tpu.dynamic_gather %add3A_387[%gather3A_396] in [0] : vector<16xf32>, vector<16xi32> -> vector<16xf32>
        %add3A_398 = arith.addf %add3A_387, %gather3A_397 : vector<16xf32>
        %broadcast_in_dim3A_399 = vector.shape_cast %and3A_33 : vector<16xi32> to vector<16x1xi32>
        %gather3A_400 = vector.shape_cast %broadcast_in_dim3A_399 : vector<16x1xi32> to vector<16xi32>
        %gather3A_401 = tpu.dynamic_gather %add3A_394[%gather3A_400] in [0] : vector<16xf32>, vector<16xi32> -> vector<16xf32>
        %add3A_402 = arith.addf %add3A_394, %gather3A_401 : vector<16xf32>
        %broadcast_in_dim3A_403 = vector.shape_cast %and3A_39 : vector<16xi32> to vector<16x1xi32>
        %gather3A_404 = vector.shape_cast %broadcast_in_dim3A_403 : vector<16x1xi32> to vector<16xi32>
        %gather3A_405 = tpu.dynamic_gather %add3A_398[%gather3A_404] in [0] : vector<16xf32>, vector<16xi32> -> vector<16xf32>
        %add3A_406 = arith.addf %add3A_398, %gather3A_405 : vector<16xf32>
        %broadcast_in_dim3A_407 = vector.shape_cast %and3A_39 : vector<16xi32> to vector<16x1xi32>
        %gather3A_408 = vector.shape_cast %broadcast_in_dim3A_407 : vector<16x1xi32> to vector<16xi32>
        %gather3A_409 = tpu.dynamic_gather %add3A_402[%gather3A_408] in [0] : vector<16xf32>, vector<16xi32> -> vector<16xf32>
        %add3A_410 = arith.addf %add3A_402, %gather3A_409 : vector<16xf32>
        %broadcast_in_dim3A_411 = vector.shape_cast %and3A_45 : vector<16xi32> to vector<16x1xi32>
        %gather3A_412 = vector.shape_cast %broadcast_in_dim3A_411 : vector<16x1xi32> to vector<16xi32>
        %gather3A_413 = tpu.dynamic_gather %add3A_406[%gather3A_412] in [0] : vector<16xf32>, vector<16xi32> -> vector<16xf32>
        %add3A_414 = arith.addf %add3A_406, %gather3A_413 : vector<16xf32>
        %broadcast_in_dim3A_415 = vector.shape_cast %and3A_45 : vector<16xi32> to vector<16x1xi32>
        %gather3A_416 = vector.shape_cast %broadcast_in_dim3A_415 : vector<16x1xi32> to vector<16xi32>
        %gather3A_417 = tpu.dynamic_gather %add3A_410[%gather3A_416] in [0] : vector<16xf32>, vector<16xi32> -> vector<16xf32>
        %add3A_418 = arith.addf %add3A_410, %gather3A_417 : vector<16xf32>
        %broadcast_in_dim3A_419 = vector.shape_cast %and3A_51 : vector<16xi32> to vector<16x1xi32>
        %gather3A_420 = vector.shape_cast %broadcast_in_dim3A_419 : vector<16x1xi32> to vector<16xi32>
        %gather3A_421 = tpu.dynamic_gather %add3A_414[%gather3A_420] in [0] : vector<16xf32>, vector<16xi32> -> vector<16xf32>
        %add3A_422 = arith.addf %add3A_414, %gather3A_421 : vector<16xf32>
        %broadcast_in_dim3A_423 = vector.shape_cast %and3A_51 : vector<16xi32> to vector<16x1xi32>
        %gather3A_424 = vector.shape_cast %broadcast_in_dim3A_423 : vector<16x1xi32> to vector<16xi32>
        %gather3A_425 = tpu.dynamic_gather %add3A_418[%gather3A_424] in [0] : vector<16xf32>, vector<16xi32> -> vector<16xf32>
        %add3A_426 = arith.addf %add3A_418, %gather3A_425 : vector<16xf32>
        %mul3A_427 = arith.constant 1.562500e-02 : f32
        %mul3A_428 = vector.broadcast %mul3A_427 : f32 to vector<16xf32>
        %mul3A_429 = arith.mulf %add3A_422, %mul3A_428 : vector<16xf32>
        %mul3A_430 = arith.constant 1.562500e-02 : f32
        %mul3A_431 = vector.broadcast %mul3A_430 : f32 to vector<16xf32>
        %mul3A_432 = arith.mulf %add3A_426, %mul3A_431 : vector<16xf32>
        %mul3A_433 = arith.mulf %mul3A_429, %mul3A_429 : vector<16xf32>
        %sub3A_434 = arith.subf %mul3A_432, %mul3A_433 : vector<16xf32>
        %add3A_435 = arith.constant 9.99999996E-13 : f32
        %add3A_436 = vector.broadcast %add3A_435 : f32 to vector<16xf32>
        %add3A_437 = arith.addf %sub3A_434, %add3A_436 : vector<16xf32>
        %broadcast_in_dim3A_438 = arith.constant 1597463007 : i32
        %broadcast_in_dim3A_439 = vector.broadcast %broadcast_in_dim3A_438 : i32 to vector<16xi32>
        %mul3A_440 = arith.constant 5.000000e-01 : f32
        %mul3A_441 = vector.broadcast %mul3A_440 : f32 to vector<16xf32>
        %mul3A_442 = arith.mulf %add3A_437, %mul3A_441 : vector<16xf32>
        %bitcast_convert_type3A_443 = tpu.bitcast %add3A_437 : vector<16xf32> -> vector<16xi32>
        %shift_right_logical3A_444 = arith.constant 1 : i32
        %shift_right_logical3A_445 = vector.broadcast %shift_right_logical3A_444 : i32 to vector<16xi32>
        %shift_right_logical3A_446 = arith.shrui %bitcast_convert_type3A_443, %shift_right_logical3A_445 : vector<16xi32>
        %sub3A_447 = arith.subi %broadcast_in_dim3A_439, %shift_right_logical3A_446 : vector<16xi32>
        %bitcast_convert_type3A_448 = tpu.bitcast %sub3A_447 : vector<16xi32> -> vector<16xf32>
        %mul3A_449 = arith.mulf %mul3A_442, %bitcast_convert_type3A_448 : vector<16xf32>
        %mul3A_450 = arith.mulf %mul3A_449, %bitcast_convert_type3A_448 : vector<16xf32>
        %sub3A_451 = arith.constant 1.500000e+00 : f32
        %sub3A_452 = vector.broadcast %sub3A_451 : f32 to vector<16xf32>
        %sub3A_453 = arith.subf %sub3A_452, %mul3A_450 : vector<16xf32>
        %mul3A_454 = arith.mulf %bitcast_convert_type3A_448, %sub3A_453 : vector<16xf32>
        %mul3A_455 = arith.mulf %mul3A_442, %mul3A_454 : vector<16xf32>
        %mul3A_456 = arith.mulf %mul3A_455, %mul3A_454 : vector<16xf32>
        %sub3A_457 = arith.constant 1.500000e+00 : f32
        %sub3A_458 = vector.broadcast %sub3A_457 : f32 to vector<16xf32>
        %sub3A_459 = arith.subf %sub3A_458, %mul3A_456 : vector<16xf32>
        %mul3A_460 = arith.mulf %mul3A_454, %sub3A_459 : vector<16xf32>
        %sub3A_461 = arith.subf %add3A_357, %mul3A_429 : vector<16xf32>
        %mul3A_462 = arith.mulf %sub3A_461, %mul3A_460 : vector<16xf32>
        %mul3A_463 = arith.mulf %mul3A_462, %get3A_7 : vector<16xf32>
        %add3A_464 = arith.addf %mul3A_463, %get3A_19 : vector<16xf32>
        %swap3A_465 = arith.index_cast %add3A_348 : i32 to index
        %swap3A_466 = arith.constant 0 : index
        %swap3A_467 = tpu.vector_load %arg14[%swap3A_465, %swap3A_466] {strides = array<i32>} : memref<200x64xf32, #tpu.memory_space<vmem>>, vector<1x16xf32>,
        %swap3A_468 = vector.shape_cast %swap3A_467 : vector<1x16xf32> to vector<16xf32>
        %swap3A_469 = vector.shape_cast %add3A_464 : vector<16xf32> to vector<1x16xf32>
        tpu.vector_store %arg14[%swap3A_465, %swap3A_466], %swap3A_469 {strides = array<i32>} : memref<200x64xf32, #tpu.memory_space<vmem>>, vector<1x16xf32>,
        %sub3A_470 = arith.subf %add3A_366, %mul3A_429 : vector<16xf32>
        %mul3A_471 = arith.mulf %sub3A_470, %mul3A_460 : vector<16xf32>
        %mul3A_472 = arith.mulf %mul3A_471, %get3A_10 : vector<16xf32>
        %add3A_473 = arith.addf %mul3A_472, %get3A_22 : vector<16xf32>
        %swap3A_474 = arith.index_cast %add3A_348 : i32 to index
        %swap3A_475 = arith.constant 16 : index
        %swap3A_476 = tpu.vector_load %arg14[%swap3A_474, %swap3A_475] {strides = array<i32>} : memref<200x64xf32, #tpu.memory_space<vmem>>, vector<1x16xf32>,
        %swap3A_477 = vector.shape_cast %swap3A_476 : vector<1x16xf32> to vector<16xf32>
        %swap3A_478 = vector.shape_cast %add3A_473 : vector<16xf32> to vector<1x16xf32>
        tpu.vector_store %arg14[%swap3A_474, %swap3A_475], %swap3A_478 {strides = array<i32>} : memref<200x64xf32, #tpu.memory_space<vmem>>, vector<1x16xf32>,
        %sub3A_479 = arith.subf %add3A_375, %mul3A_429 : vector<16xf32>
        %mul3A_480 = arith.mulf %sub3A_479, %mul3A_460 : vector<16xf32>
        %mul3A_481 = arith.mulf %mul3A_480, %get3A_13 : vector<16xf32>
        %add3A_482 = arith.addf %mul3A_481, %get3A_25 : vector<16xf32>
        %swap3A_483 = arith.index_cast %add3A_348 : i32 to index
        %swap3A_484 = arith.constant 32 : index
        %swap3A_485 = tpu.vector_load %arg14[%swap3A_483, %swap3A_484] {strides = array<i32>} : memref<200x64xf32, #tpu.memory_space<vmem>>, vector<1x16xf32>,
        %swap3A_486 = vector.shape_cast %swap3A_485 : vector<1x16xf32> to vector<16xf32>
        %swap3A_487 = vector.shape_cast %add3A_482 : vector<16xf32> to vector<1x16xf32>
        tpu.vector_store %arg14[%swap3A_483, %swap3A_484], %swap3A_487 {strides = array<i32>} : memref<200x64xf32, #tpu.memory_space<vmem>>, vector<1x16xf32>,
        %sub3A_488 = arith.subf %add3A_384, %mul3A_429 : vector<16xf32>
        %mul3A_489 = arith.mulf %sub3A_488, %mul3A_460 : vector<16xf32>
        %mul3A_490 = arith.mulf %mul3A_489, %get3A_16 : vector<16xf32>
        %add3A_491 = arith.addf %mul3A_490, %get3A_28 : vector<16xf32>
        %swap3A_492 = arith.index_cast %add3A_348 : i32 to index
        %swap3A_493 = arith.constant 48 : index
        %swap3A_494 = tpu.vector_load %arg14[%swap3A_492, %swap3A_493] {strides = array<i32>} : memref<200x64xf32, #tpu.memory_space<vmem>>, vector<1x16xf32>,
        %swap3A_495 = vector.shape_cast %swap3A_494 : vector<1x16xf32> to vector<16xf32>
        %swap3A_496 = vector.shape_cast %add3A_491 : vector<16xf32> to vector<1x16xf32>
        tpu.vector_store %arg14[%swap3A_492, %swap3A_493], %swap3A_496 {strides = array<i32>} : memref<200x64xf32, #tpu.memory_space<vmem>>, vector<1x16xf32>,
        %add3A_497 = arith.constant 2 : i32
        %add3A_498 = arith.addi %mul3A_202, %add3A_497 : i32
        %get3A_499 = arith.index_cast %add3A_498 : i32 to index
        %get3A_500 = arith.constant 0 : index
        %get3A_501 = tpu.vector_load %arg12[%get3A_499, %get3A_500] {strides = array<i32>} : memref<200x64xf32, #tpu.memory_space<vmem>>, vector<1x16xf32>,
        %get3A_502 = vector.shape_cast %get3A_501 : vector<1x16xf32> to vector<16xf32>
        %get3A_503 = arith.index_cast %add3A_498 : i32 to index
        %get3A_504 = arith.constant 0 : index
        %get3A_505 = tpu.vector_load %arg8[%get3A_503, %get3A_504] {strides = array<i32>} : memref<200x64xf32, #tpu.memory_space<vmem>>, vector<1x16xf32>,
        %get3A_506 = vector.shape_cast %get3A_505 : vector<1x16xf32> to vector<16xf32>
        %add3A_507 = arith.addf %get3A_502, %get3A_506 : vector<16xf32>
        %get3A_508 = arith.index_cast %add3A_498 : i32 to index
        %get3A_509 = arith.constant 16 : index
        %get3A_510 = tpu.vector_load %arg12[%get3A_508, %get3A_509] {strides = array<i32>} : memref<200x64xf32, #tpu.memory_space<vmem>>, vector<1x16xf32>,
        %get3A_511 = vector.shape_cast %get3A_510 : vector<1x16xf32> to vector<16xf32>
        %get3A_512 = arith.index_cast %add3A_498 : i32 to index
        %get3A_513 = arith.constant 16 : index
        %get3A_514 = tpu.vector_load %arg8[%get3A_512, %get3A_513] {strides = array<i32>} : memref<200x64xf32, #tpu.memory_space<vmem>>, vector<1x16xf32>,
        %get3A_515 = vector.shape_cast %get3A_514 : vector<1x16xf32> to vector<16xf32>
        %add3A_516 = arith.addf %get3A_511, %get3A_515 : vector<16xf32>
        %get3A_517 = arith.index_cast %add3A_498 : i32 to index
        %get3A_518 = arith.constant 32 : index
        %get3A_519 = tpu.vector_load %arg12[%get3A_517, %get3A_518] {strides = array<i32>} : memref<200x64xf32, #tpu.memory_space<vmem>>, vector<1x16xf32>,
        %get3A_520 = vector.shape_cast %get3A_519 : vector<1x16xf32> to vector<16xf32>
        %get3A_521 = arith.index_cast %add3A_498 : i32 to index
        %get3A_522 = arith.constant 32 : index
        %get3A_523 = tpu.vector_load %arg8[%get3A_521, %get3A_522] {strides = array<i32>} : memref<200x64xf32, #tpu.memory_space<vmem>>, vector<1x16xf32>,
        %get3A_524 = vector.shape_cast %get3A_523 : vector<1x16xf32> to vector<16xf32>
        %add3A_525 = arith.addf %get3A_520, %get3A_524 : vector<16xf32>
        %get3A_526 = arith.index_cast %add3A_498 : i32 to index
        %get3A_527 = arith.constant 48 : index
        %get3A_528 = tpu.vector_load %arg12[%get3A_526, %get3A_527] {strides = array<i32>} : memref<200x64xf32, #tpu.memory_space<vmem>>, vector<1x16xf32>,
        %get3A_529 = vector.shape_cast %get3A_528 : vector<1x16xf32> to vector<16xf32>
        %get3A_530 = arith.index_cast %add3A_498 : i32 to index
        %get3A_531 = arith.constant 48 : index
        %get3A_532 = tpu.vector_load %arg8[%get3A_530, %get3A_531] {strides = array<i32>} : memref<200x64xf32, #tpu.memory_space<vmem>>, vector<1x16xf32>,
        %get3A_533 = vector.shape_cast %get3A_532 : vector<1x16xf32> to vector<16xf32>
        %add3A_534 = arith.addf %get3A_529, %get3A_533 : vector<16xf32>
        %add3A_535 = arith.addf %add3A_507, %add3A_516 : vector<16xf32>
        %add3A_536 = arith.addf %add3A_525, %add3A_534 : vector<16xf32>
        %add3A_537 = arith.addf %add3A_535, %add3A_536 : vector<16xf32>
        %mul3A_538 = arith.mulf %add3A_507, %add3A_507 : vector<16xf32>
        %mul3A_539 = arith.mulf %add3A_516, %add3A_516 : vector<16xf32>
        %add3A_540 = arith.addf %mul3A_538, %mul3A_539 : vector<16xf32>
        %mul3A_541 = arith.mulf %add3A_525, %add3A_525 : vector<16xf32>
        %mul3A_542 = arith.mulf %add3A_534, %add3A_534 : vector<16xf32>
        %add3A_543 = arith.addf %mul3A_541, %mul3A_542 : vector<16xf32>
        %add3A_544 = arith.addf %add3A_540, %add3A_543 : vector<16xf32>
        %broadcast_in_dim3A_545 = vector.shape_cast %and3A_33 : vector<16xi32> to vector<16x1xi32>
        %gather3A_546 = vector.shape_cast %broadcast_in_dim3A_545 : vector<16x1xi32> to vector<16xi32>
        %gather3A_547 = tpu.dynamic_gather %add3A_537[%gather3A_546] in [0] : vector<16xf32>, vector<16xi32> -> vector<16xf32>
        %add3A_548 = arith.addf %add3A_537, %gather3A_547 : vector<16xf32>
        %broadcast_in_dim3A_549 = vector.shape_cast %and3A_33 : vector<16xi32> to vector<16x1xi32>
        %gather3A_550 = vector.shape_cast %broadcast_in_dim3A_549 : vector<16x1xi32> to vector<16xi32>
        %gather3A_551 = tpu.dynamic_gather %add3A_544[%gather3A_550] in [0] : vector<16xf32>, vector<16xi32> -> vector<16xf32>
        %add3A_552 = arith.addf %add3A_544, %gather3A_551 : vector<16xf32>
        %broadcast_in_dim3A_553 = vector.shape_cast %and3A_39 : vector<16xi32> to vector<16x1xi32>
        %gather3A_554 = vector.shape_cast %broadcast_in_dim3A_553 : vector<16x1xi32> to vector<16xi32>
        %gather3A_555 = tpu.dynamic_gather %add3A_548[%gather3A_554] in [0] : vector<16xf32>, vector<16xi32> -> vector<16xf32>
        %add3A_556 = arith.addf %add3A_548, %gather3A_555 : vector<16xf32>
        %broadcast_in_dim3A_557 = vector.shape_cast %and3A_39 : vector<16xi32> to vector<16x1xi32>
        %gather3A_558 = vector.shape_cast %broadcast_in_dim3A_557 : vector<16x1xi32> to vector<16xi32>
        %gather3A_559 = tpu.dynamic_gather %add3A_552[%gather3A_558] in [0] : vector<16xf32>, vector<16xi32> -> vector<16xf32>
        %add3A_560 = arith.addf %add3A_552, %gather3A_559 : vector<16xf32>
        %broadcast_in_dim3A_561 = vector.shape_cast %and3A_45 : vector<16xi32> to vector<16x1xi32>
        %gather3A_562 = vector.shape_cast %broadcast_in_dim3A_561 : vector<16x1xi32> to vector<16xi32>
        %gather3A_563 = tpu.dynamic_gather %add3A_556[%gather3A_562] in [0] : vector<16xf32>, vector<16xi32> -> vector<16xf32>
        %add3A_564 = arith.addf %add3A_556, %gather3A_563 : vector<16xf32>
        %broadcast_in_dim3A_565 = vector.shape_cast %and3A_45 : vector<16xi32> to vector<16x1xi32>
        %gather3A_566 = vector.shape_cast %broadcast_in_dim3A_565 : vector<16x1xi32> to vector<16xi32>
        %gather3A_567 = tpu.dynamic_gather %add3A_560[%gather3A_566] in [0] : vector<16xf32>, vector<16xi32> -> vector<16xf32>
        %add3A_568 = arith.addf %add3A_560, %gather3A_567 : vector<16xf32>
        %broadcast_in_dim3A_569 = vector.shape_cast %and3A_51 : vector<16xi32> to vector<16x1xi32>
        %gather3A_570 = vector.shape_cast %broadcast_in_dim3A_569 : vector<16x1xi32> to vector<16xi32>
        %gather3A_571 = tpu.dynamic_gather %add3A_564[%gather3A_570] in [0] : vector<16xf32>, vector<16xi32> -> vector<16xf32>
        %add3A_572 = arith.addf %add3A_564, %gather3A_571 : vector<16xf32>
        %broadcast_in_dim3A_573 = vector.shape_cast %and3A_51 : vector<16xi32> to vector<16x1xi32>
        %gather3A_574 = vector.shape_cast %broadcast_in_dim3A_573 : vector<16x1xi32> to vector<16xi32>
        %gather3A_575 = tpu.dynamic_gather %add3A_568[%gather3A_574] in [0] : vector<16xf32>, vector<16xi32> -> vector<16xf32>
        %add3A_576 = arith.addf %add3A_568, %gather3A_575 : vector<16xf32>
        %mul3A_577 = arith.constant 1.562500e-02 : f32
        %mul3A_578 = vector.broadcast %mul3A_577 : f32 to vector<16xf32>
        %mul3A_579 = arith.mulf %add3A_572, %mul3A_578 : vector<16xf32>
        %mul3A_580 = arith.constant 1.562500e-02 : f32
        %mul3A_581 = vector.broadcast %mul3A_580 : f32 to vector<16xf32>
        %mul3A_582 = arith.mulf %add3A_576, %mul3A_581 : vector<16xf32>
        %mul3A_583 = arith.mulf %mul3A_579, %mul3A_579 : vector<16xf32>
        %sub3A_584 = arith.subf %mul3A_582, %mul3A_583 : vector<16xf32>
        %add3A_585 = arith.constant 9.99999996E-13 : f32
        %add3A_586 = vector.broadcast %add3A_585 : f32 to vector<16xf32>
        %add3A_587 = arith.addf %sub3A_584, %add3A_586 : vector<16xf32>
        %broadcast_in_dim3A_588 = arith.constant 1597463007 : i32
        %broadcast_in_dim3A_589 = vector.broadcast %broadcast_in_dim3A_588 : i32 to vector<16xi32>
        %mul3A_590 = arith.constant 5.000000e-01 : f32
        %mul3A_591 = vector.broadcast %mul3A_590 : f32 to vector<16xf32>
        %mul3A_592 = arith.mulf %add3A_587, %mul3A_591 : vector<16xf32>
        %bitcast_convert_type3A_593 = tpu.bitcast %add3A_587 : vector<16xf32> -> vector<16xi32>
        %shift_right_logical3A_594 = arith.constant 1 : i32
        %shift_right_logical3A_595 = vector.broadcast %shift_right_logical3A_594 : i32 to vector<16xi32>
        %shift_right_logical3A_596 = arith.shrui %bitcast_convert_type3A_593, %shift_right_logical3A_595 : vector<16xi32>
        %sub3A_597 = arith.subi %broadcast_in_dim3A_589, %shift_right_logical3A_596 : vector<16xi32>
        %bitcast_convert_type3A_598 = tpu.bitcast %sub3A_597 : vector<16xi32> -> vector<16xf32>
        %mul3A_599 = arith.mulf %mul3A_592, %bitcast_convert_type3A_598 : vector<16xf32>
        %mul3A_600 = arith.mulf %mul3A_599, %bitcast_convert_type3A_598 : vector<16xf32>
        %sub3A_601 = arith.constant 1.500000e+00 : f32
        %sub3A_602 = vector.broadcast %sub3A_601 : f32 to vector<16xf32>
        %sub3A_603 = arith.subf %sub3A_602, %mul3A_600 : vector<16xf32>
        %mul3A_604 = arith.mulf %bitcast_convert_type3A_598, %sub3A_603 : vector<16xf32>
        %mul3A_605 = arith.mulf %mul3A_592, %mul3A_604 : vector<16xf32>
        %mul3A_606 = arith.mulf %mul3A_605, %mul3A_604 : vector<16xf32>
        %sub3A_607 = arith.constant 1.500000e+00 : f32
        %sub3A_608 = vector.broadcast %sub3A_607 : f32 to vector<16xf32>
        %sub3A_609 = arith.subf %sub3A_608, %mul3A_606 : vector<16xf32>
        %mul3A_610 = arith.mulf %mul3A_604, %sub3A_609 : vector<16xf32>
        %sub3A_611 = arith.subf %add3A_507, %mul3A_579 : vector<16xf32>
        %mul3A_612 = arith.mulf %sub3A_611, %mul3A_610 : vector<16xf32>
        %mul3A_613 = arith.mulf %mul3A_612, %get3A_7 : vector<16xf32>
        %add3A_614 = arith.addf %mul3A_613, %get3A_19 : vector<16xf32>
        %swap3A_615 = arith.index_cast %add3A_498 : i32 to index
        %swap3A_616 = arith.constant 0 : index
        %swap3A_617 = tpu.vector_load %arg14[%swap3A_615, %swap3A_616] {strides = array<i32>} : memref<200x64xf32, #tpu.memory_space<vmem>>, vector<1x16xf32>,
        %swap3A_618 = vector.shape_cast %swap3A_617 : vector<1x16xf32> to vector<16xf32>
        %swap3A_619 = vector.shape_cast %add3A_614 : vector<16xf32> to vector<1x16xf32>
        tpu.vector_store %arg14[%swap3A_615, %swap3A_616], %swap3A_619 {strides = array<i32>} : memref<200x64xf32, #tpu.memory_space<vmem>>, vector<1x16xf32>,
        %sub3A_620 = arith.subf %add3A_516, %mul3A_579 : vector<16xf32>
        %mul3A_621 = arith.mulf %sub3A_620, %mul3A_610 : vector<16xf32>
        %mul3A_622 = arith.mulf %mul3A_621, %get3A_10 : vector<16xf32>
        %add3A_623 = arith.addf %mul3A_622, %get3A_22 : vector<16xf32>
        %swap3A_624 = arith.index_cast %add3A_498 : i32 to index
        %swap3A_625 = arith.constant 16 : index
        %swap3A_626 = tpu.vector_load %arg14[%swap3A_624, %swap3A_625] {strides = array<i32>} : memref<200x64xf32, #tpu.memory_space<vmem>>, vector<1x16xf32>,
        %swap3A_627 = vector.shape_cast %swap3A_626 : vector<1x16xf32> to vector<16xf32>
        %swap3A_628 = vector.shape_cast %add3A_623 : vector<16xf32> to vector<1x16xf32>
        tpu.vector_store %arg14[%swap3A_624, %swap3A_625], %swap3A_628 {strides = array<i32>} : memref<200x64xf32, #tpu.memory_space<vmem>>, vector<1x16xf32>,
        %sub3A_629 = arith.subf %add3A_525, %mul3A_579 : vector<16xf32>
        %mul3A_630 = arith.mulf %sub3A_629, %mul3A_610 : vector<16xf32>
        %mul3A_631 = arith.mulf %mul3A_630, %get3A_13 : vector<16xf32>
        %add3A_632 = arith.addf %mul3A_631, %get3A_25 : vector<16xf32>
        %swap3A_633 = arith.index_cast %add3A_498 : i32 to index
        %swap3A_634 = arith.constant 32 : index
        %swap3A_635 = tpu.vector_load %arg14[%swap3A_633, %swap3A_634] {strides = array<i32>} : memref<200x64xf32, #tpu.memory_space<vmem>>, vector<1x16xf32>,
        %swap3A_636 = vector.shape_cast %swap3A_635 : vector<1x16xf32> to vector<16xf32>
        %swap3A_637 = vector.shape_cast %add3A_632 : vector<16xf32> to vector<1x16xf32>
        tpu.vector_store %arg14[%swap3A_633, %swap3A_634], %swap3A_637 {strides = array<i32>} : memref<200x64xf32, #tpu.memory_space<vmem>>, vector<1x16xf32>,
        %sub3A_638 = arith.subf %add3A_534, %mul3A_579 : vector<16xf32>
        %mul3A_639 = arith.mulf %sub3A_638, %mul3A_610 : vector<16xf32>
        %mul3A_640 = arith.mulf %mul3A_639, %get3A_16 : vector<16xf32>
        %add3A_641 = arith.addf %mul3A_640, %get3A_28 : vector<16xf32>
        %swap3A_642 = arith.index_cast %add3A_498 : i32 to index
        %swap3A_643 = arith.constant 48 : index
        %swap3A_644 = tpu.vector_load %arg14[%swap3A_642, %swap3A_643] {strides = array<i32>} : memref<200x64xf32, #tpu.memory_space<vmem>>, vector<1x16xf32>,
        %swap3A_645 = vector.shape_cast %swap3A_644 : vector<1x16xf32> to vector<16xf32>
        %swap3A_646 = vector.shape_cast %add3A_641 : vector<16xf32> to vector<1x16xf32>
        tpu.vector_store %arg14[%swap3A_642, %swap3A_643], %swap3A_646 {strides = array<i32>} : memref<200x64xf32, #tpu.memory_space<vmem>>, vector<1x16xf32>,
        %add3A_647 = arith.constant 3 : i32
        %add3A_648 = arith.addi %mul3A_202, %add3A_647 : i32
        %get3A_649 = arith.index_cast %add3A_648 : i32 to index
        %get3A_650 = arith.constant 0 : index
        %get3A_651 = tpu.vector_load %arg12[%get3A_649, %get3A_650] {strides = array<i32>} : memref<200x64xf32, #tpu.memory_space<vmem>>, vector<1x16xf32>,
        %get3A_652 = vector.shape_cast %get3A_651 : vector<1x16xf32> to vector<16xf32>
        %get3A_653 = arith.index_cast %add3A_648 : i32 to index
        %get3A_654 = arith.constant 0 : index
        %get3A_655 = tpu.vector_load %arg8[%get3A_653, %get3A_654] {strides = array<i32>} : memref<200x64xf32, #tpu.memory_space<vmem>>, vector<1x16xf32>,
        %get3A_656 = vector.shape_cast %get3A_655 : vector<1x16xf32> to vector<16xf32>
        %add3A_657 = arith.addf %get3A_652, %get3A_656 : vector<16xf32>
        %get3A_658 = arith.index_cast %add3A_648 : i32 to index
        %get3A_659 = arith.constant 16 : index
        %get3A_660 = tpu.vector_load %arg12[%get3A_658, %get3A_659] {strides = array<i32>} : memref<200x64xf32, #tpu.memory_space<vmem>>, vector<1x16xf32>,
        %get3A_661 = vector.shape_cast %get3A_660 : vector<1x16xf32> to vector<16xf32>
        %get3A_662 = arith.index_cast %add3A_648 : i32 to index
        %get3A_663 = arith.constant 16 : index
        %get3A_664 = tpu.vector_load %arg8[%get3A_662, %get3A_663] {strides = array<i32>} : memref<200x64xf32, #tpu.memory_space<vmem>>, vector<1x16xf32>,
        %get3A_665 = vector.shape_cast %get3A_664 : vector<1x16xf32> to vector<16xf32>
        %add3A_666 = arith.addf %get3A_661, %get3A_665 : vector<16xf32>
        %get3A_667 = arith.index_cast %add3A_648 : i32 to index
        %get3A_668 = arith.constant 32 : index
        %get3A_669 = tpu.vector_load %arg12[%get3A_667, %get3A_668] {strides = array<i32>} : memref<200x64xf32, #tpu.memory_space<vmem>>, vector<1x16xf32>,
        %get3A_670 = vector.shape_cast %get3A_669 : vector<1x16xf32> to vector<16xf32>
        %get3A_671 = arith.index_cast %add3A_648 : i32 to index
        %get3A_672 = arith.constant 32 : index
        %get3A_673 = tpu.vector_load %arg8[%get3A_671, %get3A_672] {strides = array<i32>} : memref<200x64xf32, #tpu.memory_space<vmem>>, vector<1x16xf32>,
        %get3A_674 = vector.shape_cast %get3A_673 : vector<1x16xf32> to vector<16xf32>
        %add3A_675 = arith.addf %get3A_670, %get3A_674 : vector<16xf32>
        %get3A_676 = arith.index_cast %add3A_648 : i32 to index
        %get3A_677 = arith.constant 48 : index
        %get3A_678 = tpu.vector_load %arg12[%get3A_676, %get3A_677] {strides = array<i32>} : memref<200x64xf32, #tpu.memory_space<vmem>>, vector<1x16xf32>,
        %get3A_679 = vector.shape_cast %get3A_678 : vector<1x16xf32> to vector<16xf32>
        %get3A_680 = arith.index_cast %add3A_648 : i32 to index
        %get3A_681 = arith.constant 48 : index
        %get3A_682 = tpu.vector_load %arg8[%get3A_680, %get3A_681] {strides = array<i32>} : memref<200x64xf32, #tpu.memory_space<vmem>>, vector<1x16xf32>,
        %get3A_683 = vector.shape_cast %get3A_682 : vector<1x16xf32> to vector<16xf32>
        %add3A_684 = arith.addf %get3A_679, %get3A_683 : vector<16xf32>
        %add3A_685 = arith.addf %add3A_657, %add3A_666 : vector<16xf32>
        %add3A_686 = arith.addf %add3A_675, %add3A_684 : vector<16xf32>
        %add3A_687 = arith.addf %add3A_685, %add3A_686 : vector<16xf32>
        %mul3A_688 = arith.mulf %add3A_657, %add3A_657 : vector<16xf32>
        %mul3A_689 = arith.mulf %add3A_666, %add3A_666 : vector<16xf32>
        %add3A_690 = arith.addf %mul3A_688, %mul3A_689 : vector<16xf32>
        %mul3A_691 = arith.mulf %add3A_675, %add3A_675 : vector<16xf32>
        %mul3A_692 = arith.mulf %add3A_684, %add3A_684 : vector<16xf32>
        %add3A_693 = arith.addf %mul3A_691, %mul3A_692 : vector<16xf32>
        %add3A_694 = arith.addf %add3A_690, %add3A_693 : vector<16xf32>
        %broadcast_in_dim3A_695 = vector.shape_cast %and3A_33 : vector<16xi32> to vector<16x1xi32>
        %gather3A_696 = vector.shape_cast %broadcast_in_dim3A_695 : vector<16x1xi32> to vector<16xi32>
        %gather3A_697 = tpu.dynamic_gather %add3A_687[%gather3A_696] in [0] : vector<16xf32>, vector<16xi32> -> vector<16xf32>
        %add3A_698 = arith.addf %add3A_687, %gather3A_697 : vector<16xf32>
        %broadcast_in_dim3A_699 = vector.shape_cast %and3A_33 : vector<16xi32> to vector<16x1xi32>
        %gather3A_700 = vector.shape_cast %broadcast_in_dim3A_699 : vector<16x1xi32> to vector<16xi32>
        %gather3A_701 = tpu.dynamic_gather %add3A_694[%gather3A_700] in [0] : vector<16xf32>, vector<16xi32> -> vector<16xf32>
        %add3A_702 = arith.addf %add3A_694, %gather3A_701 : vector<16xf32>
        %broadcast_in_dim3A_703 = vector.shape_cast %and3A_39 : vector<16xi32> to vector<16x1xi32>
        %gather3A_704 = vector.shape_cast %broadcast_in_dim3A_703 : vector<16x1xi32> to vector<16xi32>
        %gather3A_705 = tpu.dynamic_gather %add3A_698[%gather3A_704] in [0] : vector<16xf32>, vector<16xi32> -> vector<16xf32>
        %add3A_706 = arith.addf %add3A_698, %gather3A_705 : vector<16xf32>
        %broadcast_in_dim3A_707 = vector.shape_cast %and3A_39 : vector<16xi32> to vector<16x1xi32>
        %gather3A_708 = vector.shape_cast %broadcast_in_dim3A_707 : vector<16x1xi32> to vector<16xi32>
        %gather3A_709 = tpu.dynamic_gather %add3A_702[%gather3A_708] in [0] : vector<16xf32>, vector<16xi32> -> vector<16xf32>
        %add3A_710 = arith.addf %add3A_702, %gather3A_709 : vector<16xf32>
        %broadcast_in_dim3A_711 = vector.shape_cast %and3A_45 : vector<16xi32> to vector<16x1xi32>
        %gather3A_712 = vector.shape_cast %broadcast_in_dim3A_711 : vector<16x1xi32> to vector<16xi32>
        %gather3A_713 = tpu.dynamic_gather %add3A_706[%gather3A_712] in [0] : vector<16xf32>, vector<16xi32> -> vector<16xf32>
        %add3A_714 = arith.addf %add3A_706, %gather3A_713 : vector<16xf32>
        %broadcast_in_dim3A_715 = vector.shape_cast %and3A_45 : vector<16xi32> to vector<16x1xi32>
        %gather3A_716 = vector.shape_cast %broadcast_in_dim3A_715 : vector<16x1xi32> to vector<16xi32>
        %gather3A_717 = tpu.dynamic_gather %add3A_710[%gather3A_716] in [0] : vector<16xf32>, vector<16xi32> -> vector<16xf32>
        %add3A_718 = arith.addf %add3A_710, %gather3A_717 : vector<16xf32>
        %broadcast_in_dim3A_719 = vector.shape_cast %and3A_51 : vector<16xi32> to vector<16x1xi32>
        %gather3A_720 = vector.shape_cast %broadcast_in_dim3A_719 : vector<16x1xi32> to vector<16xi32>
        %gather3A_721 = tpu.dynamic_gather %add3A_714[%gather3A_720] in [0] : vector<16xf32>, vector<16xi32> -> vector<16xf32>
        %add3A_722 = arith.addf %add3A_714, %gather3A_721 : vector<16xf32>
        %broadcast_in_dim3A_723 = vector.shape_cast %and3A_51 : vector<16xi32> to vector<16x1xi32>
        %gather3A_724 = vector.shape_cast %broadcast_in_dim3A_723 : vector<16x1xi32> to vector<16xi32>
        %gather3A_725 = tpu.dynamic_gather %add3A_718[%gather3A_724] in [0] : vector<16xf32>, vector<16xi32> -> vector<16xf32>
        %add3A_726 = arith.addf %add3A_718, %gather3A_725 : vector<16xf32>
        %mul3A_727 = arith.constant 1.562500e-02 : f32
        %mul3A_728 = vector.broadcast %mul3A_727 : f32 to vector<16xf32>
        %mul3A_729 = arith.mulf %add3A_722, %mul3A_728 : vector<16xf32>
        %mul3A_730 = arith.constant 1.562500e-02 : f32
        %mul3A_731 = vector.broadcast %mul3A_730 : f32 to vector<16xf32>
        %mul3A_732 = arith.mulf %add3A_726, %mul3A_731 : vector<16xf32>
        %mul3A_733 = arith.mulf %mul3A_729, %mul3A_729 : vector<16xf32>
        %sub3A_734 = arith.subf %mul3A_732, %mul3A_733 : vector<16xf32>
        %add3A_735 = arith.constant 9.99999996E-13 : f32
        %add3A_736 = vector.broadcast %add3A_735 : f32 to vector<16xf32>
        %add3A_737 = arith.addf %sub3A_734, %add3A_736 : vector<16xf32>
        %broadcast_in_dim3A_738 = arith.constant 1597463007 : i32
        %broadcast_in_dim3A_739 = vector.broadcast %broadcast_in_dim3A_738 : i32 to vector<16xi32>
        %mul3A_740 = arith.constant 5.000000e-01 : f32
        %mul3A_741 = vector.broadcast %mul3A_740 : f32 to vector<16xf32>
        %mul3A_742 = arith.mulf %add3A_737, %mul3A_741 : vector<16xf32>
        %bitcast_convert_type3A_743 = tpu.bitcast %add3A_737 : vector<16xf32> -> vector<16xi32>
        %shift_right_logical3A_744 = arith.constant 1 : i32
        %shift_right_logical3A_745 = vector.broadcast %shift_right_logical3A_744 : i32 to vector<16xi32>
        %shift_right_logical3A_746 = arith.shrui %bitcast_convert_type3A_743, %shift_right_logical3A_745 : vector<16xi32>
        %sub3A_747 = arith.subi %broadcast_in_dim3A_739, %shift_right_logical3A_746 : vector<16xi32>
        %bitcast_convert_type3A_748 = tpu.bitcast %sub3A_747 : vector<16xi32> -> vector<16xf32>
        %mul3A_749 = arith.mulf %mul3A_742, %bitcast_convert_type3A_748 : vector<16xf32>
        %mul3A_750 = arith.mulf %mul3A_749, %bitcast_convert_type3A_748 : vector<16xf32>
        %sub3A_751 = arith.constant 1.500000e+00 : f32
        %sub3A_752 = vector.broadcast %sub3A_751 : f32 to vector<16xf32>
        %sub3A_753 = arith.subf %sub3A_752, %mul3A_750 : vector<16xf32>
        %mul3A_754 = arith.mulf %bitcast_convert_type3A_748, %sub3A_753 : vector<16xf32>
        %mul3A_755 = arith.mulf %mul3A_742, %mul3A_754 : vector<16xf32>
        %mul3A_756 = arith.mulf %mul3A_755, %mul3A_754 : vector<16xf32>
        %sub3A_757 = arith.constant 1.500000e+00 : f32
        %sub3A_758 = vector.broadcast %sub3A_757 : f32 to vector<16xf32>
        %sub3A_759 = arith.subf %sub3A_758, %mul3A_756 : vector<16xf32>
        %mul3A_760 = arith.mulf %mul3A_754, %sub3A_759 : vector<16xf32>
        %sub3A_761 = arith.subf %add3A_657, %mul3A_729 : vector<16xf32>
        %mul3A_762 = arith.mulf %sub3A_761, %mul3A_760 : vector<16xf32>
        %mul3A_763 = arith.mulf %mul3A_762, %get3A_7 : vector<16xf32>
        %add3A_764 = arith.addf %mul3A_763, %get3A_19 : vector<16xf32>
        %swap3A_765 = arith.index_cast %add3A_648 : i32 to index
        %swap3A_766 = arith.constant 0 : index
        %swap3A_767 = tpu.vector_load %arg14[%swap3A_765, %swap3A_766] {strides = array<i32>} : memref<200x64xf32, #tpu.memory_space<vmem>>, vector<1x16xf32>,
        %swap3A_768 = vector.shape_cast %swap3A_767 : vector<1x16xf32> to vector<16xf32>
        %swap3A_769 = vector.shape_cast %add3A_764 : vector<16xf32> to vector<1x16xf32>
        tpu.vector_store %arg14[%swap3A_765, %swap3A_766], %swap3A_769 {strides = array<i32>} : memref<200x64xf32, #tpu.memory_space<vmem>>, vector<1x16xf32>,
        %sub3A_770 = arith.subf %add3A_666, %mul3A_729 : vector<16xf32>
        %mul3A_771 = arith.mulf %sub3A_770, %mul3A_760 : vector<16xf32>
        %mul3A_772 = arith.mulf %mul3A_771, %get3A_10 : vector<16xf32>
        %add3A_773 = arith.addf %mul3A_772, %get3A_22 : vector<16xf32>
        %swap3A_774 = arith.index_cast %add3A_648 : i32 to index
        %swap3A_775 = arith.constant 16 : index
        %swap3A_776 = tpu.vector_load %arg14[%swap3A_774, %swap3A_775] {strides = array<i32>} : memref<200x64xf32, #tpu.memory_space<vmem>>, vector<1x16xf32>,
        %swap3A_777 = vector.shape_cast %swap3A_776 : vector<1x16xf32> to vector<16xf32>
        %swap3A_778 = vector.shape_cast %add3A_773 : vector<16xf32> to vector<1x16xf32>
        tpu.vector_store %arg14[%swap3A_774, %swap3A_775], %swap3A_778 {strides = array<i32>} : memref<200x64xf32, #tpu.memory_space<vmem>>, vector<1x16xf32>,
        %sub3A_779 = arith.subf %add3A_675, %mul3A_729 : vector<16xf32>
        %mul3A_780 = arith.mulf %sub3A_779, %mul3A_760 : vector<16xf32>
        %mul3A_781 = arith.mulf %mul3A_780, %get3A_13 : vector<16xf32>
        %add3A_782 = arith.addf %mul3A_781, %get3A_25 : vector<16xf32>
        %swap3A_783 = arith.index_cast %add3A_648 : i32 to index
        %swap3A_784 = arith.constant 32 : index
        %swap3A_785 = tpu.vector_load %arg14[%swap3A_783, %swap3A_784] {strides = array<i32>} : memref<200x64xf32, #tpu.memory_space<vmem>>, vector<1x16xf32>,
        %swap3A_786 = vector.shape_cast %swap3A_785 : vector<1x16xf32> to vector<16xf32>
        %swap3A_787 = vector.shape_cast %add3A_782 : vector<16xf32> to vector<1x16xf32>
        tpu.vector_store %arg14[%swap3A_783, %swap3A_784], %swap3A_787 {strides = array<i32>} : memref<200x64xf32, #tpu.memory_space<vmem>>, vector<1x16xf32>,
        %sub3A_788 = arith.subf %add3A_684, %mul3A_729 : vector<16xf32>
        %mul3A_789 = arith.mulf %sub3A_788, %mul3A_760 : vector<16xf32>
        %mul3A_790 = arith.mulf %mul3A_789, %get3A_16 : vector<16xf32>
        %add3A_791 = arith.addf %mul3A_790, %get3A_28 : vector<16xf32>
        %swap3A_792 = arith.index_cast %add3A_648 : i32 to index
        %swap3A_793 = arith.constant 48 : index
        %swap3A_794 = tpu.vector_load %arg14[%swap3A_792, %swap3A_793] {strides = array<i32>} : memref<200x64xf32, #tpu.memory_space<vmem>>, vector<1x16xf32>,
        %swap3A_795 = vector.shape_cast %swap3A_794 : vector<1x16xf32> to vector<16xf32>
        %swap3A_796 = vector.shape_cast %add3A_791 : vector<16xf32> to vector<1x16xf32>
        tpu.vector_store %arg14[%swap3A_792, %swap3A_793], %swap3A_796 {strides = array<i32>} : memref<200x64xf32, #tpu.memory_space<vmem>>, vector<1x16xf32>,
        %add3A_797 = arith.constant 4 : i32
        %add3A_798 = arith.addi %mul3A_202, %add3A_797 : i32
        %get3A_799 = arith.index_cast %add3A_798 : i32 to index
        %get3A_800 = arith.constant 0 : index
        %get3A_801 = tpu.vector_load %arg12[%get3A_799, %get3A_800] {strides = array<i32>} : memref<200x64xf32, #tpu.memory_space<vmem>>, vector<1x16xf32>,
        %get3A_802 = vector.shape_cast %get3A_801 : vector<1x16xf32> to vector<16xf32>
        %get3A_803 = arith.index_cast %add3A_798 : i32 to index
        %get3A_804 = arith.constant 0 : index
        %get3A_805 = tpu.vector_load %arg8[%get3A_803, %get3A_804] {strides = array<i32>} : memref<200x64xf32, #tpu.memory_space<vmem>>, vector<1x16xf32>,
        %get3A_806 = vector.shape_cast %get3A_805 : vector<1x16xf32> to vector<16xf32>
        %add3A_807 = arith.addf %get3A_802, %get3A_806 : vector<16xf32>
        %get3A_808 = arith.index_cast %add3A_798 : i32 to index
        %get3A_809 = arith.constant 16 : index
        %get3A_810 = tpu.vector_load %arg12[%get3A_808, %get3A_809] {strides = array<i32>} : memref<200x64xf32, #tpu.memory_space<vmem>>, vector<1x16xf32>,
        %get3A_811 = vector.shape_cast %get3A_810 : vector<1x16xf32> to vector<16xf32>
        %get3A_812 = arith.index_cast %add3A_798 : i32 to index
        %get3A_813 = arith.constant 16 : index
        %get3A_814 = tpu.vector_load %arg8[%get3A_812, %get3A_813] {strides = array<i32>} : memref<200x64xf32, #tpu.memory_space<vmem>>, vector<1x16xf32>,
        %get3A_815 = vector.shape_cast %get3A_814 : vector<1x16xf32> to vector<16xf32>
        %add3A_816 = arith.addf %get3A_811, %get3A_815 : vector<16xf32>
        %get3A_817 = arith.index_cast %add3A_798 : i32 to index
        %get3A_818 = arith.constant 32 : index
        %get3A_819 = tpu.vector_load %arg12[%get3A_817, %get3A_818] {strides = array<i32>} : memref<200x64xf32, #tpu.memory_space<vmem>>, vector<1x16xf32>,
        %get3A_820 = vector.shape_cast %get3A_819 : vector<1x16xf32> to vector<16xf32>
        %get3A_821 = arith.index_cast %add3A_798 : i32 to index
        %get3A_822 = arith.constant 32 : index
        %get3A_823 = tpu.vector_load %arg8[%get3A_821, %get3A_822] {strides = array<i32>} : memref<200x64xf32, #tpu.memory_space<vmem>>, vector<1x16xf32>,
        %get3A_824 = vector.shape_cast %get3A_823 : vector<1x16xf32> to vector<16xf32>
        %add3A_825 = arith.addf %get3A_820, %get3A_824 : vector<16xf32>
        %get3A_826 = arith.index_cast %add3A_798 : i32 to index
        %get3A_827 = arith.constant 48 : index
        %get3A_828 = tpu.vector_load %arg12[%get3A_826, %get3A_827] {strides = array<i32>} : memref<200x64xf32, #tpu.memory_space<vmem>>, vector<1x16xf32>,
        %get3A_829 = vector.shape_cast %get3A_828 : vector<1x16xf32> to vector<16xf32>
        %get3A_830 = arith.index_cast %add3A_798 : i32 to index
        %get3A_831 = arith.constant 48 : index
        %get3A_832 = tpu.vector_load %arg8[%get3A_830, %get3A_831] {strides = array<i32>} : memref<200x64xf32, #tpu.memory_space<vmem>>, vector<1x16xf32>,
        %get3A_833 = vector.shape_cast %get3A_832 : vector<1x16xf32> to vector<16xf32>
        %add3A_834 = arith.addf %get3A_829, %get3A_833 : vector<16xf32>
        %add3A_835 = arith.addf %add3A_807, %add3A_816 : vector<16xf32>
        %add3A_836 = arith.addf %add3A_825, %add3A_834 : vector<16xf32>
        %add3A_837 = arith.addf %add3A_835, %add3A_836 : vector<16xf32>
        %mul3A_838 = arith.mulf %add3A_807, %add3A_807 : vector<16xf32>
        %mul3A_839 = arith.mulf %add3A_816, %add3A_816 : vector<16xf32>
        %add3A_840 = arith.addf %mul3A_838, %mul3A_839 : vector<16xf32>
        %mul3A_841 = arith.mulf %add3A_825, %add3A_825 : vector<16xf32>
        %mul3A_842 = arith.mulf %add3A_834, %add3A_834 : vector<16xf32>
        %add3A_843 = arith.addf %mul3A_841, %mul3A_842 : vector<16xf32>
        %add3A_844 = arith.addf %add3A_840, %add3A_843 : vector<16xf32>
        %broadcast_in_dim3A_845 = vector.shape_cast %and3A_33 : vector<16xi32> to vector<16x1xi32>
        %gather3A_846 = vector.shape_cast %broadcast_in_dim3A_845 : vector<16x1xi32> to vector<16xi32>
        %gather3A_847 = tpu.dynamic_gather %add3A_837[%gather3A_846] in [0] : vector<16xf32>, vector<16xi32> -> vector<16xf32>
        %add3A_848 = arith.addf %add3A_837, %gather3A_847 : vector<16xf32>
        %broadcast_in_dim3A_849 = vector.shape_cast %and3A_33 : vector<16xi32> to vector<16x1xi32>
        %gather3A_850 = vector.shape_cast %broadcast_in_dim3A_849 : vector<16x1xi32> to vector<16xi32>
        %gather3A_851 = tpu.dynamic_gather %add3A_844[%gather3A_850] in [0] : vector<16xf32>, vector<16xi32> -> vector<16xf32>
        %add3A_852 = arith.addf %add3A_844, %gather3A_851 : vector<16xf32>
        %broadcast_in_dim3A_853 = vector.shape_cast %and3A_39 : vector<16xi32> to vector<16x1xi32>
        %gather3A_854 = vector.shape_cast %broadcast_in_dim3A_853 : vector<16x1xi32> to vector<16xi32>
        %gather3A_855 = tpu.dynamic_gather %add3A_848[%gather3A_854] in [0] : vector<16xf32>, vector<16xi32> -> vector<16xf32>
        %add3A_856 = arith.addf %add3A_848, %gather3A_855 : vector<16xf32>
        %broadcast_in_dim3A_857 = vector.shape_cast %and3A_39 : vector<16xi32> to vector<16x1xi32>
        %gather3A_858 = vector.shape_cast %broadcast_in_dim3A_857 : vector<16x1xi32> to vector<16xi32>
        %gather3A_859 = tpu.dynamic_gather %add3A_852[%gather3A_858] in [0] : vector<16xf32>, vector<16xi32> -> vector<16xf32>
        %add3A_860 = arith.addf %add3A_852, %gather3A_859 : vector<16xf32>
        %broadcast_in_dim3A_861 = vector.shape_cast %and3A_45 : vector<16xi32> to vector<16x1xi32>
        %gather3A_862 = vector.shape_cast %broadcast_in_dim3A_861 : vector<16x1xi32> to vector<16xi32>
        %gather3A_863 = tpu.dynamic_gather %add3A_856[%gather3A_862] in [0] : vector<16xf32>, vector<16xi32> -> vector<16xf32>
        %add3A_864 = arith.addf %add3A_856, %gather3A_863 : vector<16xf32>
        %broadcast_in_dim3A_865 = vector.shape_cast %and3A_45 : vector<16xi32> to vector<16x1xi32>
        %gather3A_866 = vector.shape_cast %broadcast_in_dim3A_865 : vector<16x1xi32> to vector<16xi32>
        %gather3A_867 = tpu.dynamic_gather %add3A_860[%gather3A_866] in [0] : vector<16xf32>, vector<16xi32> -> vector<16xf32>
        %add3A_868 = arith.addf %add3A_860, %gather3A_867 : vector<16xf32>
        %broadcast_in_dim3A_869 = vector.shape_cast %and3A_51 : vector<16xi32> to vector<16x1xi32>
        %gather3A_870 = vector.shape_cast %broadcast_in_dim3A_869 : vector<16x1xi32> to vector<16xi32>
        %gather3A_871 = tpu.dynamic_gather %add3A_864[%gather3A_870] in [0] : vector<16xf32>, vector<16xi32> -> vector<16xf32>
        %add3A_872 = arith.addf %add3A_864, %gather3A_871 : vector<16xf32>
        %broadcast_in_dim3A_873 = vector.shape_cast %and3A_51 : vector<16xi32> to vector<16x1xi32>
        %gather3A_874 = vector.shape_cast %broadcast_in_dim3A_873 : vector<16x1xi32> to vector<16xi32>
        %gather3A_875 = tpu.dynamic_gather %add3A_868[%gather3A_874] in [0] : vector<16xf32>, vector<16xi32> -> vector<16xf32>
        %add3A_876 = arith.addf %add3A_868, %gather3A_875 : vector<16xf32>
        %mul3A_877 = arith.constant 1.562500e-02 : f32
        %mul3A_878 = vector.broadcast %mul3A_877 : f32 to vector<16xf32>
        %mul3A_879 = arith.mulf %add3A_872, %mul3A_878 : vector<16xf32>
        %mul3A_880 = arith.constant 1.562500e-02 : f32
        %mul3A_881 = vector.broadcast %mul3A_880 : f32 to vector<16xf32>
        %mul3A_882 = arith.mulf %add3A_876, %mul3A_881 : vector<16xf32>
        %mul3A_883 = arith.mulf %mul3A_879, %mul3A_879 : vector<16xf32>
        %sub3A_884 = arith.subf %mul3A_882, %mul3A_883 : vector<16xf32>
        %add3A_885 = arith.constant 9.99999996E-13 : f32
        %add3A_886 = vector.broadcast %add3A_885 : f32 to vector<16xf32>
        %add3A_887 = arith.addf %sub3A_884, %add3A_886 : vector<16xf32>
        %broadcast_in_dim3A_888 = arith.constant 1597463007 : i32
        %broadcast_in_dim3A_889 = vector.broadcast %broadcast_in_dim3A_888 : i32 to vector<16xi32>
        %mul3A_890 = arith.constant 5.000000e-01 : f32
        %mul3A_891 = vector.broadcast %mul3A_890 : f32 to vector<16xf32>
        %mul3A_892 = arith.mulf %add3A_887, %mul3A_891 : vector<16xf32>
        %bitcast_convert_type3A_893 = tpu.bitcast %add3A_887 : vector<16xf32> -> vector<16xi32>
        %shift_right_logical3A_894 = arith.constant 1 : i32
        %shift_right_logical3A_895 = vector.broadcast %shift_right_logical3A_894 : i32 to vector<16xi32>
        %shift_right_logical3A_896 = arith.shrui %bitcast_convert_type3A_893, %shift_right_logical3A_895 : vector<16xi32>
        %sub3A_897 = arith.subi %broadcast_in_dim3A_889, %shift_right_logical3A_896 : vector<16xi32>
        %bitcast_convert_type3A_898 = tpu.bitcast %sub3A_897 : vector<16xi32> -> vector<16xf32>
        %mul3A_899 = arith.mulf %mul3A_892, %bitcast_convert_type3A_898 : vector<16xf32>
        %mul3A_900 = arith.mulf %mul3A_899, %bitcast_convert_type3A_898 : vector<16xf32>
        %sub3A_901 = arith.constant 1.500000e+00 : f32
        %sub3A_902 = vector.broadcast %sub3A_901 : f32 to vector<16xf32>
        %sub3A_903 = arith.subf %sub3A_902, %mul3A_900 : vector<16xf32>
        %mul3A_904 = arith.mulf %bitcast_convert_type3A_898, %sub3A_903 : vector<16xf32>
        %mul3A_905 = arith.mulf %mul3A_892, %mul3A_904 : vector<16xf32>
        %mul3A_906 = arith.mulf %mul3A_905, %mul3A_904 : vector<16xf32>
        %sub3A_907 = arith.constant 1.500000e+00 : f32
        %sub3A_908 = vector.broadcast %sub3A_907 : f32 to vector<16xf32>
        %sub3A_909 = arith.subf %sub3A_908, %mul3A_906 : vector<16xf32>
        %mul3A_910 = arith.mulf %mul3A_904, %sub3A_909 : vector<16xf32>
        %sub3A_911 = arith.subf %add3A_807, %mul3A_879 : vector<16xf32>
        %mul3A_912 = arith.mulf %sub3A_911, %mul3A_910 : vector<16xf32>
        %mul3A_913 = arith.mulf %mul3A_912, %get3A_7 : vector<16xf32>
        %add3A_914 = arith.addf %mul3A_913, %get3A_19 : vector<16xf32>
        %swap3A_915 = arith.index_cast %add3A_798 : i32 to index
        %swap3A_916 = arith.constant 0 : index
        %swap3A_917 = tpu.vector_load %arg14[%swap3A_915, %swap3A_916] {strides = array<i32>} : memref<200x64xf32, #tpu.memory_space<vmem>>, vector<1x16xf32>,
        %swap3A_918 = vector.shape_cast %swap3A_917 : vector<1x16xf32> to vector<16xf32>
        %swap3A_919 = vector.shape_cast %add3A_914 : vector<16xf32> to vector<1x16xf32>
        tpu.vector_store %arg14[%swap3A_915, %swap3A_916], %swap3A_919 {strides = array<i32>} : memref<200x64xf32, #tpu.memory_space<vmem>>, vector<1x16xf32>,
        %sub3A_920 = arith.subf %add3A_816, %mul3A_879 : vector<16xf32>
        %mul3A_921 = arith.mulf %sub3A_920, %mul3A_910 : vector<16xf32>
        %mul3A_922 = arith.mulf %mul3A_921, %get3A_10 : vector<16xf32>
        %add3A_923 = arith.addf %mul3A_922, %get3A_22 : vector<16xf32>
        %swap3A_924 = arith.index_cast %add3A_798 : i32 to index
        %swap3A_925 = arith.constant 16 : index
        %swap3A_926 = tpu.vector_load %arg14[%swap3A_924, %swap3A_925] {strides = array<i32>} : memref<200x64xf32, #tpu.memory_space<vmem>>, vector<1x16xf32>,
        %swap3A_927 = vector.shape_cast %swap3A_926 : vector<1x16xf32> to vector<16xf32>
        %swap3A_928 = vector.shape_cast %add3A_923 : vector<16xf32> to vector<1x16xf32>
        tpu.vector_store %arg14[%swap3A_924, %swap3A_925], %swap3A_928 {strides = array<i32>} : memref<200x64xf32, #tpu.memory_space<vmem>>, vector<1x16xf32>,
        %sub3A_929 = arith.subf %add3A_825, %mul3A_879 : vector<16xf32>
        %mul3A_930 = arith.mulf %sub3A_929, %mul3A_910 : vector<16xf32>
        %mul3A_931 = arith.mulf %mul3A_930, %get3A_13 : vector<16xf32>
        %add3A_932 = arith.addf %mul3A_931, %get3A_25 : vector<16xf32>
        %swap3A_933 = arith.index_cast %add3A_798 : i32 to index
        %swap3A_934 = arith.constant 32 : index
        %swap3A_935 = tpu.vector_load %arg14[%swap3A_933, %swap3A_934] {strides = array<i32>} : memref<200x64xf32, #tpu.memory_space<vmem>>, vector<1x16xf32>,
        %swap3A_936 = vector.shape_cast %swap3A_935 : vector<1x16xf32> to vector<16xf32>
        %swap3A_937 = vector.shape_cast %add3A_932 : vector<16xf32> to vector<1x16xf32>
        tpu.vector_store %arg14[%swap3A_933, %swap3A_934], %swap3A_937 {strides = array<i32>} : memref<200x64xf32, #tpu.memory_space<vmem>>, vector<1x16xf32>,
        %sub3A_938 = arith.subf %add3A_834, %mul3A_879 : vector<16xf32>
        %mul3A_939 = arith.mulf %sub3A_938, %mul3A_910 : vector<16xf32>
        %mul3A_940 = arith.mulf %mul3A_939, %get3A_16 : vector<16xf32>
        %add3A_941 = arith.addf %mul3A_940, %get3A_28 : vector<16xf32>
        %swap3A_942 = arith.index_cast %add3A_798 : i32 to index
        %swap3A_943 = arith.constant 48 : index
        %swap3A_944 = tpu.vector_load %arg14[%swap3A_942, %swap3A_943] {strides = array<i32>} : memref<200x64xf32, #tpu.memory_space<vmem>>, vector<1x16xf32>,
        %swap3A_945 = vector.shape_cast %swap3A_944 : vector<1x16xf32> to vector<16xf32>
        %swap3A_946 = vector.shape_cast %add3A_941 : vector<16xf32> to vector<1x16xf32>
        tpu.vector_store %arg14[%swap3A_942, %swap3A_943], %swap3A_946 {strides = array<i32>} : memref<200x64xf32, #tpu.memory_space<vmem>>, vector<1x16xf32>,
      }
      %scan3A_139 = arith.constant 40 : i32
      %dma_start3A_140 = arith.constant 0 : i32
      %dma_start3A_141 = arith.constant 0 : i32
      %dma_start3A_142 = tpu.memref_slice %arg7[%add3A_112, %dma_start3A_140, %dma_start3A_141] : memref<1024x200x64xf32, #tpu.memory_space<hbm>> -> memref<1x200x64xf32, #tpu.memory_space<hbm>>
      %dma_start3A_143 = tpu.memref_squeeze %dma_start3A_142 : memref<1x200x64xf32, #tpu.memory_space<hbm>> -> memref<200x64xf32, #tpu.memory_space<hbm>>
      %dma_start3A_144 = arith.constant 0 : i32
      %dma_start3A_145 = arith.constant 0 : i32
      %dma_start3A_146 = tpu.memref_slice %arg7[%add3A_112, %dma_start3A_144, %dma_start3A_145] : memref<1024x200x64xf32, #tpu.memory_space<hbm>> -> memref<1x200x64xf32, #tpu.memory_space<hbm>>
      %dma_start3A_147 = tpu.memref_squeeze %dma_start3A_146 : memref<1x200x64xf32, #tpu.memory_space<hbm>> -> memref<200x64xf32, #tpu.memory_space<hbm>>
      tpu.enqueue_dma source(%arg14 : memref<200x64xf32, #tpu.memory_space<vmem>>) target(%dma_start3A_147 : memref<200x64xf32, #tpu.memory_space<hbm>>) target_semaphore(%arg18 : memref<!tpu.dma_semaphore, #tpu.memory_space<semaphore_mem>>)
      %lt3A = arith.constant 15 : i32
      %lt3A_148 = arith.cmpi slt, %scan3A_107, %lt3A : i32
      %convert_element_type3A_149 = arith.extui %lt3A_148 : i1 to i32
      %cond3A_150 = arith.constant 0 : i32
      %cond3A_151 = arith.cmpi ne, %convert_element_type3A_149, %cond3A_150 : i32
      scf.if %cond3A_151 {
        %add3A_200 = arith.constant 2 : i32
        %add3A_201 = arith.addi %add3A_111, %add3A_200 : i32
        %mul3A_202 = arith.constant 200 : i32
        %mul3A_203 = arith.muli %add3A_201, %mul3A_202 : i32
        %multiple_of3A_204 = tpu.assume_multiple %mul3A_203, 8 : i32
        %dma_start3A_205 = arith.constant 0 : i32
        %dma_start3A_206 = arith.constant 0 : i32
        %dma_start3A_207 = tpu.memref_slice %arg12[%dma_start3A_205, %dma_start3A_206] : memref<200x64xf32, #tpu.memory_space<vmem>> -> memref<104x64xf32, #tpu.memory_space<vmem>>
        %dma_start3A_208 = tpu.memref_slice %arg11[%multiple_of3A_204] : memref<6400xi32, #tpu.memory_space<vmem>> -> memref<104xi32, #tpu.memory_space<vmem>>
        %dma_start3A_209 = arith.constant 0 : i32
        %dma_start3A_210 = arith.constant 0 : i32
        %dma_start3A_211 = tpu.memref_slice %arg3[%dma_start3A_209, %dma_start3A_210] : memref<1000000x64xf32, #tpu.memory_space<hbm>> -> memref<1000000x64xf32, #tpu.memory_space<hbm>>
        tpu.enqueue_indirect_dma source(%dma_start3A_211 : memref<1000000x64xf32, #tpu.memory_space<hbm>>) target(%dma_start3A_207 : memref<104x64xf32, #tpu.memory_space<vmem>>) offsets(%dma_start3A_208 : memref<104xi32, #tpu.memory_space<vmem>>) semaphore(%arg16 : memref<!tpu.dma_semaphore, #tpu.memory_space<semaphore_mem>>)
        %add3A_212 = arith.constant 104 : i32
        %add3A_213 = arith.addi %multiple_of3A_204, %add3A_212 : i32
        %dma_start3A_214 = arith.constant 104 : i32
        %dma_start3A_215 = arith.constant 0 : i32
        %dma_start3A_216 = tpu.memref_slice %arg12[%dma_start3A_214, %dma_start3A_215] : memref<200x64xf32, #tpu.memory_space<vmem>> -> memref<96x64xf32, #tpu.memory_space<vmem>>
        %dma_start3A_217 = tpu.memref_slice %arg11[%add3A_213] : memref<6400xi32, #tpu.memory_space<vmem>> -> memref<96xi32, #tpu.memory_space<vmem>>
        %dma_start3A_218 = arith.constant 0 : i32
        %dma_start3A_219 = arith.constant 0 : i32
        %dma_start3A_220 = tpu.memref_slice %arg3[%dma_start3A_218, %dma_start3A_219] : memref<1000000x64xf32, #tpu.memory_space<hbm>> -> memref<1000000x64xf32, #tpu.memory_space<hbm>>
        tpu.enqueue_indirect_dma source(%dma_start3A_220 : memref<1000000x64xf32, #tpu.memory_space<hbm>>) target(%dma_start3A_216 : memref<96x64xf32, #tpu.memory_space<vmem>>) offsets(%dma_start3A_217 : memref<96xi32, #tpu.memory_space<vmem>>) semaphore(%arg16 : memref<!tpu.dma_semaphore, #tpu.memory_space<semaphore_mem>>)
      } else {
      }
      %mul3A_152 = arith.constant 2 : i32
      %mul3A_153 = arith.muli %mul3A_152, %scan3A_107 : i32
      %add3A_154 = arith.constant 1 : i32
      %add3A_155 = arith.addi %mul3A_153, %add3A_154 : i32
      %add3A_156 = arith.addi %multiple_of3A, %add3A_155 : i32
      %mul3A_157 = arith.constant 200 : i32
      %mul3A_158 = arith.muli %add3A_155, %mul3A_157 : i32
      %multiple_of3A_159 = tpu.assume_multiple %mul3A_158, 8 : i32
      %dma_wait3A_160 = arith.constant 0 : i32
      %dma_wait3A_161 = arith.constant 0 : i32
      %dma_wait3A_162 = tpu.memref_slice %arg13[%dma_wait3A_160, %dma_wait3A_161] : memref<200x64xf32, #tpu.memory_space<vmem>> -> memref<104x64xf32, #tpu.memory_space<vmem>>
      %dma_wait3A_163 = tpu.memref_slice %arg11[%multiple_of3A_159] : memref<6400xi32, #tpu.memory_space<vmem>> -> memref<104xi32, #tpu.memory_space<vmem>>
      %dma_wait3A_164 = arith.constant 0 : i32
      %dma_wait3A_165 = arith.constant 0 : i32
      %dma_wait3A_166 = tpu.memref_slice %arg3[%dma_wait3A_164, %dma_wait3A_165] : memref<1000000x64xf32, #tpu.memory_space<hbm>> -> memref<1000000x64xf32, #tpu.memory_space<hbm>>
      tpu.wait_indirect_dma semaphore(%arg17 : memref<!tpu.dma_semaphore, #tpu.memory_space<semaphore_mem>>) src(%dma_wait3A_166 : memref<1000000x64xf32, #tpu.memory_space<hbm>>) dst(%dma_wait3A_162 : memref<104x64xf32, #tpu.memory_space<vmem>>)
      %add3A_167 = arith.constant 104 : i32
      %add3A_168 = arith.addi %multiple_of3A_159, %add3A_167 : i32
      %dma_wait3A_169 = arith.constant 104 : i32
      %dma_wait3A_170 = arith.constant 0 : i32
      %dma_wait3A_171 = tpu.memref_slice %arg13[%dma_wait3A_169, %dma_wait3A_170] : memref<200x64xf32, #tpu.memory_space<vmem>> -> memref<96x64xf32, #tpu.memory_space<vmem>>
      %dma_wait3A_172 = tpu.memref_slice %arg11[%add3A_168] : memref<6400xi32, #tpu.memory_space<vmem>> -> memref<96xi32, #tpu.memory_space<vmem>>
      %dma_wait3A_173 = arith.constant 0 : i32
      %dma_wait3A_174 = arith.constant 0 : i32
      %dma_wait3A_175 = tpu.memref_slice %arg3[%dma_wait3A_173, %dma_wait3A_174] : memref<1000000x64xf32, #tpu.memory_space<hbm>> -> memref<1000000x64xf32, #tpu.memory_space<hbm>>
      tpu.wait_indirect_dma semaphore(%arg17 : memref<!tpu.dma_semaphore, #tpu.memory_space<semaphore_mem>>) src(%dma_wait3A_175 : memref<1000000x64xf32, #tpu.memory_space<hbm>>) dst(%dma_wait3A_171 : memref<96x64xf32, #tpu.memory_space<vmem>>)
      %gt3A_176 = arith.constant 0 : i32
      %gt3A_177 = arith.cmpi sgt, %scan3A_107, %gt3A_176 : i32
      %convert_element_type3A_178 = arith.extui %gt3A_177 : i1 to i32
      %cond3A_179 = arith.constant 0 : i32
      %cond3A_180 = arith.cmpi ne, %convert_element_type3A_178, %cond3A_179 : i32
      scf.if %cond3A_180 {
        %dma_wait3A_200 = arith.constant 0 : i32
        %dma_wait3A_201 = arith.constant 0 : i32
        %dma_wait3A_202 = tpu.memref_slice %arg7[%add3A_156, %dma_wait3A_200, %dma_wait3A_201] : memref<1024x200x64xf32, #tpu.memory_space<hbm>> -> memref<1x200x64xf32, #tpu.memory_space<hbm>>
        %dma_wait3A_203 = tpu.memref_squeeze %dma_wait3A_202 : memref<1x200x64xf32, #tpu.memory_space<hbm>> -> memref<200x64xf32, #tpu.memory_space<hbm>>
        %dma_wait3A_204 = arith.constant 0 : i32
        %dma_wait3A_205 = arith.constant 0 : i32
        %dma_wait3A_206 = tpu.memref_slice %arg7[%add3A_156, %dma_wait3A_204, %dma_wait3A_205] : memref<1024x200x64xf32, #tpu.memory_space<hbm>> -> memref<1x200x64xf32, #tpu.memory_space<hbm>>
        %dma_wait3A_207 = tpu.memref_squeeze %dma_wait3A_206 : memref<1x200x64xf32, #tpu.memory_space<hbm>> -> memref<200x64xf32, #tpu.memory_space<hbm>>
        tpu.wait_dma2 semaphore(%arg19 : memref<!tpu.dma_semaphore, #tpu.memory_space<semaphore_mem>>) src(%arg15 : memref<200x64xf32, #tpu.memory_space<vmem>>) dst(%dma_wait3A_207 : memref<200x64xf32, #tpu.memory_space<hbm>>)
      } else {
      }
      %scan3A_181 = arith.constant 0 : i32
      %scan3A_182 = arith.constant 0 : i32
      %scan3A_183 = arith.constant 40 : i32
      %scan3A_184 = arith.addi %scan3A_182, %scan3A_183 : i32
      %scan3A_185 = arith.constant 1 : i32
      scf.for %scan3A_200 = %scan3A_182 to %scan3A_184 step %scan3A_185  : i32 {
        %mul3A_201 = arith.constant 5 : i32
        %mul3A_202 = arith.muli %scan3A_200, %mul3A_201 : i32
        %add3A_203 = arith.constant 0 : i32
        %add3A_204 = arith.addi %mul3A_202, %add3A_203 : i32
        %get3A_205 = arith.index_cast %add3A_204 : i32 to index
        %get3A_206 = arith.constant 0 : index
        %get3A_207 = tpu.vector_load %arg13[%get3A_205, %get3A_206] {strides = array<i32>} : memref<200x64xf32, #tpu.memory_space<vmem>>, vector<1x16xf32>,
        %get3A_208 = vector.shape_cast %get3A_207 : vector<1x16xf32> to vector<16xf32>
        %get3A_209 = arith.index_cast %add3A_204 : i32 to index
        %get3A_210 = arith.constant 0 : index
        %get3A_211 = tpu.vector_load %arg8[%get3A_209, %get3A_210] {strides = array<i32>} : memref<200x64xf32, #tpu.memory_space<vmem>>, vector<1x16xf32>,
        %get3A_212 = vector.shape_cast %get3A_211 : vector<1x16xf32> to vector<16xf32>
        %add3A_213 = arith.addf %get3A_208, %get3A_212 : vector<16xf32>
        %get3A_214 = arith.index_cast %add3A_204 : i32 to index
        %get3A_215 = arith.constant 16 : index
        %get3A_216 = tpu.vector_load %arg13[%get3A_214, %get3A_215] {strides = array<i32>} : memref<200x64xf32, #tpu.memory_space<vmem>>, vector<1x16xf32>,
        %get3A_217 = vector.shape_cast %get3A_216 : vector<1x16xf32> to vector<16xf32>
        %get3A_218 = arith.index_cast %add3A_204 : i32 to index
        %get3A_219 = arith.constant 16 : index
        %get3A_220 = tpu.vector_load %arg8[%get3A_218, %get3A_219] {strides = array<i32>} : memref<200x64xf32, #tpu.memory_space<vmem>>, vector<1x16xf32>,
        %get3A_221 = vector.shape_cast %get3A_220 : vector<1x16xf32> to vector<16xf32>
        %add3A_222 = arith.addf %get3A_217, %get3A_221 : vector<16xf32>
        %get3A_223 = arith.index_cast %add3A_204 : i32 to index
        %get3A_224 = arith.constant 32 : index
        %get3A_225 = tpu.vector_load %arg13[%get3A_223, %get3A_224] {strides = array<i32>} : memref<200x64xf32, #tpu.memory_space<vmem>>, vector<1x16xf32>,
        %get3A_226 = vector.shape_cast %get3A_225 : vector<1x16xf32> to vector<16xf32>
        %get3A_227 = arith.index_cast %add3A_204 : i32 to index
        %get3A_228 = arith.constant 32 : index
        %get3A_229 = tpu.vector_load %arg8[%get3A_227, %get3A_228] {strides = array<i32>} : memref<200x64xf32, #tpu.memory_space<vmem>>, vector<1x16xf32>,
        %get3A_230 = vector.shape_cast %get3A_229 : vector<1x16xf32> to vector<16xf32>
        %add3A_231 = arith.addf %get3A_226, %get3A_230 : vector<16xf32>
        %get3A_232 = arith.index_cast %add3A_204 : i32 to index
        %get3A_233 = arith.constant 48 : index
        %get3A_234 = tpu.vector_load %arg13[%get3A_232, %get3A_233] {strides = array<i32>} : memref<200x64xf32, #tpu.memory_space<vmem>>, vector<1x16xf32>,
        %get3A_235 = vector.shape_cast %get3A_234 : vector<1x16xf32> to vector<16xf32>
        %get3A_236 = arith.index_cast %add3A_204 : i32 to index
        %get3A_237 = arith.constant 48 : index
        %get3A_238 = tpu.vector_load %arg8[%get3A_236, %get3A_237] {strides = array<i32>} : memref<200x64xf32, #tpu.memory_space<vmem>>, vector<1x16xf32>,
        %get3A_239 = vector.shape_cast %get3A_238 : vector<1x16xf32> to vector<16xf32>
        %add3A_240 = arith.addf %get3A_235, %get3A_239 : vector<16xf32>
        %add3A_241 = arith.addf %add3A_213, %add3A_222 : vector<16xf32>
        %add3A_242 = arith.addf %add3A_231, %add3A_240 : vector<16xf32>
        %add3A_243 = arith.addf %add3A_241, %add3A_242 : vector<16xf32>
        %mul3A_244 = arith.mulf %add3A_213, %add3A_213 : vector<16xf32>
        %mul3A_245 = arith.mulf %add3A_222, %add3A_222 : vector<16xf32>
        %add3A_246 = arith.addf %mul3A_244, %mul3A_245 : vector<16xf32>
        %mul3A_247 = arith.mulf %add3A_231, %add3A_231 : vector<16xf32>
        %mul3A_248 = arith.mulf %add3A_240, %add3A_240 : vector<16xf32>
        %add3A_249 = arith.addf %mul3A_247, %mul3A_248 : vector<16xf32>
        %add3A_250 = arith.addf %add3A_246, %add3A_249 : vector<16xf32>
        %broadcast_in_dim3A = vector.shape_cast %and3A_33 : vector<16xi32> to vector<16x1xi32>
        %gather3A = vector.shape_cast %broadcast_in_dim3A : vector<16x1xi32> to vector<16xi32>
        %gather3A_251 = tpu.dynamic_gather %add3A_243[%gather3A] in [0] : vector<16xf32>, vector<16xi32> -> vector<16xf32>
        %add3A_252 = arith.addf %add3A_243, %gather3A_251 : vector<16xf32>
        %broadcast_in_dim3A_253 = vector.shape_cast %and3A_33 : vector<16xi32> to vector<16x1xi32>
        %gather3A_254 = vector.shape_cast %broadcast_in_dim3A_253 : vector<16x1xi32> to vector<16xi32>
        %gather3A_255 = tpu.dynamic_gather %add3A_250[%gather3A_254] in [0] : vector<16xf32>, vector<16xi32> -> vector<16xf32>
        %add3A_256 = arith.addf %add3A_250, %gather3A_255 : vector<16xf32>
        %broadcast_in_dim3A_257 = vector.shape_cast %and3A_39 : vector<16xi32> to vector<16x1xi32>
        %gather3A_258 = vector.shape_cast %broadcast_in_dim3A_257 : vector<16x1xi32> to vector<16xi32>
        %gather3A_259 = tpu.dynamic_gather %add3A_252[%gather3A_258] in [0] : vector<16xf32>, vector<16xi32> -> vector<16xf32>
        %add3A_260 = arith.addf %add3A_252, %gather3A_259 : vector<16xf32>
        %broadcast_in_dim3A_261 = vector.shape_cast %and3A_39 : vector<16xi32> to vector<16x1xi32>
        %gather3A_262 = vector.shape_cast %broadcast_in_dim3A_261 : vector<16x1xi32> to vector<16xi32>
        %gather3A_263 = tpu.dynamic_gather %add3A_256[%gather3A_262] in [0] : vector<16xf32>, vector<16xi32> -> vector<16xf32>
        %add3A_264 = arith.addf %add3A_256, %gather3A_263 : vector<16xf32>
        %broadcast_in_dim3A_265 = vector.shape_cast %and3A_45 : vector<16xi32> to vector<16x1xi32>
        %gather3A_266 = vector.shape_cast %broadcast_in_dim3A_265 : vector<16x1xi32> to vector<16xi32>
        %gather3A_267 = tpu.dynamic_gather %add3A_260[%gather3A_266] in [0] : vector<16xf32>, vector<16xi32> -> vector<16xf32>
        %add3A_268 = arith.addf %add3A_260, %gather3A_267 : vector<16xf32>
        %broadcast_in_dim3A_269 = vector.shape_cast %and3A_45 : vector<16xi32> to vector<16x1xi32>
        %gather3A_270 = vector.shape_cast %broadcast_in_dim3A_269 : vector<16x1xi32> to vector<16xi32>
        %gather3A_271 = tpu.dynamic_gather %add3A_264[%gather3A_270] in [0] : vector<16xf32>, vector<16xi32> -> vector<16xf32>
        %add3A_272 = arith.addf %add3A_264, %gather3A_271 : vector<16xf32>
        %broadcast_in_dim3A_273 = vector.shape_cast %and3A_51 : vector<16xi32> to vector<16x1xi32>
        %gather3A_274 = vector.shape_cast %broadcast_in_dim3A_273 : vector<16x1xi32> to vector<16xi32>
        %gather3A_275 = tpu.dynamic_gather %add3A_268[%gather3A_274] in [0] : vector<16xf32>, vector<16xi32> -> vector<16xf32>
        %add3A_276 = arith.addf %add3A_268, %gather3A_275 : vector<16xf32>
        %broadcast_in_dim3A_277 = vector.shape_cast %and3A_51 : vector<16xi32> to vector<16x1xi32>
        %gather3A_278 = vector.shape_cast %broadcast_in_dim3A_277 : vector<16x1xi32> to vector<16xi32>
        %gather3A_279 = tpu.dynamic_gather %add3A_272[%gather3A_278] in [0] : vector<16xf32>, vector<16xi32> -> vector<16xf32>
        %add3A_280 = arith.addf %add3A_272, %gather3A_279 : vector<16xf32>
        %mul3A_281 = arith.constant 1.562500e-02 : f32
        %mul3A_282 = vector.broadcast %mul3A_281 : f32 to vector<16xf32>
        %mul3A_283 = arith.mulf %add3A_276, %mul3A_282 : vector<16xf32>
        %mul3A_284 = arith.constant 1.562500e-02 : f32
        %mul3A_285 = vector.broadcast %mul3A_284 : f32 to vector<16xf32>
        %mul3A_286 = arith.mulf %add3A_280, %mul3A_285 : vector<16xf32>
        %mul3A_287 = arith.mulf %mul3A_283, %mul3A_283 : vector<16xf32>
        %sub3A = arith.subf %mul3A_286, %mul3A_287 : vector<16xf32>
        %add3A_288 = arith.constant 9.99999996E-13 : f32
        %add3A_289 = vector.broadcast %add3A_288 : f32 to vector<16xf32>
        %add3A_290 = arith.addf %sub3A, %add3A_289 : vector<16xf32>
        %broadcast_in_dim3A_291 = arith.constant 1597463007 : i32
        %broadcast_in_dim3A_292 = vector.broadcast %broadcast_in_dim3A_291 : i32 to vector<16xi32>
        %mul3A_293 = arith.constant 5.000000e-01 : f32
        %mul3A_294 = vector.broadcast %mul3A_293 : f32 to vector<16xf32>
        %mul3A_295 = arith.mulf %add3A_290, %mul3A_294 : vector<16xf32>
        %bitcast_convert_type3A = tpu.bitcast %add3A_290 : vector<16xf32> -> vector<16xi32>
        %shift_right_logical3A = arith.constant 1 : i32
        %shift_right_logical3A_296 = vector.broadcast %shift_right_logical3A : i32 to vector<16xi32>
        %shift_right_logical3A_297 = arith.shrui %bitcast_convert_type3A, %shift_right_logical3A_296 : vector<16xi32>
        %sub3A_298 = arith.subi %broadcast_in_dim3A_292, %shift_right_logical3A_297 : vector<16xi32>
        %bitcast_convert_type3A_299 = tpu.bitcast %sub3A_298 : vector<16xi32> -> vector<16xf32>
        %mul3A_300 = arith.mulf %mul3A_295, %bitcast_convert_type3A_299 : vector<16xf32>
        %mul3A_301 = arith.mulf %mul3A_300, %bitcast_convert_type3A_299 : vector<16xf32>
        %sub3A_302 = arith.constant 1.500000e+00 : f32
        %sub3A_303 = vector.broadcast %sub3A_302 : f32 to vector<16xf32>
        %sub3A_304 = arith.subf %sub3A_303, %mul3A_301 : vector<16xf32>
        %mul3A_305 = arith.mulf %bitcast_convert_type3A_299, %sub3A_304 : vector<16xf32>
        %mul3A_306 = arith.mulf %mul3A_295, %mul3A_305 : vector<16xf32>
        %mul3A_307 = arith.mulf %mul3A_306, %mul3A_305 : vector<16xf32>
        %sub3A_308 = arith.constant 1.500000e+00 : f32
        %sub3A_309 = vector.broadcast %sub3A_308 : f32 to vector<16xf32>
        %sub3A_310 = arith.subf %sub3A_309, %mul3A_307 : vector<16xf32>
        %mul3A_311 = arith.mulf %mul3A_305, %sub3A_310 : vector<16xf32>
        %sub3A_312 = arith.subf %add3A_213, %mul3A_283 : vector<16xf32>
        %mul3A_313 = arith.mulf %sub3A_312, %mul3A_311 : vector<16xf32>
        %mul3A_314 = arith.mulf %mul3A_313, %get3A_7 : vector<16xf32>
        %add3A_315 = arith.addf %mul3A_314, %get3A_19 : vector<16xf32>
        %swap3A = arith.index_cast %add3A_204 : i32 to index
        %swap3A_316 = arith.constant 0 : index
        %swap3A_317 = tpu.vector_load %arg15[%swap3A, %swap3A_316] {strides = array<i32>} : memref<200x64xf32, #tpu.memory_space<vmem>>, vector<1x16xf32>,
        %swap3A_318 = vector.shape_cast %swap3A_317 : vector<1x16xf32> to vector<16xf32>
        %swap3A_319 = vector.shape_cast %add3A_315 : vector<16xf32> to vector<1x16xf32>
        tpu.vector_store %arg15[%swap3A, %swap3A_316], %swap3A_319 {strides = array<i32>} : memref<200x64xf32, #tpu.memory_space<vmem>>, vector<1x16xf32>,
        %sub3A_320 = arith.subf %add3A_222, %mul3A_283 : vector<16xf32>
        %mul3A_321 = arith.mulf %sub3A_320, %mul3A_311 : vector<16xf32>
        %mul3A_322 = arith.mulf %mul3A_321, %get3A_10 : vector<16xf32>
        %add3A_323 = arith.addf %mul3A_322, %get3A_22 : vector<16xf32>
        %swap3A_324 = arith.index_cast %add3A_204 : i32 to index
        %swap3A_325 = arith.constant 16 : index
        %swap3A_326 = tpu.vector_load %arg15[%swap3A_324, %swap3A_325] {strides = array<i32>} : memref<200x64xf32, #tpu.memory_space<vmem>>, vector<1x16xf32>,
        %swap3A_327 = vector.shape_cast %swap3A_326 : vector<1x16xf32> to vector<16xf32>
        %swap3A_328 = vector.shape_cast %add3A_323 : vector<16xf32> to vector<1x16xf32>
        tpu.vector_store %arg15[%swap3A_324, %swap3A_325], %swap3A_328 {strides = array<i32>} : memref<200x64xf32, #tpu.memory_space<vmem>>, vector<1x16xf32>,
        %sub3A_329 = arith.subf %add3A_231, %mul3A_283 : vector<16xf32>
        %mul3A_330 = arith.mulf %sub3A_329, %mul3A_311 : vector<16xf32>
        %mul3A_331 = arith.mulf %mul3A_330, %get3A_13 : vector<16xf32>
        %add3A_332 = arith.addf %mul3A_331, %get3A_25 : vector<16xf32>
        %swap3A_333 = arith.index_cast %add3A_204 : i32 to index
        %swap3A_334 = arith.constant 32 : index
        %swap3A_335 = tpu.vector_load %arg15[%swap3A_333, %swap3A_334] {strides = array<i32>} : memref<200x64xf32, #tpu.memory_space<vmem>>, vector<1x16xf32>,
        %swap3A_336 = vector.shape_cast %swap3A_335 : vector<1x16xf32> to vector<16xf32>
        %swap3A_337 = vector.shape_cast %add3A_332 : vector<16xf32> to vector<1x16xf32>
        tpu.vector_store %arg15[%swap3A_333, %swap3A_334], %swap3A_337 {strides = array<i32>} : memref<200x64xf32, #tpu.memory_space<vmem>>, vector<1x16xf32>,
        %sub3A_338 = arith.subf %add3A_240, %mul3A_283 : vector<16xf32>
        %mul3A_339 = arith.mulf %sub3A_338, %mul3A_311 : vector<16xf32>
        %mul3A_340 = arith.mulf %mul3A_339, %get3A_16 : vector<16xf32>
        %add3A_341 = arith.addf %mul3A_340, %get3A_28 : vector<16xf32>
        %swap3A_342 = arith.index_cast %add3A_204 : i32 to index
        %swap3A_343 = arith.constant 48 : index
        %swap3A_344 = tpu.vector_load %arg15[%swap3A_342, %swap3A_343] {strides = array<i32>} : memref<200x64xf32, #tpu.memory_space<vmem>>, vector<1x16xf32>,
        %swap3A_345 = vector.shape_cast %swap3A_344 : vector<1x16xf32> to vector<16xf32>
        %swap3A_346 = vector.shape_cast %add3A_341 : vector<16xf32> to vector<1x16xf32>
        tpu.vector_store %arg15[%swap3A_342, %swap3A_343], %swap3A_346 {strides = array<i32>} : memref<200x64xf32, #tpu.memory_space<vmem>>, vector<1x16xf32>,
        %add3A_347 = arith.constant 1 : i32
        %add3A_348 = arith.addi %mul3A_202, %add3A_347 : i32
        %get3A_349 = arith.index_cast %add3A_348 : i32 to index
        %get3A_350 = arith.constant 0 : index
        %get3A_351 = tpu.vector_load %arg13[%get3A_349, %get3A_350] {strides = array<i32>} : memref<200x64xf32, #tpu.memory_space<vmem>>, vector<1x16xf32>,
        %get3A_352 = vector.shape_cast %get3A_351 : vector<1x16xf32> to vector<16xf32>
        %get3A_353 = arith.index_cast %add3A_348 : i32 to index
        %get3A_354 = arith.constant 0 : index
        %get3A_355 = tpu.vector_load %arg8[%get3A_353, %get3A_354] {strides = array<i32>} : memref<200x64xf32, #tpu.memory_space<vmem>>, vector<1x16xf32>,
        %get3A_356 = vector.shape_cast %get3A_355 : vector<1x16xf32> to vector<16xf32>
        %add3A_357 = arith.addf %get3A_352, %get3A_356 : vector<16xf32>
        %get3A_358 = arith.index_cast %add3A_348 : i32 to index
        %get3A_359 = arith.constant 16 : index
        %get3A_360 = tpu.vector_load %arg13[%get3A_358, %get3A_359] {strides = array<i32>} : memref<200x64xf32, #tpu.memory_space<vmem>>, vector<1x16xf32>,
        %get3A_361 = vector.shape_cast %get3A_360 : vector<1x16xf32> to vector<16xf32>
        %get3A_362 = arith.index_cast %add3A_348 : i32 to index
        %get3A_363 = arith.constant 16 : index
        %get3A_364 = tpu.vector_load %arg8[%get3A_362, %get3A_363] {strides = array<i32>} : memref<200x64xf32, #tpu.memory_space<vmem>>, vector<1x16xf32>,
        %get3A_365 = vector.shape_cast %get3A_364 : vector<1x16xf32> to vector<16xf32>
        %add3A_366 = arith.addf %get3A_361, %get3A_365 : vector<16xf32>
        %get3A_367 = arith.index_cast %add3A_348 : i32 to index
        %get3A_368 = arith.constant 32 : index
        %get3A_369 = tpu.vector_load %arg13[%get3A_367, %get3A_368] {strides = array<i32>} : memref<200x64xf32, #tpu.memory_space<vmem>>, vector<1x16xf32>,
        %get3A_370 = vector.shape_cast %get3A_369 : vector<1x16xf32> to vector<16xf32>
        %get3A_371 = arith.index_cast %add3A_348 : i32 to index
        %get3A_372 = arith.constant 32 : index
        %get3A_373 = tpu.vector_load %arg8[%get3A_371, %get3A_372] {strides = array<i32>} : memref<200x64xf32, #tpu.memory_space<vmem>>, vector<1x16xf32>,
        %get3A_374 = vector.shape_cast %get3A_373 : vector<1x16xf32> to vector<16xf32>
        %add3A_375 = arith.addf %get3A_370, %get3A_374 : vector<16xf32>
        %get3A_376 = arith.index_cast %add3A_348 : i32 to index
        %get3A_377 = arith.constant 48 : index
        %get3A_378 = tpu.vector_load %arg13[%get3A_376, %get3A_377] {strides = array<i32>} : memref<200x64xf32, #tpu.memory_space<vmem>>, vector<1x16xf32>,
        %get3A_379 = vector.shape_cast %get3A_378 : vector<1x16xf32> to vector<16xf32>
        %get3A_380 = arith.index_cast %add3A_348 : i32 to index
        %get3A_381 = arith.constant 48 : index
        %get3A_382 = tpu.vector_load %arg8[%get3A_380, %get3A_381] {strides = array<i32>} : memref<200x64xf32, #tpu.memory_space<vmem>>, vector<1x16xf32>,
        %get3A_383 = vector.shape_cast %get3A_382 : vector<1x16xf32> to vector<16xf32>
        %add3A_384 = arith.addf %get3A_379, %get3A_383 : vector<16xf32>
        %add3A_385 = arith.addf %add3A_357, %add3A_366 : vector<16xf32>
        %add3A_386 = arith.addf %add3A_375, %add3A_384 : vector<16xf32>
        %add3A_387 = arith.addf %add3A_385, %add3A_386 : vector<16xf32>
        %mul3A_388 = arith.mulf %add3A_357, %add3A_357 : vector<16xf32>
        %mul3A_389 = arith.mulf %add3A_366, %add3A_366 : vector<16xf32>
        %add3A_390 = arith.addf %mul3A_388, %mul3A_389 : vector<16xf32>
        %mul3A_391 = arith.mulf %add3A_375, %add3A_375 : vector<16xf32>
        %mul3A_392 = arith.mulf %add3A_384, %add3A_384 : vector<16xf32>
        %add3A_393 = arith.addf %mul3A_391, %mul3A_392 : vector<16xf32>
        %add3A_394 = arith.addf %add3A_390, %add3A_393 : vector<16xf32>
        %broadcast_in_dim3A_395 = vector.shape_cast %and3A_33 : vector<16xi32> to vector<16x1xi32>
        %gather3A_396 = vector.shape_cast %broadcast_in_dim3A_395 : vector<16x1xi32> to vector<16xi32>
        %gather3A_397 = tpu.dynamic_gather %add3A_387[%gather3A_396] in [0] : vector<16xf32>, vector<16xi32> -> vector<16xf32>
        %add3A_398 = arith.addf %add3A_387, %gather3A_397 : vector<16xf32>
        %broadcast_in_dim3A_399 = vector.shape_cast %and3A_33 : vector<16xi32> to vector<16x1xi32>
        %gather3A_400 = vector.shape_cast %broadcast_in_dim3A_399 : vector<16x1xi32> to vector<16xi32>
        %gather3A_401 = tpu.dynamic_gather %add3A_394[%gather3A_400] in [0] : vector<16xf32>, vector<16xi32> -> vector<16xf32>
        %add3A_402 = arith.addf %add3A_394, %gather3A_401 : vector<16xf32>
        %broadcast_in_dim3A_403 = vector.shape_cast %and3A_39 : vector<16xi32> to vector<16x1xi32>
        %gather3A_404 = vector.shape_cast %broadcast_in_dim3A_403 : vector<16x1xi32> to vector<16xi32>
        %gather3A_405 = tpu.dynamic_gather %add3A_398[%gather3A_404] in [0] : vector<16xf32>, vector<16xi32> -> vector<16xf32>
        %add3A_406 = arith.addf %add3A_398, %gather3A_405 : vector<16xf32>
        %broadcast_in_dim3A_407 = vector.shape_cast %and3A_39 : vector<16xi32> to vector<16x1xi32>
        %gather3A_408 = vector.shape_cast %broadcast_in_dim3A_407 : vector<16x1xi32> to vector<16xi32>
        %gather3A_409 = tpu.dynamic_gather %add3A_402[%gather3A_408] in [0] : vector<16xf32>, vector<16xi32> -> vector<16xf32>
        %add3A_410 = arith.addf %add3A_402, %gather3A_409 : vector<16xf32>
        %broadcast_in_dim3A_411 = vector.shape_cast %and3A_45 : vector<16xi32> to vector<16x1xi32>
        %gather3A_412 = vector.shape_cast %broadcast_in_dim3A_411 : vector<16x1xi32> to vector<16xi32>
        %gather3A_413 = tpu.dynamic_gather %add3A_406[%gather3A_412] in [0] : vector<16xf32>, vector<16xi32> -> vector<16xf32>
        %add3A_414 = arith.addf %add3A_406, %gather3A_413 : vector<16xf32>
        %broadcast_in_dim3A_415 = vector.shape_cast %and3A_45 : vector<16xi32> to vector<16x1xi32>
        %gather3A_416 = vector.shape_cast %broadcast_in_dim3A_415 : vector<16x1xi32> to vector<16xi32>
        %gather3A_417 = tpu.dynamic_gather %add3A_410[%gather3A_416] in [0] : vector<16xf32>, vector<16xi32> -> vector<16xf32>
        %add3A_418 = arith.addf %add3A_410, %gather3A_417 : vector<16xf32>
        %broadcast_in_dim3A_419 = vector.shape_cast %and3A_51 : vector<16xi32> to vector<16x1xi32>
        %gather3A_420 = vector.shape_cast %broadcast_in_dim3A_419 : vector<16x1xi32> to vector<16xi32>
        %gather3A_421 = tpu.dynamic_gather %add3A_414[%gather3A_420] in [0] : vector<16xf32>, vector<16xi32> -> vector<16xf32>
        %add3A_422 = arith.addf %add3A_414, %gather3A_421 : vector<16xf32>
        %broadcast_in_dim3A_423 = vector.shape_cast %and3A_51 : vector<16xi32> to vector<16x1xi32>
        %gather3A_424 = vector.shape_cast %broadcast_in_dim3A_423 : vector<16x1xi32> to vector<16xi32>
        %gather3A_425 = tpu.dynamic_gather %add3A_418[%gather3A_424] in [0] : vector<16xf32>, vector<16xi32> -> vector<16xf32>
        %add3A_426 = arith.addf %add3A_418, %gather3A_425 : vector<16xf32>
        %mul3A_427 = arith.constant 1.562500e-02 : f32
        %mul3A_428 = vector.broadcast %mul3A_427 : f32 to vector<16xf32>
        %mul3A_429 = arith.mulf %add3A_422, %mul3A_428 : vector<16xf32>
        %mul3A_430 = arith.constant 1.562500e-02 : f32
        %mul3A_431 = vector.broadcast %mul3A_430 : f32 to vector<16xf32>
        %mul3A_432 = arith.mulf %add3A_426, %mul3A_431 : vector<16xf32>
        %mul3A_433 = arith.mulf %mul3A_429, %mul3A_429 : vector<16xf32>
        %sub3A_434 = arith.subf %mul3A_432, %mul3A_433 : vector<16xf32>
        %add3A_435 = arith.constant 9.99999996E-13 : f32
        %add3A_436 = vector.broadcast %add3A_435 : f32 to vector<16xf32>
        %add3A_437 = arith.addf %sub3A_434, %add3A_436 : vector<16xf32>
        %broadcast_in_dim3A_438 = arith.constant 1597463007 : i32
        %broadcast_in_dim3A_439 = vector.broadcast %broadcast_in_dim3A_438 : i32 to vector<16xi32>
        %mul3A_440 = arith.constant 5.000000e-01 : f32
        %mul3A_441 = vector.broadcast %mul3A_440 : f32 to vector<16xf32>
        %mul3A_442 = arith.mulf %add3A_437, %mul3A_441 : vector<16xf32>
        %bitcast_convert_type3A_443 = tpu.bitcast %add3A_437 : vector<16xf32> -> vector<16xi32>
        %shift_right_logical3A_444 = arith.constant 1 : i32
        %shift_right_logical3A_445 = vector.broadcast %shift_right_logical3A_444 : i32 to vector<16xi32>
        %shift_right_logical3A_446 = arith.shrui %bitcast_convert_type3A_443, %shift_right_logical3A_445 : vector<16xi32>
        %sub3A_447 = arith.subi %broadcast_in_dim3A_439, %shift_right_logical3A_446 : vector<16xi32>
        %bitcast_convert_type3A_448 = tpu.bitcast %sub3A_447 : vector<16xi32> -> vector<16xf32>
        %mul3A_449 = arith.mulf %mul3A_442, %bitcast_convert_type3A_448 : vector<16xf32>
        %mul3A_450 = arith.mulf %mul3A_449, %bitcast_convert_type3A_448 : vector<16xf32>
        %sub3A_451 = arith.constant 1.500000e+00 : f32
        %sub3A_452 = vector.broadcast %sub3A_451 : f32 to vector<16xf32>
        %sub3A_453 = arith.subf %sub3A_452, %mul3A_450 : vector<16xf32>
        %mul3A_454 = arith.mulf %bitcast_convert_type3A_448, %sub3A_453 : vector<16xf32>
        %mul3A_455 = arith.mulf %mul3A_442, %mul3A_454 : vector<16xf32>
        %mul3A_456 = arith.mulf %mul3A_455, %mul3A_454 : vector<16xf32>
        %sub3A_457 = arith.constant 1.500000e+00 : f32
        %sub3A_458 = vector.broadcast %sub3A_457 : f32 to vector<16xf32>
        %sub3A_459 = arith.subf %sub3A_458, %mul3A_456 : vector<16xf32>
        %mul3A_460 = arith.mulf %mul3A_454, %sub3A_459 : vector<16xf32>
        %sub3A_461 = arith.subf %add3A_357, %mul3A_429 : vector<16xf32>
        %mul3A_462 = arith.mulf %sub3A_461, %mul3A_460 : vector<16xf32>
        %mul3A_463 = arith.mulf %mul3A_462, %get3A_7 : vector<16xf32>
        %add3A_464 = arith.addf %mul3A_463, %get3A_19 : vector<16xf32>
        %swap3A_465 = arith.index_cast %add3A_348 : i32 to index
        %swap3A_466 = arith.constant 0 : index
        %swap3A_467 = tpu.vector_load %arg15[%swap3A_465, %swap3A_466] {strides = array<i32>} : memref<200x64xf32, #tpu.memory_space<vmem>>, vector<1x16xf32>,
        %swap3A_468 = vector.shape_cast %swap3A_467 : vector<1x16xf32> to vector<16xf32>
        %swap3A_469 = vector.shape_cast %add3A_464 : vector<16xf32> to vector<1x16xf32>
        tpu.vector_store %arg15[%swap3A_465, %swap3A_466], %swap3A_469 {strides = array<i32>} : memref<200x64xf32, #tpu.memory_space<vmem>>, vector<1x16xf32>,
        %sub3A_470 = arith.subf %add3A_366, %mul3A_429 : vector<16xf32>
        %mul3A_471 = arith.mulf %sub3A_470, %mul3A_460 : vector<16xf32>
        %mul3A_472 = arith.mulf %mul3A_471, %get3A_10 : vector<16xf32>
        %add3A_473 = arith.addf %mul3A_472, %get3A_22 : vector<16xf32>
        %swap3A_474 = arith.index_cast %add3A_348 : i32 to index
        %swap3A_475 = arith.constant 16 : index
        %swap3A_476 = tpu.vector_load %arg15[%swap3A_474, %swap3A_475] {strides = array<i32>} : memref<200x64xf32, #tpu.memory_space<vmem>>, vector<1x16xf32>,
        %swap3A_477 = vector.shape_cast %swap3A_476 : vector<1x16xf32> to vector<16xf32>
        %swap3A_478 = vector.shape_cast %add3A_473 : vector<16xf32> to vector<1x16xf32>
        tpu.vector_store %arg15[%swap3A_474, %swap3A_475], %swap3A_478 {strides = array<i32>} : memref<200x64xf32, #tpu.memory_space<vmem>>, vector<1x16xf32>,
        %sub3A_479 = arith.subf %add3A_375, %mul3A_429 : vector<16xf32>
        %mul3A_480 = arith.mulf %sub3A_479, %mul3A_460 : vector<16xf32>
        %mul3A_481 = arith.mulf %mul3A_480, %get3A_13 : vector<16xf32>
        %add3A_482 = arith.addf %mul3A_481, %get3A_25 : vector<16xf32>
        %swap3A_483 = arith.index_cast %add3A_348 : i32 to index
        %swap3A_484 = arith.constant 32 : index
        %swap3A_485 = tpu.vector_load %arg15[%swap3A_483, %swap3A_484] {strides = array<i32>} : memref<200x64xf32, #tpu.memory_space<vmem>>, vector<1x16xf32>,
        %swap3A_486 = vector.shape_cast %swap3A_485 : vector<1x16xf32> to vector<16xf32>
        %swap3A_487 = vector.shape_cast %add3A_482 : vector<16xf32> to vector<1x16xf32>
        tpu.vector_store %arg15[%swap3A_483, %swap3A_484], %swap3A_487 {strides = array<i32>} : memref<200x64xf32, #tpu.memory_space<vmem>>, vector<1x16xf32>,
        %sub3A_488 = arith.subf %add3A_384, %mul3A_429 : vector<16xf32>
        %mul3A_489 = arith.mulf %sub3A_488, %mul3A_460 : vector<16xf32>
        %mul3A_490 = arith.mulf %mul3A_489, %get3A_16 : vector<16xf32>
        %add3A_491 = arith.addf %mul3A_490, %get3A_28 : vector<16xf32>
        %swap3A_492 = arith.index_cast %add3A_348 : i32 to index
        %swap3A_493 = arith.constant 48 : index
        %swap3A_494 = tpu.vector_load %arg15[%swap3A_492, %swap3A_493] {strides = array<i32>} : memref<200x64xf32, #tpu.memory_space<vmem>>, vector<1x16xf32>,
        %swap3A_495 = vector.shape_cast %swap3A_494 : vector<1x16xf32> to vector<16xf32>
        %swap3A_496 = vector.shape_cast %add3A_491 : vector<16xf32> to vector<1x16xf32>
        tpu.vector_store %arg15[%swap3A_492, %swap3A_493], %swap3A_496 {strides = array<i32>} : memref<200x64xf32, #tpu.memory_space<vmem>>, vector<1x16xf32>,
        %add3A_497 = arith.constant 2 : i32
        %add3A_498 = arith.addi %mul3A_202, %add3A_497 : i32
        %get3A_499 = arith.index_cast %add3A_498 : i32 to index
        %get3A_500 = arith.constant 0 : index
        %get3A_501 = tpu.vector_load %arg13[%get3A_499, %get3A_500] {strides = array<i32>} : memref<200x64xf32, #tpu.memory_space<vmem>>, vector<1x16xf32>,
        %get3A_502 = vector.shape_cast %get3A_501 : vector<1x16xf32> to vector<16xf32>
        %get3A_503 = arith.index_cast %add3A_498 : i32 to index
        %get3A_504 = arith.constant 0 : index
        %get3A_505 = tpu.vector_load %arg8[%get3A_503, %get3A_504] {strides = array<i32>} : memref<200x64xf32, #tpu.memory_space<vmem>>, vector<1x16xf32>,
        %get3A_506 = vector.shape_cast %get3A_505 : vector<1x16xf32> to vector<16xf32>
        %add3A_507 = arith.addf %get3A_502, %get3A_506 : vector<16xf32>
        %get3A_508 = arith.index_cast %add3A_498 : i32 to index
        %get3A_509 = arith.constant 16 : index
        %get3A_510 = tpu.vector_load %arg13[%get3A_508, %get3A_509] {strides = array<i32>} : memref<200x64xf32, #tpu.memory_space<vmem>>, vector<1x16xf32>,
        %get3A_511 = vector.shape_cast %get3A_510 : vector<1x16xf32> to vector<16xf32>
        %get3A_512 = arith.index_cast %add3A_498 : i32 to index
        %get3A_513 = arith.constant 16 : index
        %get3A_514 = tpu.vector_load %arg8[%get3A_512, %get3A_513] {strides = array<i32>} : memref<200x64xf32, #tpu.memory_space<vmem>>, vector<1x16xf32>,
        %get3A_515 = vector.shape_cast %get3A_514 : vector<1x16xf32> to vector<16xf32>
        %add3A_516 = arith.addf %get3A_511, %get3A_515 : vector<16xf32>
        %get3A_517 = arith.index_cast %add3A_498 : i32 to index
        %get3A_518 = arith.constant 32 : index
        %get3A_519 = tpu.vector_load %arg13[%get3A_517, %get3A_518] {strides = array<i32>} : memref<200x64xf32, #tpu.memory_space<vmem>>, vector<1x16xf32>,
        %get3A_520 = vector.shape_cast %get3A_519 : vector<1x16xf32> to vector<16xf32>
        %get3A_521 = arith.index_cast %add3A_498 : i32 to index
        %get3A_522 = arith.constant 32 : index
        %get3A_523 = tpu.vector_load %arg8[%get3A_521, %get3A_522] {strides = array<i32>} : memref<200x64xf32, #tpu.memory_space<vmem>>, vector<1x16xf32>,
        %get3A_524 = vector.shape_cast %get3A_523 : vector<1x16xf32> to vector<16xf32>
        %add3A_525 = arith.addf %get3A_520, %get3A_524 : vector<16xf32>
        %get3A_526 = arith.index_cast %add3A_498 : i32 to index
        %get3A_527 = arith.constant 48 : index
        %get3A_528 = tpu.vector_load %arg13[%get3A_526, %get3A_527] {strides = array<i32>} : memref<200x64xf32, #tpu.memory_space<vmem>>, vector<1x16xf32>,
        %get3A_529 = vector.shape_cast %get3A_528 : vector<1x16xf32> to vector<16xf32>
        %get3A_530 = arith.index_cast %add3A_498 : i32 to index
        %get3A_531 = arith.constant 48 : index
        %get3A_532 = tpu.vector_load %arg8[%get3A_530, %get3A_531] {strides = array<i32>} : memref<200x64xf32, #tpu.memory_space<vmem>>, vector<1x16xf32>,
        %get3A_533 = vector.shape_cast %get3A_532 : vector<1x16xf32> to vector<16xf32>
        %add3A_534 = arith.addf %get3A_529, %get3A_533 : vector<16xf32>
        %add3A_535 = arith.addf %add3A_507, %add3A_516 : vector<16xf32>
        %add3A_536 = arith.addf %add3A_525, %add3A_534 : vector<16xf32>
        %add3A_537 = arith.addf %add3A_535, %add3A_536 : vector<16xf32>
        %mul3A_538 = arith.mulf %add3A_507, %add3A_507 : vector<16xf32>
        %mul3A_539 = arith.mulf %add3A_516, %add3A_516 : vector<16xf32>
        %add3A_540 = arith.addf %mul3A_538, %mul3A_539 : vector<16xf32>
        %mul3A_541 = arith.mulf %add3A_525, %add3A_525 : vector<16xf32>
        %mul3A_542 = arith.mulf %add3A_534, %add3A_534 : vector<16xf32>
        %add3A_543 = arith.addf %mul3A_541, %mul3A_542 : vector<16xf32>
        %add3A_544 = arith.addf %add3A_540, %add3A_543 : vector<16xf32>
        %broadcast_in_dim3A_545 = vector.shape_cast %and3A_33 : vector<16xi32> to vector<16x1xi32>
        %gather3A_546 = vector.shape_cast %broadcast_in_dim3A_545 : vector<16x1xi32> to vector<16xi32>
        %gather3A_547 = tpu.dynamic_gather %add3A_537[%gather3A_546] in [0] : vector<16xf32>, vector<16xi32> -> vector<16xf32>
        %add3A_548 = arith.addf %add3A_537, %gather3A_547 : vector<16xf32>
        %broadcast_in_dim3A_549 = vector.shape_cast %and3A_33 : vector<16xi32> to vector<16x1xi32>
        %gather3A_550 = vector.shape_cast %broadcast_in_dim3A_549 : vector<16x1xi32> to vector<16xi32>
        %gather3A_551 = tpu.dynamic_gather %add3A_544[%gather3A_550] in [0] : vector<16xf32>, vector<16xi32> -> vector<16xf32>
        %add3A_552 = arith.addf %add3A_544, %gather3A_551 : vector<16xf32>
        %broadcast_in_dim3A_553 = vector.shape_cast %and3A_39 : vector<16xi32> to vector<16x1xi32>
        %gather3A_554 = vector.shape_cast %broadcast_in_dim3A_553 : vector<16x1xi32> to vector<16xi32>
        %gather3A_555 = tpu.dynamic_gather %add3A_548[%gather3A_554] in [0] : vector<16xf32>, vector<16xi32> -> vector<16xf32>
        %add3A_556 = arith.addf %add3A_548, %gather3A_555 : vector<16xf32>
        %broadcast_in_dim3A_557 = vector.shape_cast %and3A_39 : vector<16xi32> to vector<16x1xi32>
        %gather3A_558 = vector.shape_cast %broadcast_in_dim3A_557 : vector<16x1xi32> to vector<16xi32>
        %gather3A_559 = tpu.dynamic_gather %add3A_552[%gather3A_558] in [0] : vector<16xf32>, vector<16xi32> -> vector<16xf32>
        %add3A_560 = arith.addf %add3A_552, %gather3A_559 : vector<16xf32>
        %broadcast_in_dim3A_561 = vector.shape_cast %and3A_45 : vector<16xi32> to vector<16x1xi32>
        %gather3A_562 = vector.shape_cast %broadcast_in_dim3A_561 : vector<16x1xi32> to vector<16xi32>
        %gather3A_563 = tpu.dynamic_gather %add3A_556[%gather3A_562] in [0] : vector<16xf32>, vector<16xi32> -> vector<16xf32>
        %add3A_564 = arith.addf %add3A_556, %gather3A_563 : vector<16xf32>
        %broadcast_in_dim3A_565 = vector.shape_cast %and3A_45 : vector<16xi32> to vector<16x1xi32>
        %gather3A_566 = vector.shape_cast %broadcast_in_dim3A_565 : vector<16x1xi32> to vector<16xi32>
        %gather3A_567 = tpu.dynamic_gather %add3A_560[%gather3A_566] in [0] : vector<16xf32>, vector<16xi32> -> vector<16xf32>
        %add3A_568 = arith.addf %add3A_560, %gather3A_567 : vector<16xf32>
        %broadcast_in_dim3A_569 = vector.shape_cast %and3A_51 : vector<16xi32> to vector<16x1xi32>
        %gather3A_570 = vector.shape_cast %broadcast_in_dim3A_569 : vector<16x1xi32> to vector<16xi32>
        %gather3A_571 = tpu.dynamic_gather %add3A_564[%gather3A_570] in [0] : vector<16xf32>, vector<16xi32> -> vector<16xf32>
        %add3A_572 = arith.addf %add3A_564, %gather3A_571 : vector<16xf32>
        %broadcast_in_dim3A_573 = vector.shape_cast %and3A_51 : vector<16xi32> to vector<16x1xi32>
        %gather3A_574 = vector.shape_cast %broadcast_in_dim3A_573 : vector<16x1xi32> to vector<16xi32>
        %gather3A_575 = tpu.dynamic_gather %add3A_568[%gather3A_574] in [0] : vector<16xf32>, vector<16xi32> -> vector<16xf32>
        %add3A_576 = arith.addf %add3A_568, %gather3A_575 : vector<16xf32>
        %mul3A_577 = arith.constant 1.562500e-02 : f32
        %mul3A_578 = vector.broadcast %mul3A_577 : f32 to vector<16xf32>
        %mul3A_579 = arith.mulf %add3A_572, %mul3A_578 : vector<16xf32>
        %mul3A_580 = arith.constant 1.562500e-02 : f32
        %mul3A_581 = vector.broadcast %mul3A_580 : f32 to vector<16xf32>
        %mul3A_582 = arith.mulf %add3A_576, %mul3A_581 : vector<16xf32>
        %mul3A_583 = arith.mulf %mul3A_579, %mul3A_579 : vector<16xf32>
        %sub3A_584 = arith.subf %mul3A_582, %mul3A_583 : vector<16xf32>
        %add3A_585 = arith.constant 9.99999996E-13 : f32
        %add3A_586 = vector.broadcast %add3A_585 : f32 to vector<16xf32>
        %add3A_587 = arith.addf %sub3A_584, %add3A_586 : vector<16xf32>
        %broadcast_in_dim3A_588 = arith.constant 1597463007 : i32
        %broadcast_in_dim3A_589 = vector.broadcast %broadcast_in_dim3A_588 : i32 to vector<16xi32>
        %mul3A_590 = arith.constant 5.000000e-01 : f32
        %mul3A_591 = vector.broadcast %mul3A_590 : f32 to vector<16xf32>
        %mul3A_592 = arith.mulf %add3A_587, %mul3A_591 : vector<16xf32>
        %bitcast_convert_type3A_593 = tpu.bitcast %add3A_587 : vector<16xf32> -> vector<16xi32>
        %shift_right_logical3A_594 = arith.constant 1 : i32
        %shift_right_logical3A_595 = vector.broadcast %shift_right_logical3A_594 : i32 to vector<16xi32>
        %shift_right_logical3A_596 = arith.shrui %bitcast_convert_type3A_593, %shift_right_logical3A_595 : vector<16xi32>
        %sub3A_597 = arith.subi %broadcast_in_dim3A_589, %shift_right_logical3A_596 : vector<16xi32>
        %bitcast_convert_type3A_598 = tpu.bitcast %sub3A_597 : vector<16xi32> -> vector<16xf32>
        %mul3A_599 = arith.mulf %mul3A_592, %bitcast_convert_type3A_598 : vector<16xf32>
        %mul3A_600 = arith.mulf %mul3A_599, %bitcast_convert_type3A_598 : vector<16xf32>
        %sub3A_601 = arith.constant 1.500000e+00 : f32
        %sub3A_602 = vector.broadcast %sub3A_601 : f32 to vector<16xf32>
        %sub3A_603 = arith.subf %sub3A_602, %mul3A_600 : vector<16xf32>
        %mul3A_604 = arith.mulf %bitcast_convert_type3A_598, %sub3A_603 : vector<16xf32>
        %mul3A_605 = arith.mulf %mul3A_592, %mul3A_604 : vector<16xf32>
        %mul3A_606 = arith.mulf %mul3A_605, %mul3A_604 : vector<16xf32>
        %sub3A_607 = arith.constant 1.500000e+00 : f32
        %sub3A_608 = vector.broadcast %sub3A_607 : f32 to vector<16xf32>
        %sub3A_609 = arith.subf %sub3A_608, %mul3A_606 : vector<16xf32>
        %mul3A_610 = arith.mulf %mul3A_604, %sub3A_609 : vector<16xf32>
        %sub3A_611 = arith.subf %add3A_507, %mul3A_579 : vector<16xf32>
        %mul3A_612 = arith.mulf %sub3A_611, %mul3A_610 : vector<16xf32>
        %mul3A_613 = arith.mulf %mul3A_612, %get3A_7 : vector<16xf32>
        %add3A_614 = arith.addf %mul3A_613, %get3A_19 : vector<16xf32>
        %swap3A_615 = arith.index_cast %add3A_498 : i32 to index
        %swap3A_616 = arith.constant 0 : index
        %swap3A_617 = tpu.vector_load %arg15[%swap3A_615, %swap3A_616] {strides = array<i32>} : memref<200x64xf32, #tpu.memory_space<vmem>>, vector<1x16xf32>,
        %swap3A_618 = vector.shape_cast %swap3A_617 : vector<1x16xf32> to vector<16xf32>
        %swap3A_619 = vector.shape_cast %add3A_614 : vector<16xf32> to vector<1x16xf32>
        tpu.vector_store %arg15[%swap3A_615, %swap3A_616], %swap3A_619 {strides = array<i32>} : memref<200x64xf32, #tpu.memory_space<vmem>>, vector<1x16xf32>,
        %sub3A_620 = arith.subf %add3A_516, %mul3A_579 : vector<16xf32>
        %mul3A_621 = arith.mulf %sub3A_620, %mul3A_610 : vector<16xf32>
        %mul3A_622 = arith.mulf %mul3A_621, %get3A_10 : vector<16xf32>
        %add3A_623 = arith.addf %mul3A_622, %get3A_22 : vector<16xf32>
        %swap3A_624 = arith.index_cast %add3A_498 : i32 to index
        %swap3A_625 = arith.constant 16 : index
        %swap3A_626 = tpu.vector_load %arg15[%swap3A_624, %swap3A_625] {strides = array<i32>} : memref<200x64xf32, #tpu.memory_space<vmem>>, vector<1x16xf32>,
        %swap3A_627 = vector.shape_cast %swap3A_626 : vector<1x16xf32> to vector<16xf32>
        %swap3A_628 = vector.shape_cast %add3A_623 : vector<16xf32> to vector<1x16xf32>
        tpu.vector_store %arg15[%swap3A_624, %swap3A_625], %swap3A_628 {strides = array<i32>} : memref<200x64xf32, #tpu.memory_space<vmem>>, vector<1x16xf32>,
        %sub3A_629 = arith.subf %add3A_525, %mul3A_579 : vector<16xf32>
        %mul3A_630 = arith.mulf %sub3A_629, %mul3A_610 : vector<16xf32>
        %mul3A_631 = arith.mulf %mul3A_630, %get3A_13 : vector<16xf32>
        %add3A_632 = arith.addf %mul3A_631, %get3A_25 : vector<16xf32>
        %swap3A_633 = arith.index_cast %add3A_498 : i32 to index
        %swap3A_634 = arith.constant 32 : index
        %swap3A_635 = tpu.vector_load %arg15[%swap3A_633, %swap3A_634] {strides = array<i32>} : memref<200x64xf32, #tpu.memory_space<vmem>>, vector<1x16xf32>,
        %swap3A_636 = vector.shape_cast %swap3A_635 : vector<1x16xf32> to vector<16xf32>
        %swap3A_637 = vector.shape_cast %add3A_632 : vector<16xf32> to vector<1x16xf32>
        tpu.vector_store %arg15[%swap3A_633, %swap3A_634], %swap3A_637 {strides = array<i32>} : memref<200x64xf32, #tpu.memory_space<vmem>>, vector<1x16xf32>,
        %sub3A_638 = arith.subf %add3A_534, %mul3A_579 : vector<16xf32>
        %mul3A_639 = arith.mulf %sub3A_638, %mul3A_610 : vector<16xf32>
        %mul3A_640 = arith.mulf %mul3A_639, %get3A_16 : vector<16xf32>
        %add3A_641 = arith.addf %mul3A_640, %get3A_28 : vector<16xf32>
        %swap3A_642 = arith.index_cast %add3A_498 : i32 to index
        %swap3A_643 = arith.constant 48 : index
        %swap3A_644 = tpu.vector_load %arg15[%swap3A_642, %swap3A_643] {strides = array<i32>} : memref<200x64xf32, #tpu.memory_space<vmem>>, vector<1x16xf32>,
        %swap3A_645 = vector.shape_cast %swap3A_644 : vector<1x16xf32> to vector<16xf32>
        %swap3A_646 = vector.shape_cast %add3A_641 : vector<16xf32> to vector<1x16xf32>
        tpu.vector_store %arg15[%swap3A_642, %swap3A_643], %swap3A_646 {strides = array<i32>} : memref<200x64xf32, #tpu.memory_space<vmem>>, vector<1x16xf32>,
        %add3A_647 = arith.constant 3 : i32
        %add3A_648 = arith.addi %mul3A_202, %add3A_647 : i32
        %get3A_649 = arith.index_cast %add3A_648 : i32 to index
        %get3A_650 = arith.constant 0 : index
        %get3A_651 = tpu.vector_load %arg13[%get3A_649, %get3A_650] {strides = array<i32>} : memref<200x64xf32, #tpu.memory_space<vmem>>, vector<1x16xf32>,
        %get3A_652 = vector.shape_cast %get3A_651 : vector<1x16xf32> to vector<16xf32>
        %get3A_653 = arith.index_cast %add3A_648 : i32 to index
        %get3A_654 = arith.constant 0 : index
        %get3A_655 = tpu.vector_load %arg8[%get3A_653, %get3A_654] {strides = array<i32>} : memref<200x64xf32, #tpu.memory_space<vmem>>, vector<1x16xf32>,
        %get3A_656 = vector.shape_cast %get3A_655 : vector<1x16xf32> to vector<16xf32>
        %add3A_657 = arith.addf %get3A_652, %get3A_656 : vector<16xf32>
        %get3A_658 = arith.index_cast %add3A_648 : i32 to index
        %get3A_659 = arith.constant 16 : index
        %get3A_660 = tpu.vector_load %arg13[%get3A_658, %get3A_659] {strides = array<i32>} : memref<200x64xf32, #tpu.memory_space<vmem>>, vector<1x16xf32>,
        %get3A_661 = vector.shape_cast %get3A_660 : vector<1x16xf32> to vector<16xf32>
        %get3A_662 = arith.index_cast %add3A_648 : i32 to index
        %get3A_663 = arith.constant 16 : index
        %get3A_664 = tpu.vector_load %arg8[%get3A_662, %get3A_663] {strides = array<i32>} : memref<200x64xf32, #tpu.memory_space<vmem>>, vector<1x16xf32>,
        %get3A_665 = vector.shape_cast %get3A_664 : vector<1x16xf32> to vector<16xf32>
        %add3A_666 = arith.addf %get3A_661, %get3A_665 : vector<16xf32>
        %get3A_667 = arith.index_cast %add3A_648 : i32 to index
        %get3A_668 = arith.constant 32 : index
        %get3A_669 = tpu.vector_load %arg13[%get3A_667, %get3A_668] {strides = array<i32>} : memref<200x64xf32, #tpu.memory_space<vmem>>, vector<1x16xf32>,
        %get3A_670 = vector.shape_cast %get3A_669 : vector<1x16xf32> to vector<16xf32>
        %get3A_671 = arith.index_cast %add3A_648 : i32 to index
        %get3A_672 = arith.constant 32 : index
        %get3A_673 = tpu.vector_load %arg8[%get3A_671, %get3A_672] {strides = array<i32>} : memref<200x64xf32, #tpu.memory_space<vmem>>, vector<1x16xf32>,
        %get3A_674 = vector.shape_cast %get3A_673 : vector<1x16xf32> to vector<16xf32>
        %add3A_675 = arith.addf %get3A_670, %get3A_674 : vector<16xf32>
        %get3A_676 = arith.index_cast %add3A_648 : i32 to index
        %get3A_677 = arith.constant 48 : index
        %get3A_678 = tpu.vector_load %arg13[%get3A_676, %get3A_677] {strides = array<i32>} : memref<200x64xf32, #tpu.memory_space<vmem>>, vector<1x16xf32>,
        %get3A_679 = vector.shape_cast %get3A_678 : vector<1x16xf32> to vector<16xf32>
        %get3A_680 = arith.index_cast %add3A_648 : i32 to index
        %get3A_681 = arith.constant 48 : index
        %get3A_682 = tpu.vector_load %arg8[%get3A_680, %get3A_681] {strides = array<i32>} : memref<200x64xf32, #tpu.memory_space<vmem>>, vector<1x16xf32>,
        %get3A_683 = vector.shape_cast %get3A_682 : vector<1x16xf32> to vector<16xf32>
        %add3A_684 = arith.addf %get3A_679, %get3A_683 : vector<16xf32>
        %add3A_685 = arith.addf %add3A_657, %add3A_666 : vector<16xf32>
        %add3A_686 = arith.addf %add3A_675, %add3A_684 : vector<16xf32>
        %add3A_687 = arith.addf %add3A_685, %add3A_686 : vector<16xf32>
        %mul3A_688 = arith.mulf %add3A_657, %add3A_657 : vector<16xf32>
        %mul3A_689 = arith.mulf %add3A_666, %add3A_666 : vector<16xf32>
        %add3A_690 = arith.addf %mul3A_688, %mul3A_689 : vector<16xf32>
        %mul3A_691 = arith.mulf %add3A_675, %add3A_675 : vector<16xf32>
        %mul3A_692 = arith.mulf %add3A_684, %add3A_684 : vector<16xf32>
        %add3A_693 = arith.addf %mul3A_691, %mul3A_692 : vector<16xf32>
        %add3A_694 = arith.addf %add3A_690, %add3A_693 : vector<16xf32>
        %broadcast_in_dim3A_695 = vector.shape_cast %and3A_33 : vector<16xi32> to vector<16x1xi32>
        %gather3A_696 = vector.shape_cast %broadcast_in_dim3A_695 : vector<16x1xi32> to vector<16xi32>
        %gather3A_697 = tpu.dynamic_gather %add3A_687[%gather3A_696] in [0] : vector<16xf32>, vector<16xi32> -> vector<16xf32>
        %add3A_698 = arith.addf %add3A_687, %gather3A_697 : vector<16xf32>
        %broadcast_in_dim3A_699 = vector.shape_cast %and3A_33 : vector<16xi32> to vector<16x1xi32>
        %gather3A_700 = vector.shape_cast %broadcast_in_dim3A_699 : vector<16x1xi32> to vector<16xi32>
        %gather3A_701 = tpu.dynamic_gather %add3A_694[%gather3A_700] in [0] : vector<16xf32>, vector<16xi32> -> vector<16xf32>
        %add3A_702 = arith.addf %add3A_694, %gather3A_701 : vector<16xf32>
        %broadcast_in_dim3A_703 = vector.shape_cast %and3A_39 : vector<16xi32> to vector<16x1xi32>
        %gather3A_704 = vector.shape_cast %broadcast_in_dim3A_703 : vector<16x1xi32> to vector<16xi32>
        %gather3A_705 = tpu.dynamic_gather %add3A_698[%gather3A_704] in [0] : vector<16xf32>, vector<16xi32> -> vector<16xf32>
        %add3A_706 = arith.addf %add3A_698, %gather3A_705 : vector<16xf32>
        %broadcast_in_dim3A_707 = vector.shape_cast %and3A_39 : vector<16xi32> to vector<16x1xi32>
        %gather3A_708 = vector.shape_cast %broadcast_in_dim3A_707 : vector<16x1xi32> to vector<16xi32>
        %gather3A_709 = tpu.dynamic_gather %add3A_702[%gather3A_708] in [0] : vector<16xf32>, vector<16xi32> -> vector<16xf32>
        %add3A_710 = arith.addf %add3A_702, %gather3A_709 : vector<16xf32>
        %broadcast_in_dim3A_711 = vector.shape_cast %and3A_45 : vector<16xi32> to vector<16x1xi32>
        %gather3A_712 = vector.shape_cast %broadcast_in_dim3A_711 : vector<16x1xi32> to vector<16xi32>
        %gather3A_713 = tpu.dynamic_gather %add3A_706[%gather3A_712] in [0] : vector<16xf32>, vector<16xi32> -> vector<16xf32>
        %add3A_714 = arith.addf %add3A_706, %gather3A_713 : vector<16xf32>
        %broadcast_in_dim3A_715 = vector.shape_cast %and3A_45 : vector<16xi32> to vector<16x1xi32>
        %gather3A_716 = vector.shape_cast %broadcast_in_dim3A_715 : vector<16x1xi32> to vector<16xi32>
        %gather3A_717 = tpu.dynamic_gather %add3A_710[%gather3A_716] in [0] : vector<16xf32>, vector<16xi32> -> vector<16xf32>
        %add3A_718 = arith.addf %add3A_710, %gather3A_717 : vector<16xf32>
        %broadcast_in_dim3A_719 = vector.shape_cast %and3A_51 : vector<16xi32> to vector<16x1xi32>
        %gather3A_720 = vector.shape_cast %broadcast_in_dim3A_719 : vector<16x1xi32> to vector<16xi32>
        %gather3A_721 = tpu.dynamic_gather %add3A_714[%gather3A_720] in [0] : vector<16xf32>, vector<16xi32> -> vector<16xf32>
        %add3A_722 = arith.addf %add3A_714, %gather3A_721 : vector<16xf32>
        %broadcast_in_dim3A_723 = vector.shape_cast %and3A_51 : vector<16xi32> to vector<16x1xi32>
        %gather3A_724 = vector.shape_cast %broadcast_in_dim3A_723 : vector<16x1xi32> to vector<16xi32>
        %gather3A_725 = tpu.dynamic_gather %add3A_718[%gather3A_724] in [0] : vector<16xf32>, vector<16xi32> -> vector<16xf32>
        %add3A_726 = arith.addf %add3A_718, %gather3A_725 : vector<16xf32>
        %mul3A_727 = arith.constant 1.562500e-02 : f32
        %mul3A_728 = vector.broadcast %mul3A_727 : f32 to vector<16xf32>
        %mul3A_729 = arith.mulf %add3A_722, %mul3A_728 : vector<16xf32>
        %mul3A_730 = arith.constant 1.562500e-02 : f32
        %mul3A_731 = vector.broadcast %mul3A_730 : f32 to vector<16xf32>
        %mul3A_732 = arith.mulf %add3A_726, %mul3A_731 : vector<16xf32>
        %mul3A_733 = arith.mulf %mul3A_729, %mul3A_729 : vector<16xf32>
        %sub3A_734 = arith.subf %mul3A_732, %mul3A_733 : vector<16xf32>
        %add3A_735 = arith.constant 9.99999996E-13 : f32
        %add3A_736 = vector.broadcast %add3A_735 : f32 to vector<16xf32>
        %add3A_737 = arith.addf %sub3A_734, %add3A_736 : vector<16xf32>
        %broadcast_in_dim3A_738 = arith.constant 1597463007 : i32
        %broadcast_in_dim3A_739 = vector.broadcast %broadcast_in_dim3A_738 : i32 to vector<16xi32>
        %mul3A_740 = arith.constant 5.000000e-01 : f32
        %mul3A_741 = vector.broadcast %mul3A_740 : f32 to vector<16xf32>
        %mul3A_742 = arith.mulf %add3A_737, %mul3A_741 : vector<16xf32>
        %bitcast_convert_type3A_743 = tpu.bitcast %add3A_737 : vector<16xf32> -> vector<16xi32>
        %shift_right_logical3A_744 = arith.constant 1 : i32
        %shift_right_logical3A_745 = vector.broadcast %shift_right_logical3A_744 : i32 to vector<16xi32>
        %shift_right_logical3A_746 = arith.shrui %bitcast_convert_type3A_743, %shift_right_logical3A_745 : vector<16xi32>
        %sub3A_747 = arith.subi %broadcast_in_dim3A_739, %shift_right_logical3A_746 : vector<16xi32>
        %bitcast_convert_type3A_748 = tpu.bitcast %sub3A_747 : vector<16xi32> -> vector<16xf32>
        %mul3A_749 = arith.mulf %mul3A_742, %bitcast_convert_type3A_748 : vector<16xf32>
        %mul3A_750 = arith.mulf %mul3A_749, %bitcast_convert_type3A_748 : vector<16xf32>
        %sub3A_751 = arith.constant 1.500000e+00 : f32
        %sub3A_752 = vector.broadcast %sub3A_751 : f32 to vector<16xf32>
        %sub3A_753 = arith.subf %sub3A_752, %mul3A_750 : vector<16xf32>
        %mul3A_754 = arith.mulf %bitcast_convert_type3A_748, %sub3A_753 : vector<16xf32>
        %mul3A_755 = arith.mulf %mul3A_742, %mul3A_754 : vector<16xf32>
        %mul3A_756 = arith.mulf %mul3A_755, %mul3A_754 : vector<16xf32>
        %sub3A_757 = arith.constant 1.500000e+00 : f32
        %sub3A_758 = vector.broadcast %sub3A_757 : f32 to vector<16xf32>
        %sub3A_759 = arith.subf %sub3A_758, %mul3A_756 : vector<16xf32>
        %mul3A_760 = arith.mulf %mul3A_754, %sub3A_759 : vector<16xf32>
        %sub3A_761 = arith.subf %add3A_657, %mul3A_729 : vector<16xf32>
        %mul3A_762 = arith.mulf %sub3A_761, %mul3A_760 : vector<16xf32>
        %mul3A_763 = arith.mulf %mul3A_762, %get3A_7 : vector<16xf32>
        %add3A_764 = arith.addf %mul3A_763, %get3A_19 : vector<16xf32>
        %swap3A_765 = arith.index_cast %add3A_648 : i32 to index
        %swap3A_766 = arith.constant 0 : index
        %swap3A_767 = tpu.vector_load %arg15[%swap3A_765, %swap3A_766] {strides = array<i32>} : memref<200x64xf32, #tpu.memory_space<vmem>>, vector<1x16xf32>,
        %swap3A_768 = vector.shape_cast %swap3A_767 : vector<1x16xf32> to vector<16xf32>
        %swap3A_769 = vector.shape_cast %add3A_764 : vector<16xf32> to vector<1x16xf32>
        tpu.vector_store %arg15[%swap3A_765, %swap3A_766], %swap3A_769 {strides = array<i32>} : memref<200x64xf32, #tpu.memory_space<vmem>>, vector<1x16xf32>,
        %sub3A_770 = arith.subf %add3A_666, %mul3A_729 : vector<16xf32>
        %mul3A_771 = arith.mulf %sub3A_770, %mul3A_760 : vector<16xf32>
        %mul3A_772 = arith.mulf %mul3A_771, %get3A_10 : vector<16xf32>
        %add3A_773 = arith.addf %mul3A_772, %get3A_22 : vector<16xf32>
        %swap3A_774 = arith.index_cast %add3A_648 : i32 to index
        %swap3A_775 = arith.constant 16 : index
        %swap3A_776 = tpu.vector_load %arg15[%swap3A_774, %swap3A_775] {strides = array<i32>} : memref<200x64xf32, #tpu.memory_space<vmem>>, vector<1x16xf32>,
        %swap3A_777 = vector.shape_cast %swap3A_776 : vector<1x16xf32> to vector<16xf32>
        %swap3A_778 = vector.shape_cast %add3A_773 : vector<16xf32> to vector<1x16xf32>
        tpu.vector_store %arg15[%swap3A_774, %swap3A_775], %swap3A_778 {strides = array<i32>} : memref<200x64xf32, #tpu.memory_space<vmem>>, vector<1x16xf32>,
        %sub3A_779 = arith.subf %add3A_675, %mul3A_729 : vector<16xf32>
        %mul3A_780 = arith.mulf %sub3A_779, %mul3A_760 : vector<16xf32>
        %mul3A_781 = arith.mulf %mul3A_780, %get3A_13 : vector<16xf32>
        %add3A_782 = arith.addf %mul3A_781, %get3A_25 : vector<16xf32>
        %swap3A_783 = arith.index_cast %add3A_648 : i32 to index
        %swap3A_784 = arith.constant 32 : index
        %swap3A_785 = tpu.vector_load %arg15[%swap3A_783, %swap3A_784] {strides = array<i32>} : memref<200x64xf32, #tpu.memory_space<vmem>>, vector<1x16xf32>,
        %swap3A_786 = vector.shape_cast %swap3A_785 : vector<1x16xf32> to vector<16xf32>
        %swap3A_787 = vector.shape_cast %add3A_782 : vector<16xf32> to vector<1x16xf32>
        tpu.vector_store %arg15[%swap3A_783, %swap3A_784], %swap3A_787 {strides = array<i32>} : memref<200x64xf32, #tpu.memory_space<vmem>>, vector<1x16xf32>,
        %sub3A_788 = arith.subf %add3A_684, %mul3A_729 : vector<16xf32>
        %mul3A_789 = arith.mulf %sub3A_788, %mul3A_760 : vector<16xf32>
        %mul3A_790 = arith.mulf %mul3A_789, %get3A_16 : vector<16xf32>
        %add3A_791 = arith.addf %mul3A_790, %get3A_28 : vector<16xf32>
        %swap3A_792 = arith.index_cast %add3A_648 : i32 to index
        %swap3A_793 = arith.constant 48 : index
        %swap3A_794 = tpu.vector_load %arg15[%swap3A_792, %swap3A_793] {strides = array<i32>} : memref<200x64xf32, #tpu.memory_space<vmem>>, vector<1x16xf32>,
        %swap3A_795 = vector.shape_cast %swap3A_794 : vector<1x16xf32> to vector<16xf32>
        %swap3A_796 = vector.shape_cast %add3A_791 : vector<16xf32> to vector<1x16xf32>
        tpu.vector_store %arg15[%swap3A_792, %swap3A_793], %swap3A_796 {strides = array<i32>} : memref<200x64xf32, #tpu.memory_space<vmem>>, vector<1x16xf32>,
        %add3A_797 = arith.constant 4 : i32
        %add3A_798 = arith.addi %mul3A_202, %add3A_797 : i32
        %get3A_799 = arith.index_cast %add3A_798 : i32 to index
        %get3A_800 = arith.constant 0 : index
        %get3A_801 = tpu.vector_load %arg13[%get3A_799, %get3A_800] {strides = array<i32>} : memref<200x64xf32, #tpu.memory_space<vmem>>, vector<1x16xf32>,
        %get3A_802 = vector.shape_cast %get3A_801 : vector<1x16xf32> to vector<16xf32>
        %get3A_803 = arith.index_cast %add3A_798 : i32 to index
        %get3A_804 = arith.constant 0 : index
        %get3A_805 = tpu.vector_load %arg8[%get3A_803, %get3A_804] {strides = array<i32>} : memref<200x64xf32, #tpu.memory_space<vmem>>, vector<1x16xf32>,
        %get3A_806 = vector.shape_cast %get3A_805 : vector<1x16xf32> to vector<16xf32>
        %add3A_807 = arith.addf %get3A_802, %get3A_806 : vector<16xf32>
        %get3A_808 = arith.index_cast %add3A_798 : i32 to index
        %get3A_809 = arith.constant 16 : index
        %get3A_810 = tpu.vector_load %arg13[%get3A_808, %get3A_809] {strides = array<i32>} : memref<200x64xf32, #tpu.memory_space<vmem>>, vector<1x16xf32>,
        %get3A_811 = vector.shape_cast %get3A_810 : vector<1x16xf32> to vector<16xf32>
        %get3A_812 = arith.index_cast %add3A_798 : i32 to index
        %get3A_813 = arith.constant 16 : index
        %get3A_814 = tpu.vector_load %arg8[%get3A_812, %get3A_813] {strides = array<i32>} : memref<200x64xf32, #tpu.memory_space<vmem>>, vector<1x16xf32>,
        %get3A_815 = vector.shape_cast %get3A_814 : vector<1x16xf32> to vector<16xf32>
        %add3A_816 = arith.addf %get3A_811, %get3A_815 : vector<16xf32>
        %get3A_817 = arith.index_cast %add3A_798 : i32 to index
        %get3A_818 = arith.constant 32 : index
        %get3A_819 = tpu.vector_load %arg13[%get3A_817, %get3A_818] {strides = array<i32>} : memref<200x64xf32, #tpu.memory_space<vmem>>, vector<1x16xf32>,
        %get3A_820 = vector.shape_cast %get3A_819 : vector<1x16xf32> to vector<16xf32>
        %get3A_821 = arith.index_cast %add3A_798 : i32 to index
        %get3A_822 = arith.constant 32 : index
        %get3A_823 = tpu.vector_load %arg8[%get3A_821, %get3A_822] {strides = array<i32>} : memref<200x64xf32, #tpu.memory_space<vmem>>, vector<1x16xf32>,
        %get3A_824 = vector.shape_cast %get3A_823 : vector<1x16xf32> to vector<16xf32>
        %add3A_825 = arith.addf %get3A_820, %get3A_824 : vector<16xf32>
        %get3A_826 = arith.index_cast %add3A_798 : i32 to index
        %get3A_827 = arith.constant 48 : index
        %get3A_828 = tpu.vector_load %arg13[%get3A_826, %get3A_827] {strides = array<i32>} : memref<200x64xf32, #tpu.memory_space<vmem>>, vector<1x16xf32>,
        %get3A_829 = vector.shape_cast %get3A_828 : vector<1x16xf32> to vector<16xf32>
        %get3A_830 = arith.index_cast %add3A_798 : i32 to index
        %get3A_831 = arith.constant 48 : index
        %get3A_832 = tpu.vector_load %arg8[%get3A_830, %get3A_831] {strides = array<i32>} : memref<200x64xf32, #tpu.memory_space<vmem>>, vector<1x16xf32>,
        %get3A_833 = vector.shape_cast %get3A_832 : vector<1x16xf32> to vector<16xf32>
        %add3A_834 = arith.addf %get3A_829, %get3A_833 : vector<16xf32>
        %add3A_835 = arith.addf %add3A_807, %add3A_816 : vector<16xf32>
        %add3A_836 = arith.addf %add3A_825, %add3A_834 : vector<16xf32>
        %add3A_837 = arith.addf %add3A_835, %add3A_836 : vector<16xf32>
        %mul3A_838 = arith.mulf %add3A_807, %add3A_807 : vector<16xf32>
        %mul3A_839 = arith.mulf %add3A_816, %add3A_816 : vector<16xf32>
        %add3A_840 = arith.addf %mul3A_838, %mul3A_839 : vector<16xf32>
        %mul3A_841 = arith.mulf %add3A_825, %add3A_825 : vector<16xf32>
        %mul3A_842 = arith.mulf %add3A_834, %add3A_834 : vector<16xf32>
        %add3A_843 = arith.addf %mul3A_841, %mul3A_842 : vector<16xf32>
        %add3A_844 = arith.addf %add3A_840, %add3A_843 : vector<16xf32>
        %broadcast_in_dim3A_845 = vector.shape_cast %and3A_33 : vector<16xi32> to vector<16x1xi32>
        %gather3A_846 = vector.shape_cast %broadcast_in_dim3A_845 : vector<16x1xi32> to vector<16xi32>
        %gather3A_847 = tpu.dynamic_gather %add3A_837[%gather3A_846] in [0] : vector<16xf32>, vector<16xi32> -> vector<16xf32>
        %add3A_848 = arith.addf %add3A_837, %gather3A_847 : vector<16xf32>
        %broadcast_in_dim3A_849 = vector.shape_cast %and3A_33 : vector<16xi32> to vector<16x1xi32>
        %gather3A_850 = vector.shape_cast %broadcast_in_dim3A_849 : vector<16x1xi32> to vector<16xi32>
        %gather3A_851 = tpu.dynamic_gather %add3A_844[%gather3A_850] in [0] : vector<16xf32>, vector<16xi32> -> vector<16xf32>
        %add3A_852 = arith.addf %add3A_844, %gather3A_851 : vector<16xf32>
        %broadcast_in_dim3A_853 = vector.shape_cast %and3A_39 : vector<16xi32> to vector<16x1xi32>
        %gather3A_854 = vector.shape_cast %broadcast_in_dim3A_853 : vector<16x1xi32> to vector<16xi32>
        %gather3A_855 = tpu.dynamic_gather %add3A_848[%gather3A_854] in [0] : vector<16xf32>, vector<16xi32> -> vector<16xf32>
        %add3A_856 = arith.addf %add3A_848, %gather3A_855 : vector<16xf32>
        %broadcast_in_dim3A_857 = vector.shape_cast %and3A_39 : vector<16xi32> to vector<16x1xi32>
        %gather3A_858 = vector.shape_cast %broadcast_in_dim3A_857 : vector<16x1xi32> to vector<16xi32>
        %gather3A_859 = tpu.dynamic_gather %add3A_852[%gather3A_858] in [0] : vector<16xf32>, vector<16xi32> -> vector<16xf32>
        %add3A_860 = arith.addf %add3A_852, %gather3A_859 : vector<16xf32>
        %broadcast_in_dim3A_861 = vector.shape_cast %and3A_45 : vector<16xi32> to vector<16x1xi32>
        %gather3A_862 = vector.shape_cast %broadcast_in_dim3A_861 : vector<16x1xi32> to vector<16xi32>
        %gather3A_863 = tpu.dynamic_gather %add3A_856[%gather3A_862] in [0] : vector<16xf32>, vector<16xi32> -> vector<16xf32>
        %add3A_864 = arith.addf %add3A_856, %gather3A_863 : vector<16xf32>
        %broadcast_in_dim3A_865 = vector.shape_cast %and3A_45 : vector<16xi32> to vector<16x1xi32>
        %gather3A_866 = vector.shape_cast %broadcast_in_dim3A_865 : vector<16x1xi32> to vector<16xi32>
        %gather3A_867 = tpu.dynamic_gather %add3A_860[%gather3A_866] in [0] : vector<16xf32>, vector<16xi32> -> vector<16xf32>
        %add3A_868 = arith.addf %add3A_860, %gather3A_867 : vector<16xf32>
        %broadcast_in_dim3A_869 = vector.shape_cast %and3A_51 : vector<16xi32> to vector<16x1xi32>
        %gather3A_870 = vector.shape_cast %broadcast_in_dim3A_869 : vector<16x1xi32> to vector<16xi32>
        %gather3A_871 = tpu.dynamic_gather %add3A_864[%gather3A_870] in [0] : vector<16xf32>, vector<16xi32> -> vector<16xf32>
        %add3A_872 = arith.addf %add3A_864, %gather3A_871 : vector<16xf32>
        %broadcast_in_dim3A_873 = vector.shape_cast %and3A_51 : vector<16xi32> to vector<16x1xi32>
        %gather3A_874 = vector.shape_cast %broadcast_in_dim3A_873 : vector<16x1xi32> to vector<16xi32>
        %gather3A_875 = tpu.dynamic_gather %add3A_868[%gather3A_874] in [0] : vector<16xf32>, vector<16xi32> -> vector<16xf32>
        %add3A_876 = arith.addf %add3A_868, %gather3A_875 : vector<16xf32>
        %mul3A_877 = arith.constant 1.562500e-02 : f32
        %mul3A_878 = vector.broadcast %mul3A_877 : f32 to vector<16xf32>
        %mul3A_879 = arith.mulf %add3A_872, %mul3A_878 : vector<16xf32>
        %mul3A_880 = arith.constant 1.562500e-02 : f32
        %mul3A_881 = vector.broadcast %mul3A_880 : f32 to vector<16xf32>
        %mul3A_882 = arith.mulf %add3A_876, %mul3A_881 : vector<16xf32>
        %mul3A_883 = arith.mulf %mul3A_879, %mul3A_879 : vector<16xf32>
        %sub3A_884 = arith.subf %mul3A_882, %mul3A_883 : vector<16xf32>
        %add3A_885 = arith.constant 9.99999996E-13 : f32
        %add3A_886 = vector.broadcast %add3A_885 : f32 to vector<16xf32>
        %add3A_887 = arith.addf %sub3A_884, %add3A_886 : vector<16xf32>
        %broadcast_in_dim3A_888 = arith.constant 1597463007 : i32
        %broadcast_in_dim3A_889 = vector.broadcast %broadcast_in_dim3A_888 : i32 to vector<16xi32>
        %mul3A_890 = arith.constant 5.000000e-01 : f32
        %mul3A_891 = vector.broadcast %mul3A_890 : f32 to vector<16xf32>
        %mul3A_892 = arith.mulf %add3A_887, %mul3A_891 : vector<16xf32>
        %bitcast_convert_type3A_893 = tpu.bitcast %add3A_887 : vector<16xf32> -> vector<16xi32>
        %shift_right_logical3A_894 = arith.constant 1 : i32
        %shift_right_logical3A_895 = vector.broadcast %shift_right_logical3A_894 : i32 to vector<16xi32>
        %shift_right_logical3A_896 = arith.shrui %bitcast_convert_type3A_893, %shift_right_logical3A_895 : vector<16xi32>
        %sub3A_897 = arith.subi %broadcast_in_dim3A_889, %shift_right_logical3A_896 : vector<16xi32>
        %bitcast_convert_type3A_898 = tpu.bitcast %sub3A_897 : vector<16xi32> -> vector<16xf32>
        %mul3A_899 = arith.mulf %mul3A_892, %bitcast_convert_type3A_898 : vector<16xf32>
        %mul3A_900 = arith.mulf %mul3A_899, %bitcast_convert_type3A_898 : vector<16xf32>
        %sub3A_901 = arith.constant 1.500000e+00 : f32
        %sub3A_902 = vector.broadcast %sub3A_901 : f32 to vector<16xf32>
        %sub3A_903 = arith.subf %sub3A_902, %mul3A_900 : vector<16xf32>
        %mul3A_904 = arith.mulf %bitcast_convert_type3A_898, %sub3A_903 : vector<16xf32>
        %mul3A_905 = arith.mulf %mul3A_892, %mul3A_904 : vector<16xf32>
        %mul3A_906 = arith.mulf %mul3A_905, %mul3A_904 : vector<16xf32>
        %sub3A_907 = arith.constant 1.500000e+00 : f32
        %sub3A_908 = vector.broadcast %sub3A_907 : f32 to vector<16xf32>
        %sub3A_909 = arith.subf %sub3A_908, %mul3A_906 : vector<16xf32>
        %mul3A_910 = arith.mulf %mul3A_904, %sub3A_909 : vector<16xf32>
        %sub3A_911 = arith.subf %add3A_807, %mul3A_879 : vector<16xf32>
        %mul3A_912 = arith.mulf %sub3A_911, %mul3A_910 : vector<16xf32>
        %mul3A_913 = arith.mulf %mul3A_912, %get3A_7 : vector<16xf32>
        %add3A_914 = arith.addf %mul3A_913, %get3A_19 : vector<16xf32>
        %swap3A_915 = arith.index_cast %add3A_798 : i32 to index
        %swap3A_916 = arith.constant 0 : index
        %swap3A_917 = tpu.vector_load %arg15[%swap3A_915, %swap3A_916] {strides = array<i32>} : memref<200x64xf32, #tpu.memory_space<vmem>>, vector<1x16xf32>,
        %swap3A_918 = vector.shape_cast %swap3A_917 : vector<1x16xf32> to vector<16xf32>
        %swap3A_919 = vector.shape_cast %add3A_914 : vector<16xf32> to vector<1x16xf32>
        tpu.vector_store %arg15[%swap3A_915, %swap3A_916], %swap3A_919 {strides = array<i32>} : memref<200x64xf32, #tpu.memory_space<vmem>>, vector<1x16xf32>,
        %sub3A_920 = arith.subf %add3A_816, %mul3A_879 : vector<16xf32>
        %mul3A_921 = arith.mulf %sub3A_920, %mul3A_910 : vector<16xf32>
        %mul3A_922 = arith.mulf %mul3A_921, %get3A_10 : vector<16xf32>
        %add3A_923 = arith.addf %mul3A_922, %get3A_22 : vector<16xf32>
        %swap3A_924 = arith.index_cast %add3A_798 : i32 to index
        %swap3A_925 = arith.constant 16 : index
        %swap3A_926 = tpu.vector_load %arg15[%swap3A_924, %swap3A_925] {strides = array<i32>} : memref<200x64xf32, #tpu.memory_space<vmem>>, vector<1x16xf32>,
        %swap3A_927 = vector.shape_cast %swap3A_926 : vector<1x16xf32> to vector<16xf32>
        %swap3A_928 = vector.shape_cast %add3A_923 : vector<16xf32> to vector<1x16xf32>
        tpu.vector_store %arg15[%swap3A_924, %swap3A_925], %swap3A_928 {strides = array<i32>} : memref<200x64xf32, #tpu.memory_space<vmem>>, vector<1x16xf32>,
        %sub3A_929 = arith.subf %add3A_825, %mul3A_879 : vector<16xf32>
        %mul3A_930 = arith.mulf %sub3A_929, %mul3A_910 : vector<16xf32>
        %mul3A_931 = arith.mulf %mul3A_930, %get3A_13 : vector<16xf32>
        %add3A_932 = arith.addf %mul3A_931, %get3A_25 : vector<16xf32>
        %swap3A_933 = arith.index_cast %add3A_798 : i32 to index
        %swap3A_934 = arith.constant 32 : index
        %swap3A_935 = tpu.vector_load %arg15[%swap3A_933, %swap3A_934] {strides = array<i32>} : memref<200x64xf32, #tpu.memory_space<vmem>>, vector<1x16xf32>,
        %swap3A_936 = vector.shape_cast %swap3A_935 : vector<1x16xf32> to vector<16xf32>
        %swap3A_937 = vector.shape_cast %add3A_932 : vector<16xf32> to vector<1x16xf32>
        tpu.vector_store %arg15[%swap3A_933, %swap3A_934], %swap3A_937 {strides = array<i32>} : memref<200x64xf32, #tpu.memory_space<vmem>>, vector<1x16xf32>,
        %sub3A_938 = arith.subf %add3A_834, %mul3A_879 : vector<16xf32>
        %mul3A_939 = arith.mulf %sub3A_938, %mul3A_910 : vector<16xf32>
        %mul3A_940 = arith.mulf %mul3A_939, %get3A_16 : vector<16xf32>
        %add3A_941 = arith.addf %mul3A_940, %get3A_28 : vector<16xf32>
        %swap3A_942 = arith.index_cast %add3A_798 : i32 to index
        %swap3A_943 = arith.constant 48 : index
        %swap3A_944 = tpu.vector_load %arg15[%swap3A_942, %swap3A_943] {strides = array<i32>} : memref<200x64xf32, #tpu.memory_space<vmem>>, vector<1x16xf32>,
        %swap3A_945 = vector.shape_cast %swap3A_944 : vector<1x16xf32> to vector<16xf32>
        %swap3A_946 = vector.shape_cast %add3A_941 : vector<16xf32> to vector<1x16xf32>
        tpu.vector_store %arg15[%swap3A_942, %swap3A_943], %swap3A_946 {strides = array<i32>} : memref<200x64xf32, #tpu.memory_space<vmem>>, vector<1x16xf32>,
      }
      %scan3A_186 = arith.constant 40 : i32
      %dma_start3A_187 = arith.constant 0 : i32
      %dma_start3A_188 = arith.constant 0 : i32
      %dma_start3A_189 = tpu.memref_slice %arg7[%add3A_156, %dma_start3A_187, %dma_start3A_188] : memref<1024x200x64xf32, #tpu.memory_space<hbm>> -> memref<1x200x64xf32, #tpu.memory_space<hbm>>
      %dma_start3A_190 = tpu.memref_squeeze %dma_start3A_189 : memref<1x200x64xf32, #tpu.memory_space<hbm>> -> memref<200x64xf32, #tpu.memory_space<hbm>>
      %dma_start3A_191 = arith.constant 0 : i32
      %dma_start3A_192 = arith.constant 0 : i32
      %dma_start3A_193 = tpu.memref_slice %arg7[%add3A_156, %dma_start3A_191, %dma_start3A_192] : memref<1024x200x64xf32, #tpu.memory_space<hbm>> -> memref<1x200x64xf32, #tpu.memory_space<hbm>>
      %dma_start3A_194 = tpu.memref_squeeze %dma_start3A_193 : memref<1x200x64xf32, #tpu.memory_space<hbm>> -> memref<200x64xf32, #tpu.memory_space<hbm>>
      tpu.enqueue_dma source(%arg15 : memref<200x64xf32, #tpu.memory_space<vmem>>) target(%dma_start3A_194 : memref<200x64xf32, #tpu.memory_space<hbm>>) target_semaphore(%arg19 : memref<!tpu.dma_semaphore, #tpu.memory_space<semaphore_mem>>)
      %lt3A_195 = arith.constant 15 : i32
      %lt3A_196 = arith.cmpi slt, %scan3A_107, %lt3A_195 : i32
      %convert_element_type3A_197 = arith.extui %lt3A_196 : i1 to i32
      %cond3A_198 = arith.constant 0 : i32
      %cond3A_199 = arith.cmpi ne, %convert_element_type3A_197, %cond3A_198 : i32
      scf.if %cond3A_199 {
        %add3A_200 = arith.constant 2 : i32
        %add3A_201 = arith.addi %add3A_155, %add3A_200 : i32
        %mul3A_202 = arith.constant 200 : i32
        %mul3A_203 = arith.muli %add3A_201, %mul3A_202 : i32
        %multiple_of3A_204 = tpu.assume_multiple %mul3A_203, 8 : i32
        %dma_start3A_205 = arith.constant 0 : i32
        %dma_start3A_206 = arith.constant 0 : i32
        %dma_start3A_207 = tpu.memref_slice %arg13[%dma_start3A_205, %dma_start3A_206] : memref<200x64xf32, #tpu.memory_space<vmem>> -> memref<104x64xf32, #tpu.memory_space<vmem>>
        %dma_start3A_208 = tpu.memref_slice %arg11[%multiple_of3A_204] : memref<6400xi32, #tpu.memory_space<vmem>> -> memref<104xi32, #tpu.memory_space<vmem>>
        %dma_start3A_209 = arith.constant 0 : i32
        %dma_start3A_210 = arith.constant 0 : i32
        %dma_start3A_211 = tpu.memref_slice %arg3[%dma_start3A_209, %dma_start3A_210] : memref<1000000x64xf32, #tpu.memory_space<hbm>> -> memref<1000000x64xf32, #tpu.memory_space<hbm>>
        tpu.enqueue_indirect_dma source(%dma_start3A_211 : memref<1000000x64xf32, #tpu.memory_space<hbm>>) target(%dma_start3A_207 : memref<104x64xf32, #tpu.memory_space<vmem>>) offsets(%dma_start3A_208 : memref<104xi32, #tpu.memory_space<vmem>>) semaphore(%arg17 : memref<!tpu.dma_semaphore, #tpu.memory_space<semaphore_mem>>)
        %add3A_212 = arith.constant 104 : i32
        %add3A_213 = arith.addi %multiple_of3A_204, %add3A_212 : i32
        %dma_start3A_214 = arith.constant 104 : i32
        %dma_start3A_215 = arith.constant 0 : i32
        %dma_start3A_216 = tpu.memref_slice %arg13[%dma_start3A_214, %dma_start3A_215] : memref<200x64xf32, #tpu.memory_space<vmem>> -> memref<96x64xf32, #tpu.memory_space<vmem>>
        %dma_start3A_217 = tpu.memref_slice %arg11[%add3A_213] : memref<6400xi32, #tpu.memory_space<vmem>> -> memref<96xi32, #tpu.memory_space<vmem>>
        %dma_start3A_218 = arith.constant 0 : i32
        %dma_start3A_219 = arith.constant 0 : i32
        %dma_start3A_220 = tpu.memref_slice %arg3[%dma_start3A_218, %dma_start3A_219] : memref<1000000x64xf32, #tpu.memory_space<hbm>> -> memref<1000000x64xf32, #tpu.memory_space<hbm>>
        tpu.enqueue_indirect_dma source(%dma_start3A_220 : memref<1000000x64xf32, #tpu.memory_space<hbm>>) target(%dma_start3A_216 : memref<96x64xf32, #tpu.memory_space<vmem>>) offsets(%dma_start3A_217 : memref<96xi32, #tpu.memory_space<vmem>>) semaphore(%arg17 : memref<!tpu.dma_semaphore, #tpu.memory_space<semaphore_mem>>)
      } else {
      }
    }
    %scan3A_91 = arith.constant 16 : i32
    %dma_wait3A = arith.constant 0 : i32
    %dma_wait3A_92 = arith.constant 0 : i32
    %dma_wait3A_93 = tpu.memref_slice %arg7[%multiple_of3A, %dma_wait3A, %dma_wait3A_92] : memref<1024x200x64xf32, #tpu.memory_space<hbm>> -> memref<1x200x64xf32, #tpu.memory_space<hbm>>
    %dma_wait3A_94 = tpu.memref_squeeze %dma_wait3A_93 : memref<1x200x64xf32, #tpu.memory_space<hbm>> -> memref<200x64xf32, #tpu.memory_space<hbm>>
    %dma_wait3A_95 = arith.constant 0 : i32
    %dma_wait3A_96 = arith.constant 0 : i32
    %dma_wait3A_97 = tpu.memref_slice %arg7[%multiple_of3A, %dma_wait3A_95, %dma_wait3A_96] : memref<1024x200x64xf32, #tpu.memory_space<hbm>> -> memref<1x200x64xf32, #tpu.memory_space<hbm>>
    %dma_wait3A_98 = tpu.memref_squeeze %dma_wait3A_97 : memref<1x200x64xf32, #tpu.memory_space<hbm>> -> memref<200x64xf32, #tpu.memory_space<hbm>>
    tpu.wait_dma2 semaphore(%arg18 : memref<!tpu.dma_semaphore, #tpu.memory_space<semaphore_mem>>) src(%arg14 : memref<200x64xf32, #tpu.memory_space<vmem>>) dst(%dma_wait3A_98 : memref<200x64xf32, #tpu.memory_space<hbm>>)
    %dma_wait3A_99 = arith.constant 0 : i32
    %dma_wait3A_100 = arith.constant 0 : i32
    %dma_wait3A_101 = tpu.memref_slice %arg7[%multiple_of3A, %dma_wait3A_99, %dma_wait3A_100] : memref<1024x200x64xf32, #tpu.memory_space<hbm>> -> memref<1x200x64xf32, #tpu.memory_space<hbm>>
    %dma_wait3A_102 = tpu.memref_squeeze %dma_wait3A_101 : memref<1x200x64xf32, #tpu.memory_space<hbm>> -> memref<200x64xf32, #tpu.memory_space<hbm>>
    %dma_wait3A_103 = arith.constant 0 : i32
    %dma_wait3A_104 = arith.constant 0 : i32
    %dma_wait3A_105 = tpu.memref_slice %arg7[%multiple_of3A, %dma_wait3A_103, %dma_wait3A_104] : memref<1024x200x64xf32, #tpu.memory_space<hbm>> -> memref<1x200x64xf32, #tpu.memory_space<hbm>>
    %dma_wait3A_106 = tpu.memref_squeeze %dma_wait3A_105 : memref<1x200x64xf32, #tpu.memory_space<hbm>> -> memref<200x64xf32, #tpu.memory_space<hbm>>
    tpu.wait_dma2 semaphore(%arg19 : memref<!tpu.dma_semaphore, #tpu.memory_space<semaphore_mem>>) src(%arg15 : memref<200x64xf32, #tpu.memory_space<vmem>>) dst(%dma_wait3A_106 : memref<200x64xf32, #tpu.memory_space<hbm>>)
    return
  }
}

</mosaic_0001>

<sc_bundles>
// kernel: kernel.3.cloned.1.call-start
scs
__scs_entry_jumppad:
0x0: {  	(pc) =	sbr.rel $0x88, $3  }
0x1: {  	(tag) =	ssettag $0x0;
	lr =	simm.s32 $0x1  }
0x2: {  	[smem:$0x3F9C] =	sst lr;
	_ =	strace $0xD0000000  }
0x3: {  	_ = 	snop  }
0x4: {  	_ = 	snop  }
0x5: {  	_ = 	snop  }
0x6: {  	_ = 	snop  }
0x7: {  	_ = 	snop  }
__scs_overlays_trampoline_lowered:
0x8: {  	[smem:$0x3FAB] =	sst s0  }
0x9: {  	[smem:$0x3FAC] =	sst s1  }
0xa: {  	[smem:$0x3FAD] =	sst s2  }
0xb: {  	[smem:$0x3FAE] =	sst s3  }
0xc: {  	[smem:$0x3FAF] =	sst s4  }
0xd: {  	[smem:$0x3FB0] =	sst s5  }
0xe: {  	[smem:$0x3FB1] =	sst s6  }
0xf: {  	[smem:$0x3FB2] =	sst s7  }
0x10: {  	[smem:$0x3FB3] =	sst s8  }
0x11: {  	[smem:$0x3FB4] =	sst s9;
	s0 =	simm.s32 @!p0 $0x0  }
0x12: {  	s1 =	sld [smem:$0x3F9A];
	s0 =	simm.s32 @p0 $0x1  }
0x13: {  	[smem:$0x3FB5] =	sst s0;
	s0 =	simm.s32 @!p1 $0x0  }
0x14: {  	s2 =	sld [smem:$0x3F99];
	s0 =	simm.s32 @p1 $0x1  }
0x15: {  	[smem:$0x3FB6] =	sst s0;
	s0 =	simm.s32 @!p2 $0x0  }
0x16: {  	s3 =	sld [smem:$0x3FDB];
	s0 =	simm.s32 @p2 $0x1  }
0x17: {  	s4 =	simm.s32 $0x1BF5;
	[smem:$0x3FB8] =	sst s0  }
0x18: {  	s0 =	sld [smem:$0x3F9B];
	_ =	swait.ge [sflag:s4], $0x0  }
0x19: {  	s7 =	sld [smem:$0x3F9C]  }
0x1a: {  	s8 =	sadd.s32 $0xFFFFE003, lr  }
0x1b: {  	s9 =	sadd.s32 $0xFFFFFEF7, lr;
	s5 =	simm.s32 $0xFFFFFFFF;
	p2 =	slt.u32 s8, $0xFFFFF086  }
0x1c: {  	p1 =	slt.u32 s9, $0xF7A;
	s5 =	simm.s32 @!p2 $0x0  }
0x1d: {  	s5 =	simm.s32 @p1 $0x1;
	p0 =	seq.s32 s7, s2  }
0x1e: {  	s7 =	smul.u32 @!p0 $0xF7A, s2;
	p2 =	seq.s32 @!p0 s5, $0x0  }
0x1f: {  	s9 =	smul.u32 $0xF7A, s1;
	s8 =	simm.s32 @!p0 $0x1BF5;
	p2 =	por !p2, p0  }
0x20: {  	[sflag:s8] =	ssyncset.s32 @!p0 $0xFFFFF086;
	s6 =	sadd.s32 @!p0 s3, s7;
	s7 =	simm.s32 @!p0 $0x108  }
0x21: {  	s3 =	sadd.s32 s3, s9;
	s6 =	sadd.s32 @!p0 $0x88, s6;
	s7 =	simm.s32 @p2 $0x1082  }
0x22: {  	[simem:s7], [sflag:s8] =	dma.local @!p0 [hbm:s6], $0xF7A  }
0x23: {  	s9 =	sor.u32 $0xD0000000, s2;
	s6 =	simm.s32 $0x108;
	_ =	swait.ge @!p0 [sflag:s8], $0x0  }
0x24: {  	s3 =	sadd.s32 $0x88, s3;
	s6 =	simm.s32 @!p1 $0x1082;
	[sflag:s4] =	ssyncset.s32 $0xFFFFF086  }
0x25: {  	[simem:s6], [sflag:s4] =	dma.local [hbm:s3], $0xF7A  }
0x26: {  	[smem:$0x3F9C] =	sst s1;
	(tag) =	ssettag s2;
	_ =	strace s9  }
0x27: {  	s1 =	sld [smem:$0x3FAC]  }
0x28: {  	s2 =	sld [smem:$0x3FAD]  }
0x29: {  	s4 =	sld [smem:$0x3FAF]  }
0x2a: {  	p0 =	seq.s32 s5, $0x0;
	s5 =	sld [smem:$0x3FB0]  }
0x2b: {  	s6 =	sld [smem:$0x3FB1]  }
0x2c: {  	s7 =	sld [smem:$0x3FB2]  }
0x2d: {  	s3 =	simm.s32 $0x108;
	s8 =	sld [smem:$0x3FB3]  }
0x2e: {  	s3 =	simm.s32 @!p0 $0x1082;
	s9 =	sld [smem:$0x3FB4]  }
0x2f: {  	lr =	sadd.s32 s0, s3;
	s0 =	sld [smem:$0x3FAB]  }
0x30: {  	s3 =	sld [smem:$0x3FAE]  }
0x31: {  	[smem:$0x3FB7] =	sst s10  }
0x32: {  	s10 =	sld [smem:$0x3FB5];
	_ =	sdelay $0x3  }
0x33: {  	p0 =	seq.s32 s10, $0x1;
	s10 =	sld [smem:$0x3FB7];
	_ =	sdelay $0x3  }
0x34: {  	[smem:$0x3FB7] =	sst s10  }
0x35: {  	s10 =	sld [smem:$0x3FB6];
	_ =	sdelay $0x3  }
0x36: {  	p1 =	seq.s32 s10, $0x1;
	s10 =	sld [smem:$0x3FB7];
	_ =	sdelay $0x3  }
0x37: {  	[smem:$0x3FB7] =	sst s10  }
0x38: {  	s10 =	sld [smem:$0x3FB8]  }
0x39: {  	_ = 	snop;
	(pc) =	sbr.ind lr, $3  }
0x3a: {  	_ = 	snop  }
0x3b: {  	_ = 	snop  }
0x3c: {  	p2 =	seq.s32 s10, $0x1;
	s10 =	sld [smem:$0x3FB7]  }
0x3d: {  	_ =	shalt  }
0x3e: {  	_ =	shalt  }
0x3f: {  	_ =	shalt  }
0x40: {  	_ =	shalt  }
0x41: {  	_ =	shalt  }
0x42: {  	_ =	shalt  }
0x43: {  	_ =	shalt  }
0x44: {  	_ =	shalt  }
0x45: {  	_ =	shalt  }
0x46: {  	_ =	shalt  }
0x47: {  	_ =	shalt  }
0x48: {  	_ =	shalt  }
0x49: {  	_ =	shalt  }
0x4a: {  	_ =	shalt  }
0x4b: {  	_ =	shalt  }
0x4c: {  	_ =	shalt  }
0x4d: {  	_ =	shalt  }
0x4e: {  	_ =	shalt  }
0x4f: {  	_ =	shalt  }
0x50: {  	_ =	shalt  }
0x51: {  	_ =	shalt  }
0x52: {  	_ =	shalt  }
0x53: {  	_ =	shalt  }
0x54: {  	_ =	shalt  }
0x55: {  	_ =	shalt  }
0x56: {  	_ =	shalt  }
0x57: {  	_ =	shalt  }
0x58: {  	_ =	shalt  }
0x59: {  	_ =	shalt  }
0x5a: {  	_ =	shalt  }
0x5b: {  	_ =	shalt  }
0x5c: {  	_ =	shalt  }
0x5d: {  	_ =	shalt  }
0x5e: {  	_ =	shalt  }
0x5f: {  	_ =	shalt  }
0x60: {  	_ =	shalt  }
0x61: {  	_ =	shalt  }
0x62: {  	_ =	shalt  }
0x63: {  	_ =	shalt  }
0x64: {  	_ =	shalt  }
0x65: {  	_ =	shalt  }
0x66: {  	_ =	shalt  }
0x67: {  	_ =	shalt  }
0x68: {  	_ =	shalt  }
0x69: {  	_ =	shalt  }
0x6a: {  	_ =	shalt  }
0x6b: {  	_ =	shalt  }
0x6c: {  	_ =	shalt  }
0x6d: {  	_ =	shalt  }
0x6e: {  	_ =	shalt  }
0x6f: {  	_ =	shalt  }
0x70: {  	_ =	shalt  }
0x71: {  	_ =	shalt  }
0x72: {  	_ =	shalt  }
0x73: {  	_ =	shalt  }
0x74: {  	_ =	shalt  }
0x75: {  	_ =	shalt  }
0x76: {  	_ =	shalt  }
0x77: {  	_ =	shalt  }
0x78: {  	_ =	shalt  }
0x79: {  	_ =	shalt  }
0x7a: {  	_ =	shalt  }
0x7b: {  	_ =	shalt  }
0x7c: {  	_ =	shalt  }
0x7d: {  	_ =	shalt  }
0x7e: {  	_ =	shalt  }
0x7f: {  	_ =	shalt  }
0x80: {  	_ =	shalt  }
0x81: {  	_ =	shalt  }
0x82: {  	_ =	shalt  }
0x83: {  	_ =	shalt  }
0x84: {  	_ =	shalt  }
0x85: {  	_ =	shalt  }
0x86: {  	_ =	shalt  }
0x87: {  	_ =	shalt  }
.Lfunc_end0:
.L_simem_size_0:
called_computation.1_lowered:
.L_overlay_start_0:
0x88: {  	s2 =	sld [smem:$0x3FD9]  }
0x89: {  	s3 =	sld [smem:$0x3FFE];
	_ =	sdelay $0x1  }
0x8a: {  	s1 =	srdreg.scid  }
0x8b: {  	s0 =	sand.u32 $0x1, s1  }
0x8c: {  	s17 =	sshll.u32 s0, $0xA;
	s2 =	sadd.s32 s3, s2  }
0x8d: {  	s2 =	sadd.s32 s2, s17  }
0x8e: {  	[smem:$0x3FC3] =	sst s2  }
0x8f: {  	_ = 	snop  }
0x90: {  	s2 =	sld [smem:$0x3FC6]  }
0x91: {  	s18 =	sld [smem:$0x3FC5]  }
0x92: {  	s4 =	sld [smem:$0x3FD0];
	(tm) =	ssettm $0x1  }
0x93: {  	s5 =	sld [smem:$0x3FFB];
	_ =	sdelay $0x3  }
0x94: {  	_ =	strace s5  }
0x95: {  	s5 =	sld [smem:$0x3FFC];
	_ =	sdelay $0x3  }
0x96: {  	_ =	strace s5  }
0x97: {  	s5 =	sld [smem:$0x3FFD];
	_ =	sdelay $0x3  }
0x98: {  	_ =	strace s5  }
0x99: {  	_ =	strace $0x8FFFFFFF  }
0x9a: {  	s19 =	sld [smem:$0x3FDB];
	_ =	sdelay $0x1  }
0x9b: {  	s6 =	simm.s32 $_scs_section_size  }
0x9c: {  	s7 =	simm.s32 $_size__tile_overlayer_lowered;
	s8 =	simm.s32 $_tile_overlayer_lowered  }
0x9d: {  	s22 =	simm.s32 $0x1BFF;
	s21 =	sshll.u32 s8, $0x1;
	s5 =	sadd.s32 s6, s19  }
0x9e: {  	s9 =	simm.s32 $0x0;
	s20 =	sshll.u32 s7, $0x1;
	s7 =	sadd.s32 s21, s5  }
0x9f: {  	[timem:s9], [sflag:s22] =	dma.local [hbm:s7], s20  }
0xa0: {  	_ =	swait.ge [sflag:s22], s20  }
0xa1: {  	s6 =	ssub.s32 $0x0, s20;
	[sflag:s22] =	ssyncset.done $0x0  }
0xa2: {  	[sflag:s22] =	ssyncadd.s32 s6;
	_ =	sdelay $0x1  }
0xa3: {  	s23 =	simm.s32 $0x1B8B  }
0xa4: {  	_ =	swait.ge [sflag:s23], $0x1  }
0xa5: {  	[sflag:s23] =	ssyncset.done $0x0  }
0xa6: {  	s25 =	simm.s32 $0x1B8E;
	s24 =	sld [smem:$0x3FFE];
	[sflag:s23] =	ssyncadd.s32 $0xFFFFFFFF  }
0xa7: {  	s26 =	simm.s32 $execute0_lowered;
	[smem:$0x3FD2] =	sst s25  }
0xa8: {  	s7 =	sshll.u32 s26, $0x1;
	_ =	strace $0x80000046;
	[dreg:$0x1] =	wrdreg $0xFFFFFFFF  }
0xa9: {  	s28 =	simm.s32 $_size_execute0_lowered;
	s5 =	sadd.s32 s5, s7;
	[dreg:$0x0] =	wrdreg $0x0  }
0xaa: {  	s7 =	sshll.u32 s28, $0x1;
	[dreg:$0x2] =	wrdreg s5  }
0xab: {  	[dreg:$0x3] =	wrdreg s7  }
0xac: {  	[dreg:$0x4] =	wrdreg $0xC0  }
0xad: {  	_ =	task [dreg:s9], $0x5FFFF  }
0xae: {  	[dreg:$0x1] =	wrdreg $0xFFFFFFFF  }
0xaf: {  	[dreg:$0x0] =	wrdreg $0x60  }
0xb0: {  	[dreg:$0x2] =	wrdreg s24  }
0xb1: {  	[dreg:$0x3] =	wrdreg s2  }
0xb2: {  	[dreg:$0x4] =	wrdreg s18  }
0xb3: {  	[dreg:$0x5] =	wrdreg s4  }
0xb4: {  	[dreg:$0x6] =	wrdreg $0x9  }
0xb5: {  	_ =	task.clear_ibuf [dreg:s9], $0x7FFFF;
	_ =	strace $0x90000046  }
0xb6: {  	s29 =	simm.s32 $0x9;
	_ =	strace $0x80000048  }
0xb7: {  	_ =	swait.ge [sflag:s29], $0x1  }
0xb8: {  	[sflag:s29] =	ssyncadd.s32 $0xFFFFFFFF  }
0xb9: {  	_ =	strace $0x90000048  }
0xba: {  	_ =	sfence  }
0xbb: {  	s30 =	sld [smem:$0x0];
	_ =	sdelay $0x2  }
0xbc: {  	s31 =	sshll.u32 s1, $0xD;
	s1 =	sshrl.u32 s1, $0x2  }
0xbd: {  	s3 =	sand.u32 $0x4000, s31;
	s1 =	sadd.s32 s1, s30  }
0xbe: {  	s0 =	sor.u32 s3, s0;
	s1 =	sshll.u32 s1, $0x11  }
0xbf: {  	s0 =	sor.u32 s1, s0  }
0xc0: {  	s0 =	sadd.s32 $0x8F2B, s0  }
0xc1: {  	[sflag:s0] =	ssyncadd.remote.s32 $0x1  }
0xc2: {  	_ =	sfence.sel $0xFFFF  }
0xc3: {  	[dreg:$0x0] =	wrdreg $0xFFFFFFFF;
	(pc) =	sbr.abs _section_cstart, $3  }
0xc4: {  	[dreg:$0x1] =	wrdreg $0xFFFFFFFF  }
0xc5: {  	_ =	task.clear_ibuf [dreg:s9], $0x2FFFF;
	_ =	strace $0x9FFFFFFF  }
0xc6: {  	(tm) =	ssettm $0x7FFFFFFF  }
0xc7: {  	_ =	shalt  }
tec
execute0_lowered:
.L_overlay_start_1:
0x0: {  	(tag) =	ssettag $0x1  }
0x1: {  	s0 =	rddreg [dreg:$0x0];
	s1 =	srdreg.scid  }
0x2: {  	s2 =	stileid.u32;
	s4 =	rddreg [dreg:$0x3];
	v0 =	vimm.s32 $0xFEDCBA9;
	s5 =	simm.s32 $0x0;
	v1 =	vimm.s32 $0x87654321;
	v2 =	vimm.s32 $0x10FEDCBA  }
0x3: {  	v3 =	vimm.s32 $0x98765432;
	v4 =	vimm.s32 $0x3210FEDC;
	s11 =	simm.s32 $0x3280;
	s12 =	simm.s32 $0x5;
	s15 =	simm.s32 $0x68  }
0x4: {  	v5 =	vimm.s32 $0xBA987654;
	v6 =	vimm.s32 $0xFEDCBA98;
	s17 =	simm.s32 $0x60;
	s18 =	simm.s32 $0x32E8;
	s19 =	simm.s32 $0x6580  }
0x5: {  	v7 =	vimm.s32 $0x76543210;
	s20 =	simm.s32 $0x3348;
	s21 =	simm.s32 $0x7D80;
	s22 =	simm.s32 $0x33B0;
	v0 =	vunpack.c.l.s4.s8 v0;
	v1 =	vunpack.c.l.s4.s8 v1  }
0x6: {  	s23 =	simm.s32 $0x9780;
	s24 =	simm.s32 $0x1;
	s25 =	simm.s32 $0xAF80;
	v2 =	vunpack.c.l.s4.s8 v2;
	v3 =	vunpack.c.l.s4.s8 v3;
	v4 =	vunpack.c.l.s4.s8 v4  }
0x7: {  	s28 =	simm.s32 $0xE180;
	s29 =	simm.s32 $0x3;
	s30 =	simm.s32 $0x4;
	v5 =	vunpack.c.l.s4.s8 v5;
	v6 =	vunpack.c.l.s4.s8 v6;
	v7 =	vunpack.c.l.s4.s8 v7  }
0x8: {  	s31 =	simm.s32 $0x0;
	s1 =	sand.u32 $0x1, s1;
	s2 =	sshll.u32 s2, $0x1;
	v0 =	vunpack.c.0.s8.s32 v0;
	v1 =	vunpack.c.0.s8.s32 v1;
	v2 =	vunpack.c.0.s8.s32 v2  }
.Ltmp0:
0x9: {  	[smem:$0x7FF] =	sst s5;
	s2 =	sor.u32 s1, s2;
	v3 =	vunpack.c.0.s8.s32 v3;
	v4 =	vunpack.c.0.s8.s32 v4;
	v5 =	vunpack.c.0.s8.s32 v5;
	(pc) =	sbr.rel .LBB2_1-.Ltmp0, $4  }
0xa: {  	s6 =	sadd.s32 $0xF43200, s0;
	s1 =	ssub.s32 $0x2, s1;
	s3 =	smul.u32 $0x320, s2;
	v0 =	vcombine.low v1, v0;
	v1 =	vunpack.c.0.s8.s32 v6  }
0xb: {  	s7 =	sadd.s32 $0x7200, s0;
	_ =	strace $0x80000047;
	s26 =	sshrl.u32 s1, $0x1;
	v2 =	vcombine.low v3, v2;
	v3 =	vcombine.low v5, v4;
	v4 =	vunpack.c.0.s8.s32 v7  }
0xc: {  	s8 =	sshll.u32 s2, $0x5;
	s3 =	sadd.s32 s3, s0;
	s0 =	ssub.s32 s1, s26;
	v0 =	vand.u32 $0xF, v0;
	v5 =	vand.u32 $0xF, v1  }
0xd: {  	s26 =	simm.s32 $0x2;
	s9 =	sadd.s32 $0xE00, s3;
	s10 =	smax.u32 s0, $0x1;
	v1 =	vand.u32 $0xF, v2;
	v2 =	vand.u32 $0xF, v3;
	v3 =	vcombine.low v5, v4  }
.LBB2_8:
0xe: {  	s31 =	sadd.s32 $0x1, s31  }
0xf: {  	_ =	swait.ge [sflag:s29], $0x3200;
	p0 =	sne.s32 s31, s10  }
.Ltmp1:
0x10: {  	[sflag:s29] =	ssyncset.done $0x0;
	(pc) =	sbr.rel @!p0 .LBB2_9-.Ltmp1, $4  }
0x11: {  	[sflag:s29] =	ssyncadd.s32 $0xFFFFCE00  }
0x12: {  	_ =	swait.ge [sflag:s30], $0x3200  }
0x13: {  	[sflag:s30] =	ssyncset.done $0x0  }
0x14: {  	[sflag:s30] =	ssyncadd.s32 $0xFFFFCE00  }
.LBB2_1:
0x15: {  	[tilespmem:s11], [sflag:$0x5] =	stream.linear.gather [hbm4b:s9+s5], $0x1900, $0x38;
	[tilespmem:$0x11380] =	vst v63  }
0x16: {  	_ =	swait.ge [sflag:s12], $0x1900  }
0x17: {  	[sflag:s12] =	ssyncset.done $0x0  }
0x18: {  	[sflag:s12] =	ssyncadd.s32 $0xFFFFE700  }
0x19: {  	[tilespmem:s5], [sflag:$0x5] =	stream.linear.gather [hbm4b:s7+s5], $0x3200, $0x38;
	[tilespmem:$0x11380] =	vst v63  }
0x1a: {  	_ =	swait.ge [sflag:s12], $0x3200  }
0x1b: {  	[sflag:s12] =	ssyncset.done $0x0  }
0x1c: {  	[sflag:s12] =	ssyncadd.s32 $0xFFFFCE00  }
0x1d: {  	s1 =	simm.s32 $0x3200;
	s0 =	rddreg [dreg:$0x1]  }
0x1e: {  	[tilespmem:s1], [sflag:$0x5] =	stream.linear.gather [hbm4b:s0+s5], $0x40, $0x38;
	[tilespmem:$0x11380] =	vst v63  }
0x1f: {  	_ =	swait.ge [sflag:s12], $0x40  }
0x20: {  	[sflag:s12] =	ssyncset.done $0x0  }
0x21: {  	[sflag:s12] =	ssyncadd.s32 $0xFFFFFFC0  }
0x22: {  	s14 =	simm.s32 $0x3240;
	s13 =	rddreg [dreg:$0x2]  }
0x23: {  	[tilespmem:s14], [sflag:$0x5] =	stream.linear.gather [hbm4b:s13+s5], $0x40, $0x38;
	[tilespmem:$0x11380] =	vst v63  }
0x24: {  	_ =	swait.ge [sflag:s12], $0x40  }
0x25: {  	[sflag:s12] =	ssyncset.done $0x0  }
0x26: {  	[sflag:s12] =	ssyncadd.s32 $0xFFFFFFC0  }
0x27: {  	v4 =	vld [tilespmem:$0x3200]  }
0x28: {  	v5 =	vld [tilespmem:$0x3210]  }
0x29: {  	v6 =	vld [tilespmem:$0x3220]  }
0x2a: {  	v7 =	vld [tilespmem:$0x3230]  }
0x2b: {  	v8 =	vld [tilespmem:$0x3240]  }
0x2c: {  	v9 =	vld [tilespmem:$0x3250]  }
0x2d: {  	s16 =	simm.s32 $0x4B80;
	v10 =	vld [tilespmem:$0x3260]  }
0x2e: {  	v11 =	vld [tilespmem:$0x3270];
	[tilespmem:s16], [sflag:$0x1] =	stream.indirect.gather [hbm4b:s6+s15], $0x40, s11, s15, $0xb8  }
0x2f: {  	_ = 	snop  }
0x30: {  	[tilespmem:s19], [sflag:$0x1] =	stream.indirect.gather [hbm4b:s6+s17], $0x40, s18, s17, $0xb8;
	[tilespmem:$0x11380] =	vst v63  }
0x31: {  	_ = 	snop  }
0x32: {  	[tilespmem:s21], [sflag:$0x2] =	stream.indirect.gather [hbm4b:s6+s15], $0x40, s20, s15, $0xb8;
	[tilespmem:$0x11380] =	vst v63  }
0x33: {  	s2 =	simm.s32 $0x0  }
0x34: {  	[tilespmem:s23], [sflag:$0x2] =	stream.indirect.gather [hbm4b:s6+s17], $0x40, s22, s17, $0xb8;
	[tilespmem:$0x11380] =	vst v63  }
.LBB2_2:
0x35: {  	_ =	swait.ge [sflag:s24], $0x1A00  }
0x36: {  	[sflag:s24] =	ssyncset.done $0x0  }
0x37: {  	[sflag:s24] =	ssyncadd.s32 $0xFFFFE600  }
0x38: {  	_ =	swait.ge [sflag:s24], $0x1800  }
0x39: {  	p0 =	seq.s32 s2, $0x0;
	[sflag:s24] =	ssyncset.done $0x0  }
0x3a: {  	s0 =	simm.s32 @!p0 $0x3;
	[sflag:s24] =	ssyncadd.s32 $0xFFFFE800  }
0x3b: {  	_ =	swait.ge @!p0 [sflag:s0], $0x3200  }
0x3c: {  	[sflag:s0] =	ssyncset.done @!p0 $0x0  }
0x3d: {  	s1 =	simm.s32 $0x130;
	[sflag:s0] =	ssyncadd.s32 @!p0 $0xFFFFCE00  }
0x3e: {  	v12 =	vld [tilespmem:s1+$0x4B50]  }
0x3f: {  	v13 =	vld [tilespmem:s1+$0xFFFFFFD0]  }
0x40: {  	v14 =	vld [tilespmem:s1+$0x4B60]  }
0x41: {  	v15 =	vld [tilespmem:s1+$0xFFFFFFE0]  }
0x42: {  	v16 =	vld [tilespmem:s1+$0x4B70]  }
0x43: {  	v17 =	vld [tilespmem:s1+$0xFFFFFFF0]  }
0x44: {  	v18 =	vld [tilespmem:s1+$0x4B80]  }
0x45: {  	v19 =	vld [tilespmem:s1+$0x0]  }
0x46: {  	v20 =	vld [tilespmem:s1+$0x4A50]  }
0x47: {  	v21 =	vld [tilespmem:s1+$0xFFFFFED0]  }
0x48: {  	v22 =	vld [tilespmem:s1+$0x4A60]  }
0x49: {  	v23 =	vld [tilespmem:s1+$0xFFFFFEE0]  }
0x4a: {  	v27 =	vadd.f32 v13, v12;
	v13 =	vadd.f32 v15, v14;
	v15 =	vld [tilespmem:s1+$0x4A70]  }
0x4b: {  	v12 =	vadd.f32 v17, v16;
	v31 =	vadd.f32 v19, v18;
	v16 =	vld [tilespmem:s1+$0xFFFFFEF0]  }
0x4c: {  	v18 =	vld [tilespmem:s1+$0x4A80];
	v20 =	vadd.f32 v21, v20;
	v17 =	vadd.f32 v13, v27  }
0x4d: {  	v21 =	vld [tilespmem:s1+$0xFFFFFF00];
	v19 =	vadd.f32 v31, v12;
	v24 =	vmul.f32 v27, v27;
	v25 =	vmul.f32 v13, v13  }
0x4e: {  	v29 =	vld [tilespmem:s1+$0xFFFFFF20];
	v26 =	vmul.f32 v12, v12;
	v28 =	vmul.f32 v31, v31  }
0x4f: {  	v14 =	vadd.f32 v23, v22;
	v22 =	vld [tilespmem:s1+$0x4A90];
	v17 =	vadd.f32 v19, v17  }
0x50: {  	v19 =	vld [tilespmem:s1+$0xFFFFFF10];
	v23 =	vadd.f32 v25, v24;
	v24 =	vadd.f32 v28, v26  }
0x51: {  	v25 =	vmul.f32 v20, v20;
	v26 =	vld [tilespmem:s1+$0x4AA0];
	v28 =	vmul.f32 v14, v14;
	v15 =	vadd.f32 v16, v15  }
0x52: {  	v16 =	vadd.f32 v21, v18;
	v21 =	vld [tilespmem:s1+$0x4AB0];
	v23 =	vadd.f32 v24, v23  }
0x53: {  	v24 =	vperm.xlane v17, v0;
	v25 =	vadd.f32 v28, v25;
	v28 =	vld [tilespmem:s1+$0xFFFFFF30]  }
0x54: {  	v30 =	vadd.f32 v14, v20;
	v33 =	vadd.f32 v16, v15;
	v18 =	vperm.xlane v23, v0  }
0x55: {  	v34 =	vld [tilespmem:s1+$0xFFFFFF40];
	v32 =	vmul.f32 v15, v15;
	v24 =	vadd.f32 v17, v24;
	v17 =	vadd.f32 v19, v22  }
0x56: {  	v19 =	vld [tilespmem:s1+$0x4AC0];
	v22 =	vmul.f32 v16, v16;
	v30 =	vadd.f32 v33, v30;
	v23 =	vadd.f32 v23, v18  }
0x57: {  	v48 =	vld [tilespmem:s1+$0xFFFFFF50];
	v35 =	vperm.xlane v24, v1;
	v18 =	vadd.f32 v29, v26;
	v26 =	vmul.f32 v17, v17  }
0x58: {  	v36 =	vld [tilespmem:s1+$0x4AE0];
	v22 =	vadd.f32 v22, v32;
	v21 =	vadd.f32 v28, v21;
	v52 =	vperm.xlane v30, v0  }
0x59: {  	v29 =	vld [tilespmem:s1+$0x4AD0];
	v24 =	vadd.f32 v24, v35;
	v49 =	vperm.xlane v23, v1;
	v28 =	vadd.f32 v18, v17  }
0x5a: {  	v51 =	vld [tilespmem:s1+$0x4AF0];
	v50 =	vmul.f32 v18, v18;
	v37 =	vadd.f32 v22, v25;
	v35 =	vadd.f32 v30, v52  }
0x5b: {  	v25 =	vld [tilespmem:s1+$0xFFFFFF60];
	v33 =	vadd.f32 v23, v49;
	v23 =	vperm.xlane v24, v2;
	v22 =	vadd.f32 v34, v19  }
0x5c: {  	v38 =	vld [tilespmem:s1+$0xFFFFFF70];
	v26 =	vadd.f32 v50, v26;
	v19 =	vmul.f32 v21, v21;
	v52 =	vperm.xlane v37, v0  }
0x5d: {  	v30 =	vld [tilespmem:s1+$0xFFFFFF80];
	v24 =	vadd.f32 v23, v24;
	v39 =	vperm.xlane v33, v2;
	v40 =	vadd.f32 v22, v21  }
0x5e: {  	v41 =	vmul.f32 v22, v22;
	v23 =	vadd.f32 v48, v29;
	v29 =	vld [tilespmem:s1+$0x4B00];
	v37 =	vadd.f32 v37, v52  }
0x5f: {  	v56 =	vld [tilespmem:s1+$0xFFFFFF90];
	v53 =	vadd.f32 v39, v33;
	v54 =	vperm.xlane v24, v3;
	v39 =	vadd.f32 v40, v28  }
0x60: {  	v60 =	vld [tilespmem:s1+$0x4B20];
	v25 =	vadd.f32 v25, v36;
	v55 =	vadd.f32 v41, v19;
	v58 =	vmul.f32 v23, v23  }
0x61: {  	v28 =	vld [tilespmem:s1+$0x4B10];
	v19 =	vadd.f32 v54, v24;
	v57 =	vperm.xlane v53, v3;
	v24 =	vadd.f32 v38, v51  }
0x62: {  	v43 =	vld [tilespmem:s1+$0xFFFFFFA0];
	v59 =	vadd.f32 v25, v23;
	v42 =	vmul.f32 v25, v25;
	v33 =	vadd.f32 v55, v26  }
0x63: {  	v62 =	vld [tilespmem:s1+$0xFFFFFFB0];
	v51 =	vperm.xlane v35, v1;
	v26 =	vadd.f32 v30, v29;
	v32 =	vadd.f32 v57, v53  }
0x64: {  	v47 =	vld [tilespmem:s1+$0x4B40];
	v19 =	vmul.f32 $1.562500000e-02, v19;
	v29 =	vmul.f32 v24, v24;
	v61 =	vadd.f32 v42, v58  }
0x65: {  	v30 =	vld [tilespmem:s1+$0x4B30];
	v53 =	vperm.xlane v39, v0;
	v35 =	vadd.f32 v35, v51;
	v45 =	vadd.f32 v26, v24  }
0x66: {  	v48 =	vld [tilespmem:s1+$0xFFFFFFC0];
	v63 =	vmul.f32 $1.562500000e-02, v32;
	v32 =	vsub.f32 v27, v19;
	v27 =	vadd.f32 v56, v28  }
0x67: {  	v46 =	vmul.f32 v26, v26;
	v28 =	vadd.f32 v43, v60;
	v39 =	vadd.f32 v39, v53  }
0x68: {  	v44 =	vmul.f32 v19, v19;
	v31 =	vsub.f32 v31, v19;
	v13 =	vsub.f32 v13, v19  }
0x69: {  	v56 =	vperm.xlane v33, v0;
	v34 =	vadd.f32 v45, v59;
	v55 =	vadd.f32 v46, v29  }
0x6a: {  	v42 =	vsub.f32 v63, v44;
	v54 =	vmul.f32 v27, v27;
	v29 =	vadd.f32 v62, v30  }
0x6b: {  	v57 =	vadd.f32 v28, v27;
	v58 =	vmul.f32 v28, v28;
	v30 =	vadd.f32 v48, v47  }
0x6c: {  	v53 =	vperm.xlane v39, v1;
	v33 =	vadd.f32 v33, v56;
	v36 =	vadd.f32 v55, v61  }
0x6d: {  	v60 =	vperm.xlane v34, v0;
	v42 =	vadd.f32 $9.999999960e-13, v42;
	v59 =	vmul.f32 v29, v29  }
0x6e: {  	v38 =	vadd.f32 v58, v54;
	v62 =	vadd.f32 v30, v29;
	v50 =	vmul.f32 v30, v30  }
0x6f: {  	v39 =	vadd.f32 v39, v53;
	v34 =	vadd.f32 v34, v60;
	v48 =	vperm.xlane v36, v0  }
0x70: {  	v49 =	vmul.f32 $5.000000000e-01, v42;
	v42 =	vshrl.u32 v42, $0x1;
	v41 =	vadd.f32 v62, v57  }
0x71: {  	v50 =	vadd.f32 v50, v59;
	v57 =	vperm.xlane v37, v1;
	v59 =	vperm.xlane v33, v1  }
0x72: {  	v42 =	vsub.s32 $0x5F3759DF, v42;
	v36 =	vadd.f32 v36, v48;
	v55 =	vperm.xlane v34, v1  }
0x73: {  	v48 =	vperm.xlane v35, v2;
	v61 =	vmul.f32 v42, v49;
	v38 =	vadd.f32 v50, v38  }
0x74: {  	v54 =	vperm.xlane v41, v0;
	v37 =	vadd.f32 v37, v57;
	v43 =	vadd.f32 v33, v59  }
0x75: {  	v34 =	vadd.f32 v34, v55;
	v62 =	vperm.xlane v36, v1;
	v35 =	vadd.f32 v48, v35  }
0x76: {  	v63 =	vmul.f32 v42, v61;
	v41 =	vadd.f32 v41, v54;
	v56 =	vperm.xlane v38, v0  }
0x77: {  	v51 =	vperm.xlane v37, v2;
	v53 =	vperm.xlane v43, v2;
	v36 =	vadd.f32 v36, v62  }
0x78: {  	v50 =	vperm.xlane v34, v2;
	v52 =	vsub.f32 $1.500000000e+00, v63;
	v60 =	vperm.xlane v41, v1  }
0x79: {  	v38 =	vadd.f32 v38, v56;
	v37 =	vadd.f32 v51, v37;
	v56 =	vperm.xlane v35, v3  }
0x7a: {  	v43 =	vadd.f32 v53, v43;
	v34 =	vadd.f32 v50, v34;
	v54 =	vperm.xlane v36, v2  }
0x7b: {  	v40 =	vmul.f32 v42, v52;
	v41 =	vadd.f32 v41, v60;
	v63 =	vperm.xlane v38, v1  }
0x7c: {  	v35 =	vadd.f32 v56, v35;
	v60 =	vperm.xlane v37, v3;
	v36 =	vadd.f32 v54, v36  }
0x7d: {  	v58 =	vmul.f32 v40, v49;
	v49 =	vperm.xlane v39, v2;
	v38 =	vadd.f32 v38, v63  }
0x7e: {  	v52 =	vperm.xlane v41, v2;
	v37 =	vadd.f32 v60, v37;
	v35 =	vmul.f32 $1.562500000e-02, v35  }
0x7f: {  	v62 =	vperm.xlane v36, v3;
	v61 =	vmul.f32 v58, v40;
	v39 =	vadd.f32 v49, v39  }
0x80: {  	v41 =	vadd.f32 v52, v41;
	v55 =	vperm.xlane v38, v2;
	v58 =	vperm.xlane v34, v3  }
0x81: {  	v37 =	vmul.f32 $1.562500000e-02, v37;
	v48 =	vmul.f32 v35, v35;
	v20 =	vsub.f32 v20, v35  }
0x82: {  	v36 =	vadd.f32 v62, v36;
	v42 =	vsub.f32 $1.500000000e+00, v61;
	v57 =	vperm.xlane v39, v3  }
0x83: {  	v38 =	vadd.f32 v55, v38;
	v59 =	vperm.xlane v41, v3;
	v34 =	vadd.f32 v58, v34  }
0x84: {  	v61 =	vperm.xlane v43, v3;
	v37 =	vsub.f32 v37, v48;
	v36 =	vmul.f32 $1.562500000e-02, v36  }
0x85: {  	v33 =	vmul.f32 v42, v40;
	v39 =	vadd.f32 v57, v39;
	v34 =	vmul.f32 $1.562500000e-02, v34  }
0x86: {  	v63 =	vperm.xlane v38, v3;
	v43 =	vadd.f32 v61, v43;
	v40 =	vadd.f32 v59, v41  }
0x87: {  	v37 =	vadd.f32 $9.999999960e-13, v37;
	v39 =	vmul.f32 $1.562500000e-02, v39;
	v50 =	vmul.f32 v34, v34  }
0x88: {  	v43 =	vmul.f32 $1.562500000e-02, v43;
	v38 =	vadd.f32 v63, v38;
	v40 =	vmul.f32 $1.562500000e-02, v40  }
0x89: {  	v54 =	vmul.f32 $5.000000000e-01, v37;
	v49 =	vmul.f32 v39, v39;
	v36 =	vsub.f32 v36, v50  }
0x8a: {  	v37 =	vshrl.u32 v37, $0x1;
	v38 =	vmul.f32 $1.562500000e-02, v38;
	v52 =	vmul.f32 v40, v40  }
0x8b: {  	v37 =	vsub.s32 $0x5F3759DF, v37;
	v51 =	vsub.f32 v43, v49;
	v36 =	vadd.f32 $9.999999960e-13, v36  }
0x8c: {  	v14 =	vsub.f32 v14, v35;
	v58 =	vmul.f32 v37, v54;
	v38 =	vsub.f32 v38, v52  }
0x8d: {  	v53 =	vadd.f32 $9.999999960e-13, v51;
	v56 =	vmul.f32 $5.000000000e-01, v36;
	v36 =	vshrl.u32 v36, $0x1  }
0x8e: {  	v46 =	vmul.f32 v37, v58;
	v38 =	vadd.f32 $9.999999960e-13, v38;
	v36 =	vsub.s32 $0x5F3759DF, v36  }
0x8f: {  	v55 =	vmul.f32 $5.000000000e-01, v53;
	v41 =	vshrl.u32 v53, $0x1;
	v60 =	vmul.f32 v36, v56  }
0x90: {  	v57 =	vmul.f32 $5.000000000e-01, v38;
	v38 =	vshrl.u32 v38, $0x1;
	v41 =	vsub.s32 $0x5F3759DF, v41  }
0x91: {  	v38 =	vsub.s32 $0x5F3759DF, v38;
	v59 =	vmul.f32 v41, v55;
	v62 =	vmul.f32 v36, v60  }
0x92: {  	v15 =	vsub.f32 v15, v35;
	v46 =	vsub.f32 $1.500000000e+00, v46;
	v61 =	vmul.f32 v38, v57  }
0x93: {  	v16 =	vsub.f32 v16, v35;
	v47 =	vmul.f32 v41, v59;
	v35 =	vsub.f32 $1.500000000e+00, v62  }
0x94: {  	v19 =	vsub.f32 v12, v19;
	v37 =	vmul.f32 v37, v46;
	v63 =	vmul.f32 v38, v61  }
0x95: {  	v31 =	vmul.f32 v33, v31;
	v47 =	vsub.f32 $1.500000000e+00, v47;
	v35 =	vmul.f32 v36, v35  }
0x96: {  	v17 =	vsub.f32 v17, v39;
	v51 =	vmul.f32 v37, v54;
	v48 =	vsub.f32 $1.500000000e+00, v63  }
0x97: {  	v18 =	vsub.f32 v18, v39;
	v41 =	vmul.f32 v41, v47;
	v53 =	vmul.f32 v35, v56  }
0x98: {  	v21 =	vsub.f32 v21, v39;
	v50 =	vmul.f32 v38, v48;
	v38 =	vmul.f32 v51, v37  }
0x99: {  	v22 =	vsub.f32 v22, v39;
	v52 =	vmul.f32 v41, v55;
	v39 =	vmul.f32 v53, v35  }
0x9a: {  	v32 =	vmul.f32 v33, v32;
	v54 =	vmul.f32 v50, v57;
	v38 =	vsub.f32 $1.500000000e+00, v38  }
0x9b: {  	v31 =	vmul.f32 v31, v7;
	v42 =	vmul.f32 v52, v41;
	v39 =	vsub.f32 $1.500000000e+00, v39  }
0x9c: {  	v23 =	vsub.f32 v23, v34;
	v43 =	vmul.f32 v54, v50;
	v37 =	vmul.f32 v38, v37  }
0x9d: {  	v32 =	vmul.f32 v32, v4;
	v42 =	vsub.f32 $1.500000000e+00, v42;
	v56 =	vmul.f32 v39, v35  }
0x9e: {  	v43 =	vsub.f32 $1.500000000e+00, v43;
	v58 =	vmul.f32 v37, v20;
	v59 =	vmul.f32 v37, v14  }
0x9f: {  	v25 =	vsub.f32 v25, v34;
	v60 =	vmul.f32 v37, v15;
	v37 =	vmul.f32 v37, v16  }
0xa0: {  	v24 =	vsub.f32 v24, v34;
	v55 =	vmul.f32 v42, v41;
	v57 =	vmul.f32 v43, v50  }
0xa1: {  	v26 =	vsub.f32 v26, v34;
	v63 =	vmul.f32 v56, v23;
	v25 =	vmul.f32 v56, v25  }
0xa2: {  	v31 =	vadd.f32 v31, v11;
	v16 =	vmul.f32 v56, v24;
	v24 =	vmul.f32 v33, v13  }
0xa3: {  	v27 =	vsub.f32 v27, v40;
	v13 =	vmul.f32 v58, v4;
	v42 =	vmul.f32 v55, v17  }
0xa4: {  	s3 =	simm.s32 $0x270;
	[tilespmem:s1+$0xAF80] =	vst v31;
	v14 =	vsub.f32 v28, v40;
	v61 =	vmul.f32 v55, v18;
	v62 =	vmul.f32 v55, v21  }
0xa5: {  	v12 =	vld [tilespmem:s3+$0xFFFFFFE0];
	v20 =	vsub.f32 v29, v40;
	v38 =	vmul.f32 v55, v22;
	v17 =	vmul.f32 v56, v26  }
0xa6: {  	v28 =	vld [tilespmem:s3+$0xFFFFFFD0];
	v23 =	vadd.f32 v32, v8;
	v15 =	vmul.f32 v57, v27;
	v27 =	vmul.f32 v57, v14  }
0xa7: {  	v29 =	vld [tilespmem:s3+$0x4B60];
	v14 =	vmul.f32 v57, v20;
	v22 =	vmul.f32 v33, v19  }
0xa8: {  	v18 =	vsub.f32 v30, v40;
	v21 =	vld [tilespmem:s3+$0x4B50];
	[tilespmem:s1+$0xAF50] =	vst v23;
	v23 =	vmul.f32 v59, v5;
	v26 =	vmul.f32 v60, v6  }
0xa9: {  	v19 =	vmul.f32 v37, v7;
	v25 =	vmul.f32 v25, v5;
	v30 =	vld [tilespmem:s3+$0x4B70]  }
0xaa: {  	v36 =	vadd.f32 v13, v8;
	v31 =	vld [tilespmem:s3+$0xFFFFFFF0];
	v20 =	vmul.f32 v57, v18;
	v18 =	vmul.f32 v42, v4  }
0xab: {  	s0 =	sshll.u32 s2, $0x1;
	v32 =	vld [tilespmem:s3+$0x4B80];
	v13 =	vmul.f32 v61, v5;
	v35 =	vadd.f32 v23, v9;
	v33 =	vmul.f32 v62, v6  }
0xac: {  	s14 =	simm.s32 $0xEC0;
	s13 =	sadd.s32 s8, s0;
	v34 =	vld [tilespmem:s3+$0x0];
	v23 =	vmul.f32 v38, v7;
	[tilespmem:s1+$0xAE50] =	vst v36;
	v36 =	vadd.f32 v26, v10;
	v26 =	vmul.f32 v63, v4  }
.LBB2_3:
0xad: {  	p1 =	sne.s32 s14, $0xC7C0;
	v37 =	vld [tilespmem:s3+$0x4A50];
	[tilespmem:s1+$0xAE60] =	vst v35;
	v35 =	vadd.f32 v19, v11;
	v19 =	vmul.f32 v16, v6;
	v17 =	vmul.f32 v17, v7  }
0xae: {  	v16 =	vmul.f32 v27, v5;
	v39 =	vld [tilespmem:s3+$0xFFFFFED0];
	[tilespmem:s1+$0xAE70] =	vst v36;
	v36 =	vadd.f32 v18, v8;
	v18 =	vmul.f32 v15, v4  }
0xaf: {  	v13 =	vadd.f32 v13, v9;
	v15 =	vmul.f32 v14, v6;
	v14 =	vmul.f32 v20, v7;
	v40 =	vld [tilespmem:s3+$0x4A60];
	[tilespmem:s1+$0xAE80] =	vst v35  }
0xb0: {  	v20 =	vadd.f32 v12, v29;
	v12 =	vmul.f32 v24, v5;
	v35 =	vadd.f32 v28, v21;
	v41 =	vld [tilespmem:s3+$0xFFFFFEE0];
	[tilespmem:s1+$0xAE90] =	vst v36  }
0xb1: {  	v21 =	vadd.f32 v31, v30;
	v24 =	vld [tilespmem:s3+$0x4A70];
	v38 =	vadd.f32 v34, v32;
	[tilespmem:s1+$0xAEA0] =	vst v13;
	v13 =	vmul.f32 v22, v6  }
0xb2: {  	v29 =	vadd.f32 v33, v10;
	v28 =	vadd.f32 v20, v35;
	v22 =	vld [tilespmem:s3+$0xFFFFFEF0]  }
0xb3: {  	v33 =	vmul.f32 v35, v35;
	v34 =	vmul.f32 v20, v20;
	v31 =	vld [tilespmem:s3+$0x4A80];
	v32 =	vadd.f32 v38, v21  }
0xb4: {  	v27 =	vadd.f32 v39, v37;
	v37 =	vmul.f32 v21, v21;
	v39 =	vmul.f32 v38, v38;
	v36 =	vld [tilespmem:s3+$0xFFFFFF00];
	[tilespmem:s1+$0xAEB0] =	vst v29  }
0xb5: {  	v30 =	vadd.f32 v41, v40;
	v29 =	vld [tilespmem:s3+$0x4A90];
	v28 =	vadd.f32 v32, v28  }
0xb6: {  	v33 =	vadd.f32 v34, v33;
	v32 =	vmul.f32 v27, v27;
	v34 =	vadd.f32 v39, v37;
	v40 =	vld [tilespmem:s3+$0xFFFFFF10]  }
0xb7: {  	v22 =	vadd.f32 v22, v24;
	v37 =	vadd.f32 v30, v27;
	v24 =	vmul.f32 v30, v30;
	v39 =	vld [tilespmem:s3+$0x4AA0]  }
0xb8: {  	v42 =	vadd.f32 v23, v11;
	v33 =	vadd.f32 v34, v33;
	v34 =	vperm.xlane v28, v0;
	v41 =	vld [tilespmem:s3+$0xFFFFFF20]  }
0xb9: {  	v23 =	vadd.f32 v36, v31;
	v31 =	vadd.f32 v24, v32;
	v32 =	vmul.f32 v22, v22;
	v36 =	vld [tilespmem:s3+$0x4AB0]  }
0xba: {  	v26 =	vadd.f32 v26, v8;
	v28 =	vadd.f32 v28, v34;
	v34 =	vperm.xlane v33, v0;
	v43 =	vld [tilespmem:s3+$0xFFFFFF30];
	[tilespmem:s1+$0xAEC0] =	vst v42  }
0xbb: {  	v42 =	vadd.f32 v23, v22;
	v44 =	vmul.f32 v23, v23;
	v24 =	vadd.f32 v40, v29;
	v29 =	vld [tilespmem:s3+$0x4AC0]  }
0xbc: {  	v33 =	vadd.f32 v33, v34;
	v34 =	vperm.xlane v28, v1;
	v40 =	vld [tilespmem:s3+$0xFFFFFF40];
	[tilespmem:s1+$0xAED0] =	vst v26;
	v26 =	vadd.f32 v25, v9  }
0xbd: {  	v37 =	vadd.f32 v42, v37;
	v25 =	vadd.f32 v41, v39;
	v39 =	vmul.f32 v24, v24;
	v41 =	vld [tilespmem:s3+$0x4AD0]  }
0xbe: {  	v32 =	vadd.f32 v44, v32;
	v28 =	vadd.f32 v28, v34;
	v34 =	vperm.xlane v33, v1;
	v42 =	vld [tilespmem:s3+$0xFFFFFF50];
	[tilespmem:s1+$0xAEE0] =	vst v26  }
0xbf: {  	v26 =	vadd.f32 v43, v36;
	v36 =	vadd.f32 v25, v24;
	v43 =	vmul.f32 v25, v25;
	v44 =	vld [tilespmem:s3+$0x4AE0]  }
0xc0: {  	v45 =	vadd.f32 v32, v31;
	v33 =	vadd.f32 v33, v34;
	v31 =	vperm.xlane v28, v2;
	v32 =	vld [tilespmem:s3+$0xFFFFFF60]  }
0xc1: {  	v29 =	vadd.f32 v40, v29;
	v34 =	vadd.f32 v43, v39;
	v39 =	vmul.f32 v26, v26;
	v40 =	vld [tilespmem:s3+$0x4AF0]  }
0xc2: {  	v43 =	vperm.xlane v37, v0;
	v28 =	vadd.f32 v31, v28;
	v47 =	vperm.xlane v33, v2;
	v46 =	vld [tilespmem:s3+$0xFFFFFF70]  }
0xc3: {  	v48 =	vadd.f32 v29, v26;
	v49 =	vmul.f32 v29, v29;
	v31 =	vadd.f32 v42, v41;
	v41 =	vld [tilespmem:s3+$0x4B00]  }
0xc4: {  	v42 =	vadd.f32 v37, v43;
	v43 =	vadd.f32 v47, v33;
	v33 =	vperm.xlane v28, v3;
	v37 =	vld [tilespmem:s3+$0xFFFFFF80]  }
0xc5: {  	v47 =	vadd.f32 v48, v36;
	v32 =	vadd.f32 v32, v44;
	v36 =	vmul.f32 v31, v31;
	v44 =	vld [tilespmem:s3+$0x4B10]  }
0xc6: {  	v39 =	vadd.f32 v49, v39;
	v28 =	vadd.f32 v33, v28;
	v49 =	vperm.xlane v43, v3;
	v48 =	vld [tilespmem:s3+$0xFFFFFF90]  }
0xc7: {  	v33 =	vadd.f32 v46, v40;
	v40 =	vadd.f32 v32, v31;
	v46 =	vmul.f32 v32, v32;
	v50 =	vld [tilespmem:s3+$0x4B20]  }
0xc8: {  	v51 =	vadd.f32 v39, v34;
	v43 =	vadd.f32 v49, v43;
	v28 =	vmul.f32 $1.562500000e-02, v28;
	v39 =	vld [tilespmem:s3+$0xFFFFFFA0]  }
0xc9: {  	v34 =	vadd.f32 v37, v41;
	v46 =	vadd.f32 v46, v36;
	v37 =	vmul.f32 v33, v33;
	v49 =	vld [tilespmem:s3+$0x4B30]  }
0xca: {  	v36 =	vmul.f32 $1.562500000e-02, v43;
	v43 =	vmul.f32 v28, v28;
	v41 =	vsub.f32 v35, v28;
	v52 =	vld [tilespmem:s3+$0xFFFFFFB0]  }
0xcb: {  	v53 =	vadd.f32 v34, v33;
	v54 =	vmul.f32 v34, v34;
	v35 =	vadd.f32 v48, v44;
	v44 =	vld [tilespmem:s3+$0x4B40]  }
0xcc: {  	v55 =	vperm.xlane v47, v0;
	v48 =	vperm.xlane v45, v0;
	v43 =	vsub.f32 v36, v43;
	v56 =	vld [tilespmem:s3+$0xFFFFFFC0]  }
0xcd: {  	v40 =	vadd.f32 v53, v40;
	v36 =	vadd.f32 v39, v50;
	v50 =	vmul.f32 v35, v35  }
0xce: {  	v53 =	vperm.xlane v51, v0;
	v39 =	vadd.f32 v54, v37;
	v43 =	vadd.f32 $9.999999960e-13, v43  }
0xcf: {  	v37 =	vadd.f32 v52, v49;
	v49 =	vadd.f32 v36, v35;
	v52 =	vmul.f32 v36, v36  }
0xd0: {  	v46 =	vadd.f32 v39, v46;
	v54 =	vmul.f32 $5.000000000e-01, v43;
	v43 =	vshrl.u32 v43, $0x1  }
0xd1: {  	v43 =	vsub.s32 $0x5F3759DF, v43;
	v39 =	vadd.f32 v56, v44;
	v44 =	vmul.f32 v37, v37  }
0xd2: {  	v56 =	vperm.xlane v40, v0;
	v50 =	vadd.f32 v52, v50;
	v52 =	vmul.f32 v43, v54  }
0xd3: {  	v47 =	vadd.f32 v47, v55;
	v55 =	vadd.f32 v39, v37;
	v57 =	vmul.f32 v39, v39  }
0xd4: {  	v40 =	vadd.f32 v40, v56;
	v56 =	vperm.xlane v46, v0;
	v52 =	vmul.f32 v43, v52  }
0xd5: {  	v58 =	vperm.xlane v42, v1;
	v49 =	vadd.f32 v55, v49;
	v44 =	vadd.f32 v57, v44  }
0xd6: {  	v45 =	vadd.f32 v45, v48;
	v48 =	vperm.xlane v47, v1;
	v52 =	vsub.f32 $1.500000000e+00, v52  }
0xd7: {  	v51 =	vadd.f32 v51, v53;
	v44 =	vadd.f32 v44, v50;
	v50 =	vperm.xlane v49, v0  }
0xd8: {  	v46 =	vadd.f32 v46, v56;
	v53 =	vperm.xlane v40, v1;
	v43 =	vmul.f32 v43, v52  }
0xd9: {  	v42 =	vadd.f32 v42, v58;
	v49 =	vadd.f32 v49, v50;
	v50 =	vperm.xlane v44, v0  }
0xda: {  	v47 =	vadd.f32 v47, v48;
	v52 =	vperm.xlane v45, v1;
	v48 =	vmul.f32 v43, v54  }
0xdb: {  	v54 =	vperm.xlane v51, v1;
	v44 =	vadd.f32 v44, v50;
	v50 =	vperm.xlane v49, v1  }
0xdc: {  	v53 =	vadd.f32 v40, v53;
	v40 =	vperm.xlane v46, v1;
	v48 =	vmul.f32 v48, v43  }
0xdd: {  	v45 =	vadd.f32 v45, v52;
	v49 =	vadd.f32 v49, v50;
	v50 =	vperm.xlane v44, v1  }
0xde: {  	v52 =	vperm.xlane v42, v2;
	v51 =	vadd.f32 v51, v54;
	v48 =	vsub.f32 $1.500000000e+00, v48  }
0xdf: {  	v46 =	vadd.f32 v46, v40;
	v55 =	vperm.xlane v53, v2;
	v54 =	vperm.xlane v47, v2  }
0xe0: {  	v38 =	vsub.f32 v38, v28;
	v44 =	vadd.f32 v44, v50;
	v40 =	vmul.f32 v48, v43  }
0xe1: {  	v42 =	vadd.f32 v52, v42;
	v43 =	vperm.xlane v45, v2;
	v48 =	vperm.xlane v49, v2  }
0xe2: {  	v47 =	vadd.f32 v54, v47;
	v50 =	vperm.xlane v51, v2;
	v38 =	vmul.f32 v40, v38  }
0xe3: {  	v52 =	vadd.f32 v55, v53;
	v53 =	vperm.xlane v46, v2;
	v48 =	vadd.f32 v48, v49  }
0xe4: {  	v43 =	vadd.f32 v43, v45;
	v45 =	vperm.xlane v44, v2;
	v38 =	vmul.f32 v38, v7  }
0xe5: {  	v49 =	vperm.xlane v42, v3;
	v50 =	vadd.f32 v50, v51;
	v51 =	vperm.xlane v47, v3  }
0xe6: {  	v46 =	vadd.f32 v53, v46;
	v53 =	vperm.xlane v52, v3;
	v38 =	vadd.f32 v38, v11  }
0xe7: {  	v42 =	vadd.f32 v49, v42;
	v44 =	vadd.f32 v45, v44;
	v45 =	vperm.xlane v48, v3  }
0xe8: {  	v49 =	vperm.xlane v43, v3;
	v47 =	vadd.f32 v51, v47;
	v51 =	vperm.xlane v50, v3;
	[tilespmem:s3+$0xAF80] =	vst v38  }
0xe9: {  	v45 =	vadd.f32 v45, v48;
	v38 =	vadd.f32 v53, v52;
	v52 =	vperm.xlane v46, v3  }
0xea: {  	v43 =	vadd.f32 v49, v43;
	v42 =	vmul.f32 $1.562500000e-02, v42;
	v48 =	vperm.xlane v44, v3  }
0xeb: {  	v49 =	vadd.f32 v51, v50;
	v47 =	vmul.f32 $1.562500000e-02, v47;
	v46 =	vadd.f32 v52, v46  }
0xec: {  	v44 =	vadd.f32 v48, v44;
	v45 =	vmul.f32 $1.562500000e-02, v45;
	v38 =	vmul.f32 $1.562500000e-02, v38  }
0xed: {  	v43 =	vmul.f32 $1.562500000e-02, v43;
	v48 =	vmul.f32 v42, v42;
	v27 =	vsub.f32 v27, v42  }
0xee: {  	v30 =	vsub.f32 v30, v42;
	v49 =	vmul.f32 $1.562500000e-02, v49;
	v50 =	vmul.f32 v47, v47  }
0xef: {  	v43 =	vsub.f32 v43, v48;
	v46 =	vmul.f32 $1.562500000e-02, v46;
	v48 =	vmul.f32 v38, v38  }
0xf0: {  	v49 =	vsub.f32 v49, v50;
	v44 =	vmul.f32 $1.562500000e-02, v44;
	v50 =	vmul.f32 v45, v45  }
0xf1: {  	v41 =	vmul.f32 v40, v41;
	v43 =	vadd.f32 $9.999999960e-13, v43;
	v46 =	vsub.f32 v46, v48  }
0xf2: {  	v44 =	vsub.f32 v44, v50;
	v48 =	vadd.f32 $9.999999960e-13, v49  }
0xf3: {  	v49 =	vmul.f32 $5.000000000e-01, v43;
	v43 =	vshrl.u32 v43, $0x1;
	v46 =	vadd.f32 $9.999999960e-13, v46  }
0xf4: {  	v44 =	vadd.f32 $9.999999960e-13, v44;
	v50 =	vmul.f32 $5.000000000e-01, v48;
	v48 =	vshrl.u32 v48, $0x1  }
0xf5: {  	v43 =	vsub.s32 $0x5F3759DF, v43;
	v51 =	vmul.f32 $5.000000000e-01, v46;
	v46 =	vshrl.u32 v46, $0x1  }
0xf6: {  	v52 =	vmul.f32 $5.000000000e-01, v44;
	v44 =	vshrl.u32 v44, $0x1;
	v48 =	vsub.s32 $0x5F3759DF, v48  }
0xf7: {  	v53 =	vmul.f32 v43, v49;
	v44 =	vsub.s32 $0x5F3759DF, v44;
	v46 =	vsub.s32 $0x5F3759DF, v46  }
0xf8: {  	v22 =	vsub.f32 v22, v42;
	v54 =	vmul.f32 v48, v50;
	v55 =	vmul.f32 v46, v51  }
0xf9: {  	v23 =	vsub.f32 v23, v42;
	v42 =	vmul.f32 v44, v52;
	v53 =	vmul.f32 v43, v53  }
0xfa: {  	v24 =	vsub.f32 v24, v47;
	v54 =	vmul.f32 v48, v54;
	v55 =	vmul.f32 v46, v55  }
0xfb: {  	v25 =	vsub.f32 v25, v47;
	v42 =	vmul.f32 v44, v42;
	v53 =	vsub.f32 $1.500000000e+00, v53  }
0xfc: {  	v41 =	vmul.f32 v41, v4;
	v54 =	vsub.f32 $1.500000000e+00, v54;
	v55 =	vsub.f32 $1.500000000e+00, v55  }
0xfd: {  	v26 =	vsub.f32 v26, v47;
	v42 =	vsub.f32 $1.500000000e+00, v42;
	v43 =	vmul.f32 v43, v53  }
0xfe: {  	v29 =	vsub.f32 v29, v47;
	v48 =	vmul.f32 v48, v54;
	v46 =	vmul.f32 v46, v55  }
0xff: {  	v31 =	vsub.f32 v31, v38;
	v42 =	vmul.f32 v44, v42;
	v47 =	vmul.f32 v43, v49  }
0x100: {  	v32 =	vsub.f32 v32, v38;
	v44 =	vmul.f32 v48, v50;
	v49 =	vmul.f32 v46, v51  }
0x101: {  	v33 =	vsub.f32 v33, v38;
	v47 =	vmul.f32 v47, v43;
	v50 =	vmul.f32 v42, v52  }
0x102: {  	v34 =	vsub.f32 v34, v38;
	v44 =	vmul.f32 v44, v48;
	v49 =	vmul.f32 v49, v46  }
0x103: {  	v35 =	vsub.f32 v35, v45;
	v38 =	vsub.f32 $1.500000000e+00, v47;
	v47 =	vmul.f32 v50, v42  }
0x104: {  	v44 =	vsub.f32 $1.500000000e+00, v44;
	v49 =	vsub.f32 $1.500000000e+00, v49  }
0x105: {  	v36 =	vsub.f32 v36, v45;
	v38 =	vmul.f32 v38, v43;
	v43 =	vsub.f32 $1.500000000e+00, v47  }
0x106: {  	v37 =	vsub.f32 v37, v45;
	v44 =	vmul.f32 v44, v48;
	v46 =	vmul.f32 v49, v46  }
0x107: {  	v39 =	vsub.f32 v39, v45;
	v42 =	vmul.f32 v43, v42;
	v43 =	vsub.f32 v20, v28  }
0x108: {  	v47 =	vsub.f32 v21, v28;
	v45 =	vmul.f32 v38, v27;
	v30 =	vmul.f32 v38, v30  }
0x109: {  	v19 =	vadd.f32 v19, v10;
	v48 =	vmul.f32 v38, v22;
	v23 =	vmul.f32 v38, v23  }
0x10a: {  	v17 =	vadd.f32 v17, v11;
	v38 =	vmul.f32 v44, v24;
	v25 =	vmul.f32 v44, v25  }
0x10b: {  	v18 =	vadd.f32 v18, v8;
	v26 =	vmul.f32 v44, v26;
	v44 =	vmul.f32 v44, v29;
	[tilespmem:s1+$0xAEF0] =	vst v19  }
0x10c: {  	v49 =	vmul.f32 v46, v31;
	v50 =	vmul.f32 v46, v32;
	v19 =	vadd.f32 v16, v9;
	[tilespmem:s1+$0xAF00] =	vst v17  }
0x10d: {  	s16 =	sshra.s32 s14, $0x2;
	v16 =	vmul.f32 v46, v33;
	v17 =	vmul.f32 v46, v34;
	[tilespmem:s1+$0xAF10] =	vst v18;
	v18 =	vadd.f32 v15, v10  }
0x10e: {  	v27 =	vmul.f32 v42, v36;
	v15 =	vmul.f32 v42, v35;
	v21 =	vld [tilespmem:s16+$0x4B50];
	[tilespmem:s1+$0xAF20] =	vst v19;
	v19 =	vadd.f32 v14, v11  }
0x10f: {  	v20 =	vmul.f32 v42, v39;
	v31 =	vadd.f32 v41, v8;
	v14 =	vmul.f32 v42, v37;
	v28 =	vld [tilespmem:s16+$0xFFFFFFD0];
	[tilespmem:s1+$0xAF30] =	vst v18  }
0x110: {  	v22 =	vmul.f32 v40, v47;
	v24 =	vmul.f32 v40, v43;
	v18 =	vadd.f32 v12, v9;
	v29 =	vld [tilespmem:s16+$0x4B60];
	[tilespmem:s1+$0xAF40] =	vst v19  }
.Ltmp2:
0x111: {  	v32 =	vmul.f32 v45, v4;
	v33 =	vmul.f32 v30, v5;
	v34 =	vadd.f32 v13, v10;
	v12 =	vld [tilespmem:s16+$0xFFFFFFE0];
	[tilespmem:s3+$0xAF50] =	vst v31;
	(pc) =	sbr.rel @p1 .LBB2_3-.Ltmp2, $4  }
0x112: {  	v36 =	vmul.f32 v48, v6;
	v19 =	vmul.f32 v23, v7;
	v30 =	vld [tilespmem:s16+$0x4B70];
	[tilespmem:s1+$0xAF60] =	vst v18  }
0x113: {  	v13 =	vmul.f32 v25, v5;
	v37 =	vadd.f32 v32, v8;
	v18 =	vmul.f32 v38, v4;
	v31 =	vld [tilespmem:s16+$0xFFFFFFF0];
	[tilespmem:s1+$0xAF70] =	vst v34;
	s1 =	smov.u32 s3;
	s3 =	smov.u32 s16  }
0x114: {  	v35 =	vadd.f32 v33, v9;
	v33 =	vmul.f32 v26, v6;
	v23 =	vmul.f32 v44, v7;
	v32 =	vld [tilespmem:s3+$0x4B80]  }
0x115: {  	s14 =	sadd.s32 $0x500, s14;
	v36 =	vadd.f32 v36, v10;
	v25 =	vmul.f32 v50, v5;
	v26 =	vmul.f32 v49, v4;
	v34 =	vld [tilespmem:s3+$0x0];
	[tilespmem:s1+$0xAE50] =	vst v37  }
0x116: {  	v37 =	vld [tilespmem:s3+$0x4A50];
	[tilespmem:s1+$0xAE60] =	vst v35;
	v19 =	vadd.f32 v19, v11;
	v18 =	vadd.f32 v18, v8  }
0x117: {  	v13 =	vadd.f32 v13, v9;
	v40 =	vadd.f32 v28, v21;
	v35 =	vld [tilespmem:s3+$0xFFFFFED0];
	[tilespmem:s1+$0xAE70] =	vst v36  }
0x118: {  	v16 =	vmul.f32 v16, v6;
	v28 =	vadd.f32 v33, v10;
	v17 =	vmul.f32 v17, v7;
	v38 =	vld [tilespmem:s3+$0x4A60];
	[tilespmem:s1+$0xAE80] =	vst v19  }
0x119: {  	v14 =	vmul.f32 v14, v6;
	v62 =	vadd.f32 v23, v11;
	v26 =	vadd.f32 v26, v8;
	v19 =	vld [tilespmem:s3+$0xFFFFFEE0];
	[tilespmem:s1+$0xAE90] =	vst v18  }
0x11a: {  	v25 =	vadd.f32 v25, v9;
	v16 =	vadd.f32 v16, v10;
	v39 =	vld [tilespmem:s3+$0x4A70];
	[tilespmem:s1+$0xAEA0] =	vst v13  }
0x11b: {  	v17 =	vadd.f32 v17, v11;
	v14 =	vadd.f32 v14, v10;
	v21 =	vld [tilespmem:s3+$0xFFFFFEF0]  }
0x11c: {  	v18 =	vmul.f32 v15, v4;
	v15 =	vmul.f32 v27, v5;
	v13 =	vadd.f32 v12, v29;
	v55 =	vld [tilespmem:s3+$0x4A80]  }
0x11d: {  	v57 =	vmul.f32 v40, v40;
	v12 =	vadd.f32 v31, v30;
	v36 =	vadd.f32 v34, v32;
	v30 =	vld [tilespmem:s3+$0xFFFFFF00];
	[tilespmem:s1+$0xAEB0] =	vst v28  }
0x11e: {  	v15 =	vadd.f32 v15, v9;
	v28 =	vadd.f32 v13, v40;
	v56 =	vld [tilespmem:s3+$0x4A90];
	v41 =	vmul.f32 v13, v13  }
0x11f: {  	v31 =	vadd.f32 v36, v12;
	v58 =	vld [tilespmem:s3+$0xFFFFFF10];
	v59 =	vmul.f32 v12, v12;
	v42 =	vmul.f32 v36, v36  }
0x120: {  	v27 =	vadd.f32 v35, v37;
	v60 =	vld [tilespmem:s3+$0x4AA0];
	v29 =	vadd.f32 v19, v38  }
0x121: {  	v63 =	vld [tilespmem:s3+$0x4AB0];
	v19 =	vmul.f32 v20, v7;
	v20 =	vadd.f32 v41, v57;
	v37 =	vadd.f32 v42, v59  }
0x122: {  	v28 =	vadd.f32 v31, v28;
	v31 =	vld [tilespmem:s3+$0xFFFFFF20];
	v61 =	vmul.f32 v27, v27;
	v21 =	vadd.f32 v21, v39  }
0x123: {  	v44 =	vld [tilespmem:s3+$0xFFFFFF30];
	[tilespmem:s1+$0xAEC0] =	vst v62;
	v48 =	vadd.f32 v29, v27;
	v43 =	vmul.f32 v29, v29;
	v37 =	vadd.f32 v37, v20  }
0x124: {  	v49 =	vld [tilespmem:s3+$0x4AC0];
	v45 =	vperm.xlane v28, v0;
	v23 =	vadd.f32 v30, v55;
	v20 =	vmul.f32 v24, v5  }
0x125: {  	v52 =	vld [tilespmem:s3+$0xFFFFFF40];
	[tilespmem:s1+$0xAED0] =	vst v26;
	v24 =	vadd.f32 v58, v56;
	v30 =	vadd.f32 v43, v61;
	v50 =	vmul.f32 v21, v21  }
0x126: {  	v56 =	vld [tilespmem:s3+$0x4AD0];
	v28 =	vadd.f32 v28, v45;
	v51 =	vperm.xlane v37, v0;
	v53 =	vadd.f32 v23, v21  }
0x127: {  	v46 =	vmul.f32 v23, v23;
	v61 =	vld [tilespmem:s3+$0xFFFFFF50];
	[tilespmem:s1+$0xAEE0] =	vst v25;
	v26 =	vadd.f32 v31, v60;
	v31 =	vmul.f32 v24, v24  }
0x128: {  	v60 =	vld [tilespmem:s3+$0x4AF0];
	v54 =	vadd.f32 v37, v51;
	v55 =	vperm.xlane v28, v1;
	v39 =	vadd.f32 v53, v48  }
0x129: {  	v34 =	vadd.f32 v46, v50;
	v53 =	vld [tilespmem:s3+$0xFFFFFF70];
	v25 =	vadd.f32 v26, v24;
	v62 =	vmul.f32 v26, v26  }
0x12a: {  	v57 =	vld [tilespmem:s3+$0xFFFFFF60];
	v35 =	vadd.f32 v28, v55;
	v41 =	vperm.xlane v54, v1;
	v28 =	vadd.f32 v44, v63  }
0x12b: {  	v63 =	vld [tilespmem:s3+$0x4AE0];
	v45 =	vadd.f32 v34, v30;
	v30 =	vadd.f32 v52, v49;
	v52 =	vperm.xlane v39, v0  }
0x12c: {  	v31 =	vadd.f32 v62, v31;
	v41 =	vadd.f32 v54, v41;
	v58 =	vperm.xlane v35, v2  }
0x12d: {  	v51 =	vld [tilespmem:s3+$0xFFFFFFA0];
	v32 =	vadd.f32 v61, v56;
	v59 =	vmul.f32 v28, v28;
	v48 =	vadd.f32 v30, v28  }
0x12e: {  	v34 =	vadd.f32 v53, v60;
	v60 =	vld [tilespmem:s3+$0x4B20];
	v35 =	vadd.f32 v58, v35;
	v47 =	vperm.xlane v41, v2  }
0x12f: {  	v55 =	vld [tilespmem:s3+$0xFFFFFF80];
	v49 =	vmul.f32 v30, v30;
	v50 =	vadd.f32 v39, v52;
	v62 =	vmul.f32 v32, v32  }
0x130: {  	v54 =	vld [tilespmem:s3+$0x4B00];
	v33 =	vadd.f32 v57, v63;
	v56 =	vadd.f32 v47, v41;
	v61 =	vperm.xlane v35, v3  }
0x131: {  	v47 =	vadd.f32 v48, v25;
	v25 =	vadd.f32 v49, v59;
	v48 =	vperm.xlane v45, v0  }
0x132: {  	v63 =	vld [tilespmem:s3+$0x4B10];
	v43 =	vadd.f32 v33, v32;
	v59 =	vmul.f32 v33, v33;
	v35 =	vadd.f32 v61, v35  }
0x133: {  	v57 =	vld [tilespmem:s3+$0xFFFFFF90];
	v31 =	vadd.f32 v25, v31;
	v37 =	vadd.f32 v51, v60  }
0x134: {  	v58 =	vperm.xlane v56, v3;
	v45 =	vadd.f32 v45, v48;
	v41 =	vadd.f32 v59, v62  }
0x135: {  	v25 =	vmul.f32 $1.562500000e-02, v35;
	v35 =	vadd.f32 v55, v54;
	v55 =	vperm.xlane v47, v0  }
0x136: {  	v39 =	vadd.f32 v58, v56;
	v51 =	vperm.xlane v31, v0;
	v58 =	vperm.xlane v50, v1  }
0x137: {  	v46 =	vld [tilespmem:s3+$0xFFFFFFB0];
	v59 =	vperm.xlane v45, v1;
	v53 =	vsub.f32 v40, v25;
	v62 =	vadd.f32 v35, v34  }
0x138: {  	v44 =	vld [tilespmem:s3+$0x4B30];
	v61 =	vmul.f32 $1.562500000e-02, v39;
	v39 =	vadd.f32 v57, v63;
	v47 =	vadd.f32 v47, v55  }
0x139: {  	v38 =	vmul.f32 v34, v34;
	v56 =	vld [tilespmem:s3+$0xFFFFFFC0];
	v31 =	vadd.f32 v31, v51;
	v50 =	vadd.f32 v50, v58  }
0x13a: {  	v52 =	vmul.f32 v25, v25;
	v63 =	vld [tilespmem:s3+$0x4B40];
	v45 =	vadd.f32 v45, v59;
	v36 =	vsub.f32 v36, v25  }
0x13b: {  	v54 =	vmul.f32 v35, v35;
	v13 =	vsub.f32 v13, v25;
	v12 =	vsub.f32 v12, v25  }
0x13c: {  	v22 =	vmul.f32 v22, v6;
	v52 =	vsub.f32 v61, v52;
	v43 =	vadd.f32 v62, v43  }
0x13d: {  	v60 =	vmul.f32 v39, v39;
	v61 =	vadd.f32 v54, v38;
	v38 =	vadd.f32 v46, v44  }
0x13e: {  	v44 =	vadd.f32 v37, v39;
	v62 =	vmul.f32 v37, v37;
	v52 =	vadd.f32 $9.999999960e-13, v52  }
0x13f: {  	v41 =	vadd.f32 v61, v41;
	v42 =	vmul.f32 v38, v38;
	v40 =	vadd.f32 v56, v63  }
0x140: {  	v63 =	vperm.xlane v43, v0;
	v54 =	vmul.f32 $5.000000000e-01, v52;
	v52 =	vshrl.u32 v52, $0x1  }
0x141: {  	v46 =	vadd.f32 v62, v60;
	v62 =	vperm.xlane v41, v0;
	v52 =	vsub.s32 $0x5F3759DF, v52  }
0x142: {  	v61 =	vadd.f32 v40, v38;
	v57 =	vmul.f32 v40, v40;
	v43 =	vadd.f32 v43, v63  }
0x143: {  	v63 =	vperm.xlane v47, v1;
	v60 =	vmul.f32 v52, v54;
	v41 =	vadd.f32 v41, v62  }
0x144: {  	v44 =	vadd.f32 v61, v44;
	v42 =	vadd.f32 v57, v42;
	v57 =	vperm.xlane v43, v1  }
0x145: {  	v47 =	vadd.f32 v47, v63;
	v49 =	vmul.f32 v52, v60;
	v63 =	vperm.xlane v41, v1  }
0x146: {  	v61 =	vperm.xlane v31, v1;
	v42 =	vadd.f32 v42, v46;
	v55 =	vperm.xlane v44, v0  }
0x147: {  	v59 =	vperm.xlane v47, v2;
	v49 =	vsub.f32 $1.500000000e+00, v49;
	v41 =	vadd.f32 v41, v63  }
0x148: {  	v43 =	vadd.f32 v43, v57;
	v44 =	vadd.f32 v44, v55;
	v58 =	vperm.xlane v42, v0  }
0x149: {  	v47 =	vadd.f32 v59, v47;
	v49 =	vmul.f32 v52, v49;
	v56 =	vperm.xlane v41, v2  }
0x14a: {  	v42 =	vadd.f32 v42, v58;
	v62 =	vperm.xlane v44, v1;
	v58 =	vperm.xlane v50, v2  }
0x14b: {  	v59 =	vperm.xlane v47, v3;
	v60 =	vmul.f32 v49, v54;
	v54 =	vadd.f32 v31, v61  }
0x14c: {  	v41 =	vadd.f32 v56, v41;
	v44 =	vadd.f32 v44, v62;
	v57 =	vperm.xlane v42, v1  }
0x14d: {  	v61 =	vadd.f32 v58, v50;
	v62 =	vperm.xlane v45, v2;
	v48 =	vmul.f32 v60, v49  }
0x14e: {  	v47 =	vadd.f32 v59, v47;
	v60 =	vperm.xlane v43, v2;
	v55 =	vperm.xlane v54, v2  }
0x14f: {  	v42 =	vadd.f32 v42, v57;
	v63 =	vperm.xlane v44, v2;
	v45 =	vadd.f32 v62, v45  }
0x150: {  	v58 =	vperm.xlane v61, v3;
	v47 =	vmul.f32 $1.562500000e-02, v47;
	v31 =	vsub.f32 $1.500000000e+00, v48  }
0x151: {  	v43 =	vadd.f32 v60, v43;
	v48 =	vadd.f32 v55, v54;
	v55 =	vperm.xlane v41, v3  }
0x152: {  	v44 =	vadd.f32 v63, v44;
	v57 =	vperm.xlane v42, v2;
	v46 =	vadd.f32 v58, v61  }
0x153: {  	v62 =	vperm.xlane v45, v3;
	v58 =	vmul.f32 v47, v47;
	v24 =	vsub.f32 v24, v47  }
0x154: {  	v26 =	vsub.f32 v26, v47;
	v28 =	vsub.f32 v28, v47;
	v31 =	vmul.f32 v31, v49  }
0x155: {  	v30 =	vsub.f32 v30, v47;
	v60 =	vperm.xlane v43, v3;
	v63 =	vperm.xlane v48, v3  }
0x156: {  	v41 =	vadd.f32 v55, v41;
	v42 =	vadd.f32 v57, v42;
	v61 =	vperm.xlane v44, v3  }
0x157: {  	v45 =	vadd.f32 v62, v45;
	v46 =	vmul.f32 $1.562500000e-02, v46;
	v36 =	vmul.f32 v31, v36  }
0x158: {  	v43 =	vadd.f32 v60, v43;
	v41 =	vmul.f32 $1.562500000e-02, v41;
	v49 =	vmul.f32 v31, v53  }
0x159: {  	v48 =	vadd.f32 v63, v48;
	v13 =	vmul.f32 v31, v13;
	v12 =	vmul.f32 v31, v12  }
0x15a: {  	v44 =	vadd.f32 v61, v44;
	v56 =	vperm.xlane v42, v3;
	v45 =	vmul.f32 $1.562500000e-02, v45  }
0x15b: {  	v57 =	vmul.f32 v46, v46;
	v27 =	vsub.f32 v27, v46;
	v29 =	vsub.f32 v29, v46  }
0x15c: {  	v21 =	vsub.f32 v21, v46;
	v36 =	vmul.f32 v36, v7;
	v43 =	vmul.f32 $1.562500000e-02, v43  }
0x15d: {  	v23 =	vsub.f32 v23, v46;
	v48 =	vmul.f32 $1.562500000e-02, v48;
	v49 =	vmul.f32 v49, v4  }
0x15e: {  	v42 =	vadd.f32 v56, v42;
	v44 =	vmul.f32 $1.562500000e-02, v44;
	v45 =	vsub.f32 v45, v57  }
0x15f: {  	v36 =	vadd.f32 v36, v11;
	v59 =	vmul.f32 v43, v43;
	v48 =	vsub.f32 v48, v58  }
0x160: {  	v32 =	vsub.f32 v32, v43;
	v42 =	vmul.f32 $1.562500000e-02, v42;
	v60 =	vmul.f32 v44, v44  }
0x161: {  	v13 =	vmul.f32 v13, v5;
	v45 =	vadd.f32 $9.999999960e-13, v45;
	v41 =	vsub.f32 v41, v59  }
0x162: {  	v12 =	vmul.f32 v12, v6;
	v48 =	vadd.f32 $9.999999960e-13, v48;
	v42 =	vsub.f32 v42, v60  }
0x163: {  	v50 =	vmul.f32 $5.000000000e-01, v45;
	v45 =	vshrl.u32 v45, $0x1;
	v41 =	vadd.f32 $9.999999960e-13, v41  }
0x164: {  	v51 =	vmul.f32 $5.000000000e-01, v48;
	v48 =	vshrl.u32 v48, $0x1;
	v45 =	vsub.s32 $0x5F3759DF, v45  }
0x165: {  	v42 =	vadd.f32 $9.999999960e-13, v42;
	v48 =	vsub.s32 $0x5F3759DF, v48;
	v61 =	vmul.f32 v45, v50  }
0x166: {  	v33 =	vsub.f32 v33, v43;
	v52 =	vmul.f32 $5.000000000e-01, v41;
	v62 =	vmul.f32 v48, v51  }
0x167: {  	v41 =	vshrl.u32 v41, $0x1;
	v53 =	vmul.f32 $5.000000000e-01, v42;
	v54 =	vmul.f32 v45, v61  }
0x168: {  	v42 =	vshrl.u32 v42, $0x1;
	v41 =	vsub.s32 $0x5F3759DF, v41;
	v55 =	vmul.f32 v48, v62  }
0x169: {  	v42 =	vsub.s32 $0x5F3759DF, v42;
	v63 =	vmul.f32 v41, v52;
	v54 =	vsub.f32 $1.500000000e+00, v54  }
0x16a: {  	v34 =	vsub.f32 v34, v43;
	v60 =	vmul.f32 v42, v53;
	v55 =	vsub.f32 $1.500000000e+00, v55  }
0x16b: {  	v35 =	vsub.f32 v35, v43;
	v61 =	vmul.f32 v41, v63;
	v45 =	vmul.f32 v45, v54  }
0x16c: {  	v25 =	vadd.f32 v49, v8;
	v62 =	vmul.f32 v42, v60;
	v48 =	vmul.f32 v48, v55  }
0x16d: {  	v13 =	vadd.f32 v13, v9;
	v46 =	vsub.f32 $1.500000000e+00, v61;
	v57 =	vmul.f32 v45, v50  }
0x16e: {  	v12 =	vadd.f32 v12, v10;
	v63 =	vsub.f32 $1.500000000e+00, v62;
	v58 =	vmul.f32 v48, v51  }
0x16f: {  	v39 =	vsub.f32 v39, v44;
	[tilespmem:s3+$0xAF80] =	vst v36;
	v41 =	vmul.f32 v41, v46;
	v46 =	vmul.f32 v57, v45  }
0x170: {  	v37 =	vsub.f32 v37, v44;
	[tilespmem:s1+$0xAEF0] =	vst v16;
	v42 =	vmul.f32 v42, v63;
	v47 =	vmul.f32 v58, v48  }
0x171: {  	v38 =	vsub.f32 v38, v44;
	[tilespmem:s1+$0xAF00] =	vst v17;
	v59 =	vmul.f32 v41, v52;
	v61 =	vsub.f32 $1.500000000e+00, v46  }
0x172: {  	[tilespmem:s1+$0xAF20] =	vst v15;
	v15 =	vadd.f32 v19, v11;
	v60 =	vmul.f32 v42, v53;
	v47 =	vsub.f32 $1.500000000e+00, v47  }
0x173: {  	v16 =	vadd.f32 v18, v8;
	[tilespmem:s1+$0xAF30] =	vst v14;
	v50 =	vmul.f32 v59, v41;
	v63 =	vmul.f32 v61, v45  }
0x174: {  	[tilespmem:s1+$0xAF40] =	vst v15;
	v15 =	vadd.f32 v20, v9;
	v62 =	vmul.f32 v60, v42;
	v52 =	vmul.f32 v47, v48  }
0x175: {  	[tilespmem:s1+$0xAF10] =	vst v16;
	v50 =	vsub.f32 $1.500000000e+00, v50;
	v16 =	vmul.f32 v63, v27;
	v19 =	vmul.f32 v63, v29  }
0x176: {  	[tilespmem:s3+$0xAF50] =	vst v25;
	v14 =	vmul.f32 v63, v21;
	v20 =	vmul.f32 v63, v23;
	v21 =	vadd.f32 v22, v10  }
0x177: {  	[tilespmem:s1+$0xAF60] =	vst v15;
	v51 =	vsub.f32 $1.500000000e+00, v62;
	v18 =	vmul.f32 v50, v41;
	v16 =	vmul.f32 v16, v4  }
0x178: {  	v40 =	vsub.f32 v40, v44;
	v22 =	vmul.f32 v52, v24;
	v19 =	vmul.f32 v19, v5;
	[tilespmem:s1+$0xAF70] =	vst v21  }
0x179: {  	v17 =	vmul.f32 v51, v42;
	v14 =	vmul.f32 v14, v6;
	[tilespmem:s3+$0xAF60] =	vst v13;
	v15 =	vadd.f32 v16, v8  }
0x17a: {  	v20 =	vmul.f32 v20, v7;
	[tilespmem:s3+$0xAF70] =	vst v12;
	v16 =	vmul.f32 v52, v26;
	v19 =	vadd.f32 v19, v9  }
0x17b: {  	v21 =	vmul.f32 v52, v28;
	v22 =	vmul.f32 v22, v4;
	v14 =	vadd.f32 v14, v10;
	[tilespmem:s3+$0xAE50] =	vst v15  }
0x17c: {  	v15 =	vmul.f32 v52, v30;
	v16 =	vmul.f32 v16, v5;
	[tilespmem:s3+$0xAE60] =	vst v19;
	v19 =	vadd.f32 v20, v11  }
0x17d: {  	v21 =	vmul.f32 v21, v6;
	v20 =	vmul.f32 v18, v32;
	[tilespmem:s3+$0xAE70] =	vst v14;
	v14 =	vadd.f32 v22, v8  }
0x17e: {  	v22 =	vmul.f32 v18, v33;
	v15 =	vmul.f32 v15, v7;
	[tilespmem:s3+$0xAE80] =	vst v19;
	v16 =	vadd.f32 v16, v9  }
0x17f: {  	v19 =	vmul.f32 v18, v34;
	v20 =	vmul.f32 v20, v4;
	[tilespmem:s3+$0xAE90] =	vst v14;
	v14 =	vadd.f32 v21, v10  }
0x180: {  	v18 =	vmul.f32 v18, v35;
	v21 =	vmul.f32 v22, v5;
	[tilespmem:s3+$0xAEA0] =	vst v16;
	v15 =	vadd.f32 v15, v11  }
0x181: {  	v16 =	vmul.f32 v17, v39;
	v19 =	vmul.f32 v19, v6;
	[tilespmem:s3+$0xAEB0] =	vst v14;
	v14 =	vadd.f32 v20, v8  }
0x182: {  	v20 =	vmul.f32 v17, v37;
	v18 =	vmul.f32 v18, v7;
	[tilespmem:s3+$0xAEC0] =	vst v15;
	v15 =	vadd.f32 v21, v9  }
0x183: {  	v21 =	vmul.f32 v17, v38;
	v16 =	vmul.f32 v16, v4;
	[tilespmem:s3+$0xAED0] =	vst v14;
	v14 =	vadd.f32 v19, v10  }
0x184: {  	v17 =	vmul.f32 v17, v40;
	v19 =	vmul.f32 v20, v5;
	[tilespmem:s3+$0xAEE0] =	vst v15;
	v15 =	vadd.f32 v18, v11  }
0x185: {  	v18 =	vmul.f32 v21, v6;
	[tilespmem:s3+$0xAEF0] =	vst v14;
	v14 =	vadd.f32 v16, v8  }
0x186: {  	v16 =	vmul.f32 v17, v7;
	[tilespmem:s3+$0xAF00] =	vst v15;
	v15 =	vadd.f32 v19, v9  }
0x187: {  	[tilespmem:s3+$0xAF10] =	vst v14;
	v14 =	vadd.f32 v18, v10  }
0x188: {  	s16 =	smul.u32 $0x640, s13;
	[tilespmem:s3+$0xAF20] =	vst v15;
	v15 =	vadd.f32 v16, v11  }
0x189: {  	p1 =	seq.s32 s2, $0xF;
	[tilespmem:s3+$0xAF30] =	vst v14  }
0x18a: {  	s1 =	sadd.s32 s4, s16;
	[tilespmem:s3+$0xAF40] =	vst v15;
	s3 =	smul.u32 @!p1 $0x640, s2  }
0x18b: {  	[hbm4b:s1+s5] =	stream.linear.scatter [tilespmem:s25], [sflag:$0x3], $0x3200, $0x38;
	[tilespmem:$0x11380] =	vst v63  }
0x18c: {  	s1 =	sshra.s32 @!p1 s3, $0x2  }
0x18d: {  	s13 =	simm.s32 @!p1 $0x68;
	s14 =	simm.s32 @!p1 $0x4B80;
	s3 =	sadd.s32 @!p1 $0x3410, s1  }
0x18e: {  	[tilespmem:s14], [sflag:$0x1] =	stream.indirect.gather @!p1 [hbm4b:s6+s13], $0x40, s3, s13, $0xb8;
	[tilespmem:$0x11380] =	vst v63  }
0x18f: {  	s1 =	sadd.s32 @!p1 $0x3478, s1;
	s3 =	simm.s32 @!p1 $0x60;
	s13 =	simm.s32 @!p1 $0x6580  }
0x190: {  	[tilespmem:s13], [sflag:$0x1] =	stream.indirect.gather @!p1 [hbm4b:s6+s3], $0x40, s1, s3, $0xb8;
	[tilespmem:$0x11380] =	vst v63  }
0x191: {  	_ =	swait.ge [sflag:s26], $0x1A00  }
0x192: {  	[sflag:s26] =	ssyncset.done $0x0  }
0x193: {  	[sflag:s26] =	ssyncadd.s32 $0xFFFFE600  }
0x194: {  	_ =	swait.ge [sflag:s26], $0x1800  }
0x195: {  	[sflag:s26] =	ssyncset.done $0x0  }
0x196: {  	s1 =	simm.s32 @!p0 $0x4;
	[sflag:s26] =	ssyncadd.s32 $0xFFFFE800  }
0x197: {  	_ =	swait.ge @!p0 [sflag:s1], $0x3200  }
0x198: {  	[sflag:s1] =	ssyncset.done @!p0 $0x0  }
0x199: {  	[sflag:s1] =	ssyncadd.s32 @!p0 $0xFFFFCE00;
	s1 =	simm.s32 $0x130  }
0x19a: {  	v12 =	vld [tilespmem:s1+$0x7D50]  }
0x19b: {  	v13 =	vld [tilespmem:s1+$0xFFFFFFD0]  }
0x19c: {  	v14 =	vld [tilespmem:s1+$0x7D60]  }
0x19d: {  	v15 =	vld [tilespmem:s1+$0xFFFFFFE0]  }
0x19e: {  	v16 =	vld [tilespmem:s1+$0x7D70]  }
0x19f: {  	v17 =	vld [tilespmem:s1+$0xFFFFFFF0]  }
0x1a0: {  	v18 =	vld [tilespmem:s1+$0x7D80]  }
0x1a1: {  	v19 =	vld [tilespmem:s1+$0x0]  }
0x1a2: {  	v20 =	vld [tilespmem:s1+$0x7C50]  }
0x1a3: {  	v21 =	vld [tilespmem:s1+$0xFFFFFED0]  }
0x1a4: {  	v22 =	vld [tilespmem:s1+$0x7C60]  }
0x1a5: {  	v23 =	vld [tilespmem:s1+$0xFFFFFEE0]  }
0x1a6: {  	v27 =	vadd.f32 v13, v12;
	v13 =	vadd.f32 v15, v14;
	v15 =	vld [tilespmem:s1+$0x7C70]  }
0x1a7: {  	v12 =	vadd.f32 v17, v16;
	v16 =	vld [tilespmem:s1+$0xFFFFFEF0]  }
0x1a8: {  	v31 =	vadd.f32 v19, v18;
	v18 =	vld [tilespmem:s1+$0x7C80]  }
0x1a9: {  	v20 =	vadd.f32 v21, v20;
	v21 =	vld [tilespmem:s1+$0xFFFFFF00];
	v17 =	vadd.f32 v13, v27  }
0x1aa: {  	v29 =	vld [tilespmem:s1+$0xFFFFFF20];
	v19 =	vadd.f32 v31, v12;
	v24 =	vmul.f32 v27, v27;
	v25 =	vmul.f32 v13, v13  }
0x1ab: {  	v14 =	vadd.f32 v23, v22;
	v22 =	vld [tilespmem:s1+$0x7C90];
	v26 =	vmul.f32 v12, v12;
	v28 =	vmul.f32 v31, v31  }
0x1ac: {  	v17 =	vadd.f32 v19, v17;
	v19 =	vld [tilespmem:s1+$0xFFFFFF10];
	v23 =	vadd.f32 v25, v24  }
0x1ad: {  	v24 =	vadd.f32 v28, v26;
	v25 =	vmul.f32 v20, v20;
	v26 =	vld [tilespmem:s1+$0x7CA0];
	v28 =	vmul.f32 v14, v14  }
0x1ae: {  	v15 =	vadd.f32 v16, v15;
	v16 =	vadd.f32 v21, v18;
	v21 =	vld [tilespmem:s1+$0x7CB0]  }
0x1af: {  	v23 =	vadd.f32 v24, v23;
	v24 =	vperm.xlane v17, v0;
	v25 =	vadd.f32 v28, v25;
	v28 =	vld [tilespmem:s1+$0xFFFFFF30]  }
0x1b0: {  	v30 =	vadd.f32 v14, v20;
	v54 =	vadd.f32 v16, v15  }
0x1b1: {  	v55 =	vld [tilespmem:s1+$0xFFFFFF40];
	v53 =	vmul.f32 v15, v15;
	v24 =	vadd.f32 v17, v24;
	v18 =	vperm.xlane v23, v0  }
0x1b2: {  	v57 =	vld [tilespmem:s1+$0xFFFFFF50];
	v17 =	vadd.f32 v19, v22;
	v22 =	vmul.f32 v16, v16;
	v30 =	vadd.f32 v54, v30  }
0x1b3: {  	v19 =	vld [tilespmem:s1+$0x7CC0];
	v23 =	vadd.f32 v23, v18;
	v56 =	vperm.xlane v24, v1;
	v18 =	vadd.f32 v29, v26  }
0x1b4: {  	v60 =	vld [tilespmem:s1+$0x7CE0];
	v26 =	vmul.f32 v17, v17;
	v22 =	vadd.f32 v22, v53;
	v21 =	vadd.f32 v28, v21  }
0x1b5: {  	v29 =	vld [tilespmem:s1+$0x7CD0];
	v62 =	vperm.xlane v30, v0;
	v24 =	vadd.f32 v24, v56;
	v58 =	vperm.xlane v23, v1  }
0x1b6: {  	v61 =	vld [tilespmem:s1+$0x7CF0];
	v28 =	vadd.f32 v18, v17;
	v59 =	vmul.f32 v18, v18;
	v37 =	vadd.f32 v22, v25  }
0x1b7: {  	v25 =	vld [tilespmem:s1+$0xFFFFFF60];
	v35 =	vadd.f32 v30, v62;
	v33 =	vadd.f32 v23, v58;
	v23 =	vperm.xlane v24, v2  }
0x1b8: {  	v63 =	vld [tilespmem:s1+$0xFFFFFF70];
	v22 =	vadd.f32 v55, v19;
	v26 =	vadd.f32 v59, v26;
	v19 =	vmul.f32 v21, v21  }
0x1b9: {  	v30 =	vld [tilespmem:s1+$0xFFFFFF80];
	v40 =	vperm.xlane v37, v0;
	v24 =	vadd.f32 v23, v24;
	v44 =	vperm.xlane v33, v2  }
0x1ba: {  	v45 =	vadd.f32 v22, v21;
	v46 =	vmul.f32 v22, v22;
	v23 =	vadd.f32 v57, v29;
	v29 =	vld [tilespmem:s1+$0x7D00]  }
0x1bb: {  	v50 =	vld [tilespmem:s1+$0xFFFFFF90];
	v37 =	vadd.f32 v37, v40;
	v47 =	vadd.f32 v44, v33;
	v48 =	vperm.xlane v24, v3  }
0x1bc: {  	v54 =	vld [tilespmem:s1+$0x7D20];
	v39 =	vadd.f32 v45, v28;
	v25 =	vadd.f32 v25, v60  }
0x1bd: {  	v56 =	vld [tilespmem:s1+$0xFFFFFFA0];
	v49 =	vadd.f32 v46, v19;
	v52 =	vmul.f32 v23, v23;
	v19 =	vadd.f32 v48, v24  }
0x1be: {  	v28 =	vld [tilespmem:s1+$0x7D10];
	v51 =	vperm.xlane v47, v3;
	v24 =	vadd.f32 v63, v61;
	v53 =	vadd.f32 v25, v23  }
0x1bf: {  	v55 =	vmul.f32 v25, v25;
	v33 =	vadd.f32 v49, v26;
	v26 =	vadd.f32 v30, v29  }
0x1c0: {  	v32 =	vadd.f32 v51, v47;
	v19 =	vmul.f32 $1.562500000e-02, v19;
	v29 =	vmul.f32 v24, v24  }
0x1c1: {  	v62 =	vld [tilespmem:s1+$0x7D40];
	v36 =	vadd.f32 v55, v52;
	v52 =	vperm.xlane v39, v0;
	v55 =	vperm.xlane v33, v0  }
0x1c2: {  	v57 =	vld [tilespmem:s1+$0xFFFFFFB0];
	v60 =	vadd.f32 v26, v24;
	v58 =	vmul.f32 $1.562500000e-02, v32;
	v32 =	vsub.f32 v27, v19  }
0x1c3: {  	v30 =	vld [tilespmem:s1+$0x7D30];
	v51 =	vperm.xlane v35, v1;
	v27 =	vadd.f32 v50, v28;
	v28 =	vadd.f32 v56, v54  }
0x1c4: {  	v63 =	vld [tilespmem:s1+$0xFFFFFFC0];
	v61 =	vmul.f32 v26, v26;
	v39 =	vadd.f32 v39, v52;
	v33 =	vadd.f32 v33, v55  }
0x1c5: {  	v59 =	vmul.f32 v19, v19;
	v35 =	vadd.f32 v35, v51;
	v31 =	vsub.f32 v31, v19  }
0x1c6: {  	v13 =	vsub.f32 v13, v19;
	v34 =	vadd.f32 v60, v53  }
0x1c7: {  	v54 =	vadd.f32 v61, v29;
	v42 =	vsub.f32 v58, v59;
	v53 =	vmul.f32 v27, v27  }
0x1c8: {  	v29 =	vadd.f32 v57, v30;
	v56 =	vadd.f32 v28, v27;
	v57 =	vmul.f32 v28, v28  }
0x1c9: {  	v30 =	vadd.f32 v63, v62;
	v36 =	vadd.f32 v54, v36;
	v59 =	vperm.xlane v34, v0  }
0x1ca: {  	v42 =	vadd.f32 $9.999999960e-13, v42;
	v58 =	vmul.f32 v29, v29;
	v38 =	vadd.f32 v57, v53  }
0x1cb: {  	v61 =	vadd.f32 v30, v29;
	v62 =	vmul.f32 v30, v30;
	v53 =	vperm.xlane v39, v1  }
0x1cc: {  	v57 =	vperm.xlane v37, v1;
	v34 =	vadd.f32 v34, v59;
	v48 =	vperm.xlane v36, v0  }
0x1cd: {  	v59 =	vperm.xlane v33, v1;
	v49 =	vmul.f32 $5.000000000e-01, v42;
	v41 =	vadd.f32 v61, v56  }
0x1ce: {  	v42 =	vshrl.u32 v42, $0x1;
	v50 =	vadd.f32 v62, v58;
	v39 =	vadd.f32 v39, v53  }
0x1cf: {  	v37 =	vadd.f32 v37, v57;
	v42 =	vsub.s32 $0x5F3759DF, v42;
	v36 =	vadd.f32 v36, v48  }
0x1d0: {  	v55 =	vperm.xlane v34, v1;
	v48 =	vperm.xlane v35, v2;
	v43 =	vadd.f32 v33, v59  }
0x1d1: {  	v60 =	vmul.f32 v42, v49;
	v38 =	vadd.f32 v50, v38;
	v54 =	vperm.xlane v41, v0  }
0x1d2: {  	v51 =	vperm.xlane v37, v2;
	v34 =	vadd.f32 v34, v55;
	v62 =	vperm.xlane v36, v1  }
0x1d3: {  	v35 =	vadd.f32 v48, v35;
	v53 =	vperm.xlane v43, v2;
	v63 =	vmul.f32 v42, v60  }
0x1d4: {  	v41 =	vadd.f32 v41, v54;
	v56 =	vperm.xlane v38, v0;
	v37 =	vadd.f32 v51, v37  }
0x1d5: {  	v36 =	vadd.f32 v36, v62;
	v50 =	vperm.xlane v34, v2;
	v43 =	vadd.f32 v53, v43  }
0x1d6: {  	v52 =	vsub.f32 $1.500000000e+00, v63;
	v60 =	vperm.xlane v41, v1;
	v38 =	vadd.f32 v38, v56  }
0x1d7: {  	v56 =	vperm.xlane v35, v3;
	v34 =	vadd.f32 v50, v34;
	v54 =	vperm.xlane v36, v2  }
0x1d8: {  	v40 =	vmul.f32 v42, v52;
	v41 =	vadd.f32 v41, v60;
	v63 =	vperm.xlane v38, v1  }
0x1d9: {  	v35 =	vadd.f32 v56, v35;
	v60 =	vperm.xlane v37, v3;
	v36 =	vadd.f32 v54, v36  }
0x1da: {  	v58 =	vmul.f32 v40, v49;
	v49 =	vperm.xlane v39, v2;
	v38 =	vadd.f32 v38, v63  }
0x1db: {  	v52 =	vperm.xlane v41, v2;
	v37 =	vadd.f32 v60, v37;
	v35 =	vmul.f32 $1.562500000e-02, v35  }
0x1dc: {  	v62 =	vperm.xlane v36, v3;
	v61 =	vmul.f32 v58, v40;
	v39 =	vadd.f32 v49, v39  }
0x1dd: {  	v41 =	vadd.f32 v52, v41;
	v55 =	vperm.xlane v38, v2;
	v58 =	vperm.xlane v34, v3  }
0x1de: {  	v37 =	vmul.f32 $1.562500000e-02, v37;
	v48 =	vmul.f32 v35, v35;
	v20 =	vsub.f32 v20, v35  }
0x1df: {  	v36 =	vadd.f32 v62, v36;
	v42 =	vsub.f32 $1.500000000e+00, v61;
	v57 =	vperm.xlane v39, v3  }
0x1e0: {  	v38 =	vadd.f32 v55, v38;
	v59 =	vperm.xlane v41, v3;
	v34 =	vadd.f32 v58, v34  }
0x1e1: {  	v61 =	vperm.xlane v43, v3;
	v37 =	vsub.f32 v37, v48;
	v36 =	vmul.f32 $1.562500000e-02, v36  }
0x1e2: {  	v33 =	vmul.f32 v42, v40;
	v39 =	vadd.f32 v57, v39;
	v34 =	vmul.f32 $1.562500000e-02, v34  }
0x1e3: {  	v63 =	vperm.xlane v38, v3;
	v43 =	vadd.f32 v61, v43;
	v40 =	vadd.f32 v59, v41  }
0x1e4: {  	v37 =	vadd.f32 $9.999999960e-13, v37;
	v39 =	vmul.f32 $1.562500000e-02, v39;
	v50 =	vmul.f32 v34, v34  }
0x1e5: {  	v43 =	vmul.f32 $1.562500000e-02, v43;
	v38 =	vadd.f32 v63, v38;
	v40 =	vmul.f32 $1.562500000e-02, v40  }
0x1e6: {  	v54 =	vmul.f32 $5.000000000e-01, v37;
	v49 =	vmul.f32 v39, v39;
	v36 =	vsub.f32 v36, v50  }
0x1e7: {  	v37 =	vshrl.u32 v37, $0x1;
	v38 =	vmul.f32 $1.562500000e-02, v38;
	v52 =	vmul.f32 v40, v40  }
0x1e8: {  	v37 =	vsub.s32 $0x5F3759DF, v37;
	v51 =	vsub.f32 v43, v49;
	v36 =	vadd.f32 $9.999999960e-13, v36  }
0x1e9: {  	v14 =	vsub.f32 v14, v35;
	v58 =	vmul.f32 v37, v54;
	v38 =	vsub.f32 v38, v52  }
0x1ea: {  	v53 =	vadd.f32 $9.999999960e-13, v51;
	v56 =	vmul.f32 $5.000000000e-01, v36;
	v36 =	vshrl.u32 v36, $0x1  }
0x1eb: {  	v46 =	vmul.f32 v37, v58;
	v38 =	vadd.f32 $9.999999960e-13, v38;
	v36 =	vsub.s32 $0x5F3759DF, v36  }
0x1ec: {  	v55 =	vmul.f32 $5.000000000e-01, v53;
	v41 =	vshrl.u32 v53, $0x1;
	v60 =	vmul.f32 v36, v56  }
0x1ed: {  	v57 =	vmul.f32 $5.000000000e-01, v38;
	v38 =	vshrl.u32 v38, $0x1;
	v41 =	vsub.s32 $0x5F3759DF, v41  }
0x1ee: {  	v38 =	vsub.s32 $0x5F3759DF, v38;
	v59 =	vmul.f32 v41, v55;
	v62 =	vmul.f32 v36, v60  }
0x1ef: {  	v15 =	vsub.f32 v15, v35;
	v46 =	vsub.f32 $1.500000000e+00, v46;
	v61 =	vmul.f32 v38, v57  }
0x1f0: {  	v16 =	vsub.f32 v16, v35;
	v47 =	vmul.f32 v41, v59;
	v35 =	vsub.f32 $1.500000000e+00, v62  }
0x1f1: {  	v19 =	vsub.f32 v12, v19;
	v37 =	vmul.f32 v37, v46;
	v63 =	vmul.f32 v38, v61  }
0x1f2: {  	v31 =	vmul.f32 v33, v31;
	v47 =	vsub.f32 $1.500000000e+00, v47;
	v35 =	vmul.f32 v36, v35  }
0x1f3: {  	v17 =	vsub.f32 v17, v39;
	v51 =	vmul.f32 v37, v54;
	v48 =	vsub.f32 $1.500000000e+00, v63  }
0x1f4: {  	v18 =	vsub.f32 v18, v39;
	v41 =	vmul.f32 v41, v47;
	v53 =	vmul.f32 v35, v56  }
0x1f5: {  	v21 =	vsub.f32 v21, v39;
	v50 =	vmul.f32 v38, v48;
	v38 =	vmul.f32 v51, v37  }
0x1f6: {  	v22 =	vsub.f32 v22, v39;
	v52 =	vmul.f32 v41, v55;
	v39 =	vmul.f32 v53, v35  }
0x1f7: {  	v32 =	vmul.f32 v33, v32;
	v54 =	vmul.f32 v50, v57;
	v38 =	vsub.f32 $1.500000000e+00, v38  }
0x1f8: {  	v31 =	vmul.f32 v31, v7;
	v42 =	vmul.f32 v52, v41;
	v39 =	vsub.f32 $1.500000000e+00, v39  }
0x1f9: {  	v23 =	vsub.f32 v23, v34;
	v43 =	vmul.f32 v54, v50;
	v37 =	vmul.f32 v38, v37  }
0x1fa: {  	v32 =	vmul.f32 v32, v4;
	v42 =	vsub.f32 $1.500000000e+00, v42;
	v56 =	vmul.f32 v39, v35  }
0x1fb: {  	v43 =	vsub.f32 $1.500000000e+00, v43;
	v58 =	vmul.f32 v37, v20;
	v59 =	vmul.f32 v37, v14  }
0x1fc: {  	v25 =	vsub.f32 v25, v34;
	v60 =	vmul.f32 v37, v15;
	v37 =	vmul.f32 v37, v16  }
0x1fd: {  	v24 =	vsub.f32 v24, v34;
	v55 =	vmul.f32 v42, v41;
	v57 =	vmul.f32 v43, v50  }
0x1fe: {  	v26 =	vsub.f32 v26, v34;
	v63 =	vmul.f32 v56, v23;
	v25 =	vmul.f32 v56, v25  }
0x1ff: {  	v31 =	vadd.f32 v31, v11;
	v16 =	vmul.f32 v56, v24;
	v24 =	vmul.f32 v33, v13  }
0x200: {  	v27 =	vsub.f32 v27, v40;
	v13 =	vmul.f32 v58, v4;
	v42 =	vmul.f32 v55, v17  }
0x201: {  	s3 =	simm.s32 $0x270;
	[tilespmem:s1+$0xE180] =	vst v31;
	v14 =	vsub.f32 v28, v40;
	v61 =	vmul.f32 v55, v18;
	v62 =	vmul.f32 v55, v21  }
0x202: {  	v12 =	vld [tilespmem:s3+$0xFFFFFFE0];
	v20 =	vsub.f32 v29, v40;
	v38 =	vmul.f32 v55, v22;
	v17 =	vmul.f32 v56, v26  }
0x203: {  	v28 =	vld [tilespmem:s3+$0xFFFFFFD0];
	v23 =	vadd.f32 v32, v8;
	v15 =	vmul.f32 v57, v27;
	v27 =	vmul.f32 v57, v14  }
0x204: {  	v29 =	vld [tilespmem:s3+$0x7D60];
	v14 =	vmul.f32 v57, v20;
	v22 =	vmul.f32 v33, v19  }
0x205: {  	v18 =	vsub.f32 v30, v40;
	v21 =	vld [tilespmem:s3+$0x7D50];
	[tilespmem:s1+$0xE150] =	vst v23;
	v23 =	vmul.f32 v59, v5;
	v26 =	vmul.f32 v60, v6  }
0x206: {  	v19 =	vmul.f32 v37, v7;
	v25 =	vmul.f32 v25, v5;
	v30 =	vld [tilespmem:s3+$0x7D70]  }
0x207: {  	v36 =	vadd.f32 v13, v8;
	v31 =	vld [tilespmem:s3+$0xFFFFFFF0];
	v20 =	vmul.f32 v57, v18;
	v18 =	vmul.f32 v42, v4  }
0x208: {  	s0 =	sadd.s32 s0, s8;
	v32 =	vld [tilespmem:s3+$0x7D80];
	v13 =	vmul.f32 v61, v5;
	v35 =	vadd.f32 v23, v9;
	v33 =	vmul.f32 v62, v6  }
0x209: {  	s0 =	sadd.s32 $0x1, s0;
	s13 =	simm.s32 $0xEC0;
	v34 =	vld [tilespmem:s3+$0x0];
	v23 =	vmul.f32 v38, v7;
	[tilespmem:s1+$0xE050] =	vst v36;
	v36 =	vadd.f32 v26, v10;
	v26 =	vmul.f32 v63, v4  }
.LBB2_5:
0x20a: {  	p0 =	sne.s32 s13, $0xC7C0;
	v37 =	vld [tilespmem:s3+$0x7C50];
	[tilespmem:s1+$0xE060] =	vst v35;
	v35 =	vadd.f32 v19, v11;
	v19 =	vmul.f32 v16, v6;
	v17 =	vmul.f32 v17, v7  }
0x20b: {  	v16 =	vmul.f32 v27, v5;
	v39 =	vld [tilespmem:s3+$0xFFFFFED0];
	[tilespmem:s1+$0xE070] =	vst v36;
	v36 =	vadd.f32 v18, v8;
	v18 =	vmul.f32 v15, v4  }
0x20c: {  	v13 =	vadd.f32 v13, v9;
	v15 =	vmul.f32 v14, v6;
	v14 =	vmul.f32 v20, v7;
	v40 =	vld [tilespmem:s3+$0x7C60];
	[tilespmem:s1+$0xE080] =	vst v35  }
0x20d: {  	v20 =	vadd.f32 v12, v29;
	v12 =	vmul.f32 v24, v5;
	v35 =	vadd.f32 v28, v21;
	v41 =	vld [tilespmem:s3+$0xFFFFFEE0];
	[tilespmem:s1+$0xE090] =	vst v36  }
0x20e: {  	v21 =	vadd.f32 v31, v30;
	v24 =	vld [tilespmem:s3+$0x7C70];
	v38 =	vadd.f32 v34, v32;
	[tilespmem:s1+$0xE0A0] =	vst v13;
	v13 =	vmul.f32 v22, v6  }
0x20f: {  	v29 =	vadd.f32 v33, v10;
	v28 =	vadd.f32 v20, v35;
	v22 =	vld [tilespmem:s3+$0xFFFFFEF0]  }
0x210: {  	v33 =	vmul.f32 v35, v35;
	v34 =	vmul.f32 v20, v20;
	v31 =	vld [tilespmem:s3+$0x7C80];
	v32 =	vadd.f32 v38, v21  }
0x211: {  	v27 =	vadd.f32 v39, v37;
	v37 =	vmul.f32 v21, v21;
	v39 =	vmul.f32 v38, v38;
	v36 =	vld [tilespmem:s3+$0xFFFFFF00];
	[tilespmem:s1+$0xE0B0] =	vst v29  }
0x212: {  	v30 =	vadd.f32 v41, v40;
	v29 =	vld [tilespmem:s3+$0x7C90];
	v28 =	vadd.f32 v32, v28  }
0x213: {  	v33 =	vadd.f32 v34, v33;
	v32 =	vmul.f32 v27, v27;
	v34 =	vadd.f32 v39, v37;
	v40 =	vld [tilespmem:s3+$0xFFFFFF10]  }
0x214: {  	v22 =	vadd.f32 v22, v24;
	v37 =	vadd.f32 v30, v27;
	v24 =	vmul.f32 v30, v30;
	v39 =	vld [tilespmem:s3+$0x7CA0]  }
0x215: {  	v42 =	vadd.f32 v23, v11;
	v33 =	vadd.f32 v34, v33;
	v34 =	vperm.xlane v28, v0;
	v41 =	vld [tilespmem:s3+$0xFFFFFF20]  }
0x216: {  	v23 =	vadd.f32 v36, v31;
	v31 =	vadd.f32 v24, v32;
	v32 =	vmul.f32 v22, v22;
	v36 =	vld [tilespmem:s3+$0x7CB0]  }
0x217: {  	v26 =	vadd.f32 v26, v8;
	v28 =	vadd.f32 v28, v34;
	v34 =	vperm.xlane v33, v0;
	v43 =	vld [tilespmem:s3+$0xFFFFFF30];
	[tilespmem:s1+$0xE0C0] =	vst v42  }
0x218: {  	v42 =	vadd.f32 v23, v22;
	v44 =	vmul.f32 v23, v23;
	v24 =	vadd.f32 v40, v29;
	v29 =	vld [tilespmem:s3+$0x7CC0]  }
0x219: {  	v33 =	vadd.f32 v33, v34;
	v34 =	vperm.xlane v28, v1;
	v40 =	vld [tilespmem:s3+$0xFFFFFF40];
	[tilespmem:s1+$0xE0D0] =	vst v26;
	v26 =	vadd.f32 v25, v9  }
0x21a: {  	v37 =	vadd.f32 v42, v37;
	v25 =	vadd.f32 v41, v39;
	v39 =	vmul.f32 v24, v24;
	v41 =	vld [tilespmem:s3+$0x7CD0]  }
0x21b: {  	v32 =	vadd.f32 v44, v32;
	v28 =	vadd.f32 v28, v34;
	v34 =	vperm.xlane v33, v1;
	v42 =	vld [tilespmem:s3+$0xFFFFFF50];
	[tilespmem:s1+$0xE0E0] =	vst v26  }
0x21c: {  	v26 =	vadd.f32 v43, v36;
	v36 =	vadd.f32 v25, v24;
	v43 =	vmul.f32 v25, v25;
	v44 =	vld [tilespmem:s3+$0x7CE0]  }
0x21d: {  	v45 =	vadd.f32 v32, v31;
	v33 =	vadd.f32 v33, v34;
	v31 =	vperm.xlane v28, v2;
	v32 =	vld [tilespmem:s3+$0xFFFFFF60]  }
0x21e: {  	v29 =	vadd.f32 v40, v29;
	v34 =	vadd.f32 v43, v39;
	v39 =	vmul.f32 v26, v26;
	v40 =	vld [tilespmem:s3+$0x7CF0]  }
0x21f: {  	v43 =	vperm.xlane v37, v0;
	v28 =	vadd.f32 v31, v28;
	v47 =	vperm.xlane v33, v2;
	v46 =	vld [tilespmem:s3+$0xFFFFFF70]  }
0x220: {  	v48 =	vadd.f32 v29, v26;
	v49 =	vmul.f32 v29, v29;
	v31 =	vadd.f32 v42, v41;
	v41 =	vld [tilespmem:s3+$0x7D00]  }
0x221: {  	v42 =	vadd.f32 v37, v43;
	v43 =	vadd.f32 v47, v33;
	v33 =	vperm.xlane v28, v3;
	v37 =	vld [tilespmem:s3+$0xFFFFFF80]  }
0x222: {  	v47 =	vadd.f32 v48, v36;
	v32 =	vadd.f32 v32, v44;
	v36 =	vmul.f32 v31, v31;
	v44 =	vld [tilespmem:s3+$0x7D10]  }
0x223: {  	v39 =	vadd.f32 v49, v39;
	v28 =	vadd.f32 v33, v28;
	v49 =	vperm.xlane v43, v3;
	v48 =	vld [tilespmem:s3+$0xFFFFFF90]  }
0x224: {  	v33 =	vadd.f32 v46, v40;
	v40 =	vadd.f32 v32, v31;
	v46 =	vmul.f32 v32, v32;
	v50 =	vld [tilespmem:s3+$0x7D20]  }
0x225: {  	v51 =	vadd.f32 v39, v34;
	v43 =	vadd.f32 v49, v43;
	v28 =	vmul.f32 $1.562500000e-02, v28;
	v39 =	vld [tilespmem:s3+$0xFFFFFFA0]  }
0x226: {  	v34 =	vadd.f32 v37, v41;
	v46 =	vadd.f32 v46, v36;
	v37 =	vmul.f32 v33, v33;
	v49 =	vld [tilespmem:s3+$0x7D30]  }
0x227: {  	v36 =	vmul.f32 $1.562500000e-02, v43;
	v43 =	vmul.f32 v28, v28;
	v41 =	vsub.f32 v35, v28;
	v52 =	vld [tilespmem:s3+$0xFFFFFFB0]  }
0x228: {  	v53 =	vadd.f32 v34, v33;
	v54 =	vmul.f32 v34, v34;
	v35 =	vadd.f32 v48, v44;
	v44 =	vld [tilespmem:s3+$0x7D40]  }
0x229: {  	v55 =	vperm.xlane v47, v0;
	v48 =	vperm.xlane v45, v0;
	v43 =	vsub.f32 v36, v43;
	v56 =	vld [tilespmem:s3+$0xFFFFFFC0]  }
0x22a: {  	v40 =	vadd.f32 v53, v40;
	v36 =	vadd.f32 v39, v50;
	v50 =	vmul.f32 v35, v35  }
0x22b: {  	v53 =	vperm.xlane v51, v0;
	v39 =	vadd.f32 v54, v37;
	v43 =	vadd.f32 $9.999999960e-13, v43  }
0x22c: {  	v37 =	vadd.f32 v52, v49;
	v49 =	vadd.f32 v36, v35;
	v52 =	vmul.f32 v36, v36  }
0x22d: {  	v46 =	vadd.f32 v39, v46;
	v54 =	vmul.f32 $5.000000000e-01, v43;
	v43 =	vshrl.u32 v43, $0x1  }
0x22e: {  	v43 =	vsub.s32 $0x5F3759DF, v43;
	v39 =	vadd.f32 v56, v44;
	v44 =	vmul.f32 v37, v37  }
0x22f: {  	v56 =	vperm.xlane v40, v0;
	v50 =	vadd.f32 v52, v50;
	v52 =	vmul.f32 v43, v54  }
0x230: {  	v47 =	vadd.f32 v47, v55;
	v55 =	vadd.f32 v39, v37;
	v57 =	vmul.f32 v39, v39  }
0x231: {  	v40 =	vadd.f32 v40, v56;
	v56 =	vperm.xlane v46, v0;
	v52 =	vmul.f32 v43, v52  }
0x232: {  	v58 =	vperm.xlane v42, v1;
	v49 =	vadd.f32 v55, v49;
	v44 =	vadd.f32 v57, v44  }
0x233: {  	v45 =	vadd.f32 v45, v48;
	v48 =	vperm.xlane v47, v1;
	v52 =	vsub.f32 $1.500000000e+00, v52  }
0x234: {  	v51 =	vadd.f32 v51, v53;
	v44 =	vadd.f32 v44, v50;
	v50 =	vperm.xlane v49, v0  }
0x235: {  	v46 =	vadd.f32 v46, v56;
	v53 =	vperm.xlane v40, v1;
	v43 =	vmul.f32 v43, v52  }
0x236: {  	v42 =	vadd.f32 v42, v58;
	v49 =	vadd.f32 v49, v50;
	v50 =	vperm.xlane v44, v0  }
0x237: {  	v47 =	vadd.f32 v47, v48;
	v52 =	vperm.xlane v45, v1;
	v48 =	vmul.f32 v43, v54  }
0x238: {  	v54 =	vperm.xlane v51, v1;
	v44 =	vadd.f32 v44, v50;
	v50 =	vperm.xlane v49, v1  }
0x239: {  	v53 =	vadd.f32 v40, v53;
	v40 =	vperm.xlane v46, v1;
	v48 =	vmul.f32 v48, v43  }
0x23a: {  	v45 =	vadd.f32 v45, v52;
	v49 =	vadd.f32 v49, v50;
	v50 =	vperm.xlane v44, v1  }
0x23b: {  	v52 =	vperm.xlane v42, v2;
	v51 =	vadd.f32 v51, v54;
	v48 =	vsub.f32 $1.500000000e+00, v48  }
0x23c: {  	v46 =	vadd.f32 v46, v40;
	v55 =	vperm.xlane v53, v2;
	v54 =	vperm.xlane v47, v2  }
0x23d: {  	v38 =	vsub.f32 v38, v28;
	v44 =	vadd.f32 v44, v50;
	v40 =	vmul.f32 v48, v43  }
0x23e: {  	v42 =	vadd.f32 v52, v42;
	v43 =	vperm.xlane v45, v2;
	v48 =	vperm.xlane v49, v2  }
0x23f: {  	v47 =	vadd.f32 v54, v47;
	v50 =	vperm.xlane v51, v2;
	v38 =	vmul.f32 v40, v38  }
0x240: {  	v52 =	vadd.f32 v55, v53;
	v53 =	vperm.xlane v46, v2;
	v48 =	vadd.f32 v48, v49  }
0x241: {  	v43 =	vadd.f32 v43, v45;
	v45 =	vperm.xlane v44, v2;
	v38 =	vmul.f32 v38, v7  }
0x242: {  	v49 =	vperm.xlane v42, v3;
	v50 =	vadd.f32 v50, v51;
	v51 =	vperm.xlane v47, v3  }
0x243: {  	v46 =	vadd.f32 v53, v46;
	v53 =	vperm.xlane v52, v3;
	v38 =	vadd.f32 v38, v11  }
0x244: {  	v42 =	vadd.f32 v49, v42;
	v44 =	vadd.f32 v45, v44;
	v45 =	vperm.xlane v48, v3  }
0x245: {  	v49 =	vperm.xlane v43, v3;
	v47 =	vadd.f32 v51, v47;
	v51 =	vperm.xlane v50, v3;
	[tilespmem:s3+$0xE180] =	vst v38  }
0x246: {  	v45 =	vadd.f32 v45, v48;
	v38 =	vadd.f32 v53, v52;
	v52 =	vperm.xlane v46, v3  }
0x247: {  	v43 =	vadd.f32 v49, v43;
	v42 =	vmul.f32 $1.562500000e-02, v42;
	v48 =	vperm.xlane v44, v3  }
0x248: {  	v49 =	vadd.f32 v51, v50;
	v47 =	vmul.f32 $1.562500000e-02, v47;
	v46 =	vadd.f32 v52, v46  }
0x249: {  	v44 =	vadd.f32 v48, v44;
	v45 =	vmul.f32 $1.562500000e-02, v45;
	v38 =	vmul.f32 $1.562500000e-02, v38  }
0x24a: {  	v43 =	vmul.f32 $1.562500000e-02, v43;
	v48 =	vmul.f32 v42, v42;
	v27 =	vsub.f32 v27, v42  }
0x24b: {  	v30 =	vsub.f32 v30, v42;
	v49 =	vmul.f32 $1.562500000e-02, v49;
	v50 =	vmul.f32 v47, v47  }
0x24c: {  	v43 =	vsub.f32 v43, v48;
	v46 =	vmul.f32 $1.562500000e-02, v46;
	v48 =	vmul.f32 v38, v38  }
0x24d: {  	v49 =	vsub.f32 v49, v50;
	v44 =	vmul.f32 $1.562500000e-02, v44;
	v50 =	vmul.f32 v45, v45  }
0x24e: {  	v41 =	vmul.f32 v40, v41;
	v43 =	vadd.f32 $9.999999960e-13, v43;
	v46 =	vsub.f32 v46, v48  }
0x24f: {  	v44 =	vsub.f32 v44, v50;
	v48 =	vadd.f32 $9.999999960e-13, v49  }
0x250: {  	v49 =	vmul.f32 $5.000000000e-01, v43;
	v43 =	vshrl.u32 v43, $0x1;
	v46 =	vadd.f32 $9.999999960e-13, v46  }
0x251: {  	v44 =	vadd.f32 $9.999999960e-13, v44;
	v50 =	vmul.f32 $5.000000000e-01, v48;
	v48 =	vshrl.u32 v48, $0x1  }
0x252: {  	v43 =	vsub.s32 $0x5F3759DF, v43;
	v51 =	vmul.f32 $5.000000000e-01, v46;
	v46 =	vshrl.u32 v46, $0x1  }
0x253: {  	v52 =	vmul.f32 $5.000000000e-01, v44;
	v44 =	vshrl.u32 v44, $0x1;
	v48 =	vsub.s32 $0x5F3759DF, v48  }
0x254: {  	v53 =	vmul.f32 v43, v49;
	v44 =	vsub.s32 $0x5F3759DF, v44;
	v46 =	vsub.s32 $0x5F3759DF, v46  }
0x255: {  	v22 =	vsub.f32 v22, v42;
	v54 =	vmul.f32 v48, v50;
	v55 =	vmul.f32 v46, v51  }
0x256: {  	v23 =	vsub.f32 v23, v42;
	v42 =	vmul.f32 v44, v52;
	v53 =	vmul.f32 v43, v53  }
0x257: {  	v24 =	vsub.f32 v24, v47;
	v54 =	vmul.f32 v48, v54;
	v55 =	vmul.f32 v46, v55  }
0x258: {  	v25 =	vsub.f32 v25, v47;
	v42 =	vmul.f32 v44, v42;
	v53 =	vsub.f32 $1.500000000e+00, v53  }
0x259: {  	v41 =	vmul.f32 v41, v4;
	v54 =	vsub.f32 $1.500000000e+00, v54;
	v55 =	vsub.f32 $1.500000000e+00, v55  }
0x25a: {  	v26 =	vsub.f32 v26, v47;
	v42 =	vsub.f32 $1.500000000e+00, v42;
	v43 =	vmul.f32 v43, v53  }
0x25b: {  	v29 =	vsub.f32 v29, v47;
	v48 =	vmul.f32 v48, v54;
	v46 =	vmul.f32 v46, v55  }
0x25c: {  	v31 =	vsub.f32 v31, v38;
	v42 =	vmul.f32 v44, v42;
	v47 =	vmul.f32 v43, v49  }
0x25d: {  	v32 =	vsub.f32 v32, v38;
	v44 =	vmul.f32 v48, v50;
	v49 =	vmul.f32 v46, v51  }
0x25e: {  	v33 =	vsub.f32 v33, v38;
	v47 =	vmul.f32 v47, v43;
	v50 =	vmul.f32 v42, v52  }
0x25f: {  	v34 =	vsub.f32 v34, v38;
	v44 =	vmul.f32 v44, v48;
	v49 =	vmul.f32 v49, v46  }
0x260: {  	v35 =	vsub.f32 v35, v45;
	v38 =	vsub.f32 $1.500000000e+00, v47;
	v47 =	vmul.f32 v50, v42  }
0x261: {  	v44 =	vsub.f32 $1.500000000e+00, v44;
	v49 =	vsub.f32 $1.500000000e+00, v49  }
0x262: {  	v36 =	vsub.f32 v36, v45;
	v38 =	vmul.f32 v38, v43;
	v43 =	vsub.f32 $1.500000000e+00, v47  }
0x263: {  	v37 =	vsub.f32 v37, v45;
	v44 =	vmul.f32 v44, v48;
	v46 =	vmul.f32 v49, v46  }
0x264: {  	v39 =	vsub.f32 v39, v45;
	v42 =	vmul.f32 v43, v42;
	v43 =	vsub.f32 v20, v28  }
0x265: {  	v47 =	vsub.f32 v21, v28;
	v45 =	vmul.f32 v38, v27;
	v30 =	vmul.f32 v38, v30  }
0x266: {  	v19 =	vadd.f32 v19, v10;
	v48 =	vmul.f32 v38, v22;
	v23 =	vmul.f32 v38, v23  }
0x267: {  	v17 =	vadd.f32 v17, v11;
	v38 =	vmul.f32 v44, v24;
	v25 =	vmul.f32 v44, v25  }
0x268: {  	v18 =	vadd.f32 v18, v8;
	v26 =	vmul.f32 v44, v26;
	v44 =	vmul.f32 v44, v29;
	[tilespmem:s1+$0xE0F0] =	vst v19  }
0x269: {  	v49 =	vmul.f32 v46, v31;
	v50 =	vmul.f32 v46, v32;
	v19 =	vadd.f32 v16, v9;
	[tilespmem:s1+$0xE100] =	vst v17  }
0x26a: {  	s14 =	sshra.s32 s13, $0x2;
	v16 =	vmul.f32 v46, v33;
	v17 =	vmul.f32 v46, v34;
	[tilespmem:s1+$0xE110] =	vst v18;
	v18 =	vadd.f32 v15, v10  }
0x26b: {  	v27 =	vmul.f32 v42, v36;
	v15 =	vmul.f32 v42, v35;
	v21 =	vld [tilespmem:s14+$0x7D50];
	[tilespmem:s1+$0xE120] =	vst v19;
	v19 =	vadd.f32 v14, v11  }
0x26c: {  	v20 =	vmul.f32 v42, v39;
	v31 =	vadd.f32 v41, v8;
	v14 =	vmul.f32 v42, v37;
	v28 =	vld [tilespmem:s14+$0xFFFFFFD0];
	[tilespmem:s1+$0xE130] =	vst v18  }
0x26d: {  	v22 =	vmul.f32 v40, v47;
	v24 =	vmul.f32 v40, v43;
	v18 =	vadd.f32 v12, v9;
	v29 =	vld [tilespmem:s14+$0x7D60];
	[tilespmem:s1+$0xE140] =	vst v19  }
.Ltmp3:
0x26e: {  	v32 =	vmul.f32 v45, v4;
	v33 =	vmul.f32 v30, v5;
	v34 =	vadd.f32 v13, v10;
	v12 =	vld [tilespmem:s14+$0xFFFFFFE0];
	[tilespmem:s3+$0xE150] =	vst v31;
	(pc) =	sbr.rel @p0 .LBB2_5-.Ltmp3, $4  }
0x26f: {  	v36 =	vmul.f32 v48, v6;
	v19 =	vmul.f32 v23, v7;
	v30 =	vld [tilespmem:s14+$0x7D70];
	[tilespmem:s1+$0xE160] =	vst v18  }
0x270: {  	v13 =	vmul.f32 v25, v5;
	v37 =	vadd.f32 v32, v8;
	v18 =	vmul.f32 v38, v4;
	v31 =	vld [tilespmem:s14+$0xFFFFFFF0];
	[tilespmem:s1+$0xE170] =	vst v34;
	s1 =	smov.u32 s3;
	s3 =	smov.u32 s14  }
0x271: {  	v35 =	vadd.f32 v33, v9;
	v33 =	vmul.f32 v26, v6;
	v23 =	vmul.f32 v44, v7;
	v32 =	vld [tilespmem:s3+$0x7D80]  }
0x272: {  	s13 =	sadd.s32 $0x500, s13;
	v36 =	vadd.f32 v36, v10;
	v25 =	vmul.f32 v50, v5;
	v26 =	vmul.f32 v49, v4;
	v34 =	vld [tilespmem:s3+$0x0];
	[tilespmem:s1+$0xE050] =	vst v37  }
0x273: {  	v37 =	vld [tilespmem:s3+$0x7C50];
	[tilespmem:s1+$0xE060] =	vst v35;
	v19 =	vadd.f32 v19, v11  }
0x274: {  	v18 =	vadd.f32 v18, v8;
	v35 =	vld [tilespmem:s3+$0xFFFFFED0];
	[tilespmem:s1+$0xE070] =	vst v36  }
0x275: {  	v13 =	vadd.f32 v13, v9;
	v38 =	vld [tilespmem:s3+$0x7C60];
	[tilespmem:s1+$0xE080] =	vst v19  }
0x276: {  	v40 =	vadd.f32 v28, v21;
	v16 =	vmul.f32 v16, v6;
	v19 =	vld [tilespmem:s3+$0xFFFFFEE0];
	[tilespmem:s1+$0xE090] =	vst v18  }
0x277: {  	v49 =	vadd.f32 v33, v10;
	v17 =	vmul.f32 v17, v7;
	v60 =	vadd.f32 v23, v11;
	v39 =	vld [tilespmem:s3+$0x7C70];
	[tilespmem:s1+$0xE0A0] =	vst v13  }
0x278: {  	v26 =	vadd.f32 v26, v8;
	v25 =	vadd.f32 v25, v9;
	v48 =	vld [tilespmem:s3+$0xFFFFFEF0]  }
0x279: {  	v14 =	vmul.f32 v14, v6;
	v16 =	vadd.f32 v16, v10;
	v17 =	vadd.f32 v17, v11;
	v50 =	vld [tilespmem:s3+$0x7C80]  }
0x27a: {  	v18 =	vmul.f32 v15, v4;
	v15 =	vmul.f32 v27, v5;
	v13 =	vadd.f32 v12, v29;
	v51 =	vld [tilespmem:s3+$0xFFFFFF00];
	[tilespmem:s1+$0xE0B0] =	vst v49  }
0x27b: {  	v12 =	vadd.f32 v31, v30;
	v36 =	vadd.f32 v34, v32;
	v32 =	vld [tilespmem:s3+$0x7C90]  }
0x27c: {  	v53 =	vmul.f32 v40, v40;
	v14 =	vadd.f32 v14, v10;
	v15 =	vadd.f32 v15, v9;
	v54 =	vld [tilespmem:s3+$0xFFFFFF10]  }
0x27d: {  	v52 =	vadd.f32 v13, v40;
	v31 =	vadd.f32 v36, v12;
	v41 =	vmul.f32 v13, v13;
	v56 =	vld [tilespmem:s3+$0x7CA0]  }
0x27e: {  	v27 =	vadd.f32 v35, v37;
	v55 =	vmul.f32 v12, v12;
	v42 =	vmul.f32 v36, v36;
	v58 =	vld [tilespmem:s3+$0xFFFFFF20]  }
0x27f: {  	v29 =	vadd.f32 v19, v38;
	v19 =	vmul.f32 v20, v7;
	v28 =	vadd.f32 v31, v52  }
0x280: {  	v61 =	vld [tilespmem:s3+$0x7CB0];
	v57 =	vadd.f32 v41, v53;
	v59 =	vmul.f32 v27, v27;
	v37 =	vadd.f32 v42, v55  }
0x281: {  	v44 =	vld [tilespmem:s3+$0xFFFFFF30];
	[tilespmem:s1+$0xE0C0] =	vst v60;
	v21 =	vadd.f32 v48, v39;
	v62 =	vadd.f32 v29, v27;
	v43 =	vmul.f32 v29, v29  }
0x282: {  	v37 =	vadd.f32 v37, v57;
	v45 =	vperm.xlane v28, v0;
	v23 =	vadd.f32 v51, v50;
	v48 =	vld [tilespmem:s3+$0x7CC0]  }
0x283: {  	v20 =	vmul.f32 v24, v5;
	v51 =	vld [tilespmem:s3+$0xFFFFFF40];
	[tilespmem:s1+$0xE0D0] =	vst v26;
	v24 =	vadd.f32 v54, v32;
	v26 =	vadd.f32 v58, v56  }
0x284: {  	v63 =	vadd.f32 v43, v59;
	v49 =	vmul.f32 v21, v21;
	v28 =	vadd.f32 v28, v45  }
0x285: {  	v60 =	vld [tilespmem:s3+$0x7CD0];
	v50 =	vperm.xlane v37, v0;
	v52 =	vadd.f32 v23, v21;
	v46 =	vmul.f32 v23, v23  }
0x286: {  	v55 =	vld [tilespmem:s3+$0xFFFFFF50];
	v54 =	vmul.f32 v24, v24;
	v56 =	vadd.f32 v26, v24;
	v57 =	vmul.f32 v26, v26  }
0x287: {  	[tilespmem:s1+$0xE0E0] =	vst v25;
	v53 =	vadd.f32 v37, v50;
	v59 =	vperm.xlane v28, v1;
	v39 =	vadd.f32 v52, v62  }
0x288: {  	v58 =	vld [tilespmem:s3+$0x7CE0];
	v34 =	vadd.f32 v46, v49;
	v30 =	vadd.f32 v51, v48  }
0x289: {  	v31 =	vadd.f32 v57, v54;
	v35 =	vadd.f32 v28, v59;
	v41 =	vperm.xlane v53, v1;
	v59 =	vld [tilespmem:s3+$0xFFFFFF60]  }
0x28a: {  	v28 =	vadd.f32 v44, v61;
	v45 =	vadd.f32 v34, v63;
	v63 =	vld [tilespmem:s3+$0x7CF0];
	v52 =	vperm.xlane v39, v0  }
0x28b: {  	v32 =	vadd.f32 v55, v60;
	v41 =	vadd.f32 v53, v41;
	v61 =	vperm.xlane v35, v2;
	v53 =	vld [tilespmem:s3+$0xFFFFFF70]  }
0x28c: {  	v49 =	vmul.f32 v30, v30;
	v62 =	vmul.f32 v28, v28;
	v48 =	vadd.f32 v30, v28  }
0x28d: {  	v37 =	vld [tilespmem:s3+$0x7D00];
	v50 =	vadd.f32 v39, v52;
	v35 =	vadd.f32 v61, v35;
	v47 =	vperm.xlane v41, v2  }
0x28e: {  	v22 =	vmul.f32 v22, v6;
	v57 =	vld [tilespmem:s3+$0x7D10];
	v33 =	vadd.f32 v59, v58;
	v58 =	vadd.f32 v49, v62  }
0x28f: {  	v60 =	vld [tilespmem:s3+$0xFFFFFF80];
	v54 =	vadd.f32 v47, v41;
	v55 =	vperm.xlane v35, v3;
	v47 =	vadd.f32 v48, v56  }
0x290: {  	v51 =	vld [tilespmem:s3+$0xFFFFFFA0];
	v56 =	vmul.f32 v32, v32;
	v48 =	vperm.xlane v45, v0;
	v34 =	vadd.f32 v53, v63  }
0x291: {  	v59 =	vld [tilespmem:s3+$0xFFFFFF90];
	v43 =	vadd.f32 v33, v32;
	v62 =	vmul.f32 v33, v33;
	v31 =	vadd.f32 v58, v31  }
0x292: {  	v63 =	vld [tilespmem:s3+$0x7D20];
	v58 =	vperm.xlane v50, v1;
	v35 =	vadd.f32 v55, v35;
	v61 =	vperm.xlane v54, v3  }
0x293: {  	v55 =	vperm.xlane v47, v0;
	v45 =	vadd.f32 v45, v48;
	v41 =	vadd.f32 v62, v56  }
0x294: {  	v46 =	vld [tilespmem:s3+$0xFFFFFFB0];
	v50 =	vadd.f32 v50, v58;
	v25 =	vmul.f32 $1.562500000e-02, v35;
	v35 =	vadd.f32 v60, v37  }
0x295: {  	v44 =	vld [tilespmem:s3+$0x7D30];
	v38 =	vmul.f32 v34, v34;
	v39 =	vadd.f32 v61, v54;
	v47 =	vadd.f32 v47, v55  }
0x296: {  	v62 =	vld [tilespmem:s3+$0x7D40];
	v58 =	vperm.xlane v45, v1;
	v53 =	vsub.f32 v40, v25;
	v61 =	vadd.f32 v35, v34  }
0x297: {  	v56 =	vld [tilespmem:s3+$0xFFFFFFC0];
	v60 =	vmul.f32 $1.562500000e-02, v39;
	v39 =	vadd.f32 v59, v57;
	v37 =	vadd.f32 v51, v63  }
0x298: {  	v52 =	vmul.f32 v25, v25;
	v45 =	vadd.f32 v45, v58;
	v36 =	vsub.f32 v36, v25  }
0x299: {  	v54 =	vmul.f32 v35, v35;
	v13 =	vsub.f32 v13, v25;
	v12 =	vsub.f32 v12, v25  }
0x29a: {  	v25 =	vadd.f32 v22, v10;
	v52 =	vsub.f32 v60, v52  }
0x29b: {  	v51 =	vperm.xlane v31, v0;
	v43 =	vadd.f32 v61, v43;
	v59 =	vadd.f32 v54, v38  }
0x29c: {  	v63 =	vmul.f32 v39, v39;
	v38 =	vadd.f32 v46, v44;
	v40 =	vadd.f32 v56, v62  }
0x29d: {  	v44 =	vadd.f32 v37, v39;
	v60 =	vmul.f32 v37, v37;
	v52 =	vadd.f32 $9.999999960e-13, v52  }
0x29e: {  	v41 =	vadd.f32 v59, v41;
	v42 =	vmul.f32 v38, v38;
	v57 =	vmul.f32 v40, v40  }
0x29f: {  	v46 =	vadd.f32 v60, v63;
	v54 =	vmul.f32 $5.000000000e-01, v52;
	v52 =	vshrl.u32 v52, $0x1  }
0x2a0: {  	v63 =	vadd.f32 v40, v38;
	v42 =	vadd.f32 v57, v42;
	v52 =	vsub.s32 $0x5F3759DF, v52  }
0x2a1: {  	v31 =	vadd.f32 v31, v51;
	v61 =	vperm.xlane v43, v0;
	v62 =	vmul.f32 v52, v54  }
0x2a2: {  	v60 =	vperm.xlane v41, v0;
	v44 =	vadd.f32 v63, v44;
	v42 =	vadd.f32 v42, v46  }
0x2a3: {  	v43 =	vadd.f32 v43, v61;
	v61 =	vperm.xlane v47, v1;
	v49 =	vmul.f32 v52, v62  }
0x2a4: {  	v41 =	vadd.f32 v41, v60;
	v62 =	vperm.xlane v44, v0;
	v57 =	vperm.xlane v42, v0  }
0x2a5: {  	v63 =	vperm.xlane v43, v1;
	v60 =	vperm.xlane v31, v1;
	v49 =	vsub.f32 $1.500000000e+00, v49  }
0x2a6: {  	v44 =	vadd.f32 v44, v62;
	v42 =	vadd.f32 v42, v57;
	v62 =	vperm.xlane v41, v1  }
0x2a7: {  	v47 =	vadd.f32 v47, v61;
	v57 =	vperm.xlane v50, v2;
	v49 =	vmul.f32 v52, v49  }
0x2a8: {  	v43 =	vadd.f32 v43, v63;
	v61 =	vperm.xlane v44, v1;
	v63 =	vperm.xlane v42, v1  }
0x2a9: {  	v41 =	vadd.f32 v41, v62;
	v62 =	vperm.xlane v45, v2;
	v59 =	vmul.f32 v49, v54  }
0x2aa: {  	v44 =	vadd.f32 v44, v61;
	v54 =	vadd.f32 v31, v60;
	v60 =	vperm.xlane v43, v2  }
0x2ab: {  	v42 =	vadd.f32 v42, v63;
	v61 =	vadd.f32 v57, v50;
	v56 =	vperm.xlane v41, v2  }
0x2ac: {  	v45 =	vadd.f32 v62, v45;
	v48 =	vmul.f32 v59, v49;
	v59 =	vperm.xlane v47, v2  }
0x2ad: {  	v63 =	vperm.xlane v44, v2;
	v55 =	vperm.xlane v54, v2;
	v43 =	vadd.f32 v60, v43  }
0x2ae: {  	v57 =	vperm.xlane v42, v2;
	v41 =	vadd.f32 v56, v41;
	v58 =	vsub.f32 $1.500000000e+00, v48  }
0x2af: {  	v62 =	vperm.xlane v45, v3;
	v47 =	vadd.f32 v59, v47;
	v44 =	vadd.f32 v63, v44  }
0x2b0: {  	v48 =	vadd.f32 v55, v54;
	v60 =	vperm.xlane v43, v3;
	v56 =	vperm.xlane v41, v3  }
0x2b1: {  	v42 =	vadd.f32 v57, v42;
	v31 =	vmul.f32 v58, v49;
	v58 =	vperm.xlane v61, v3  }
0x2b2: {  	v45 =	vadd.f32 v62, v45;
	v59 =	vperm.xlane v47, v3;
	v63 =	vperm.xlane v48, v3  }
0x2b3: {  	v43 =	vadd.f32 v60, v43;
	v57 =	vperm.xlane v42, v3;
	v41 =	vadd.f32 v56, v41  }
0x2b4: {  	v45 =	vmul.f32 $1.562500000e-02, v45;
	v36 =	vmul.f32 v31, v36;
	v46 =	vadd.f32 v58, v61  }
0x2b5: {  	v61 =	vperm.xlane v44, v3;
	v47 =	vadd.f32 v59, v47;
	v43 =	vmul.f32 $1.562500000e-02, v43  }
0x2b6: {  	v48 =	vadd.f32 v63, v48;
	v41 =	vmul.f32 $1.562500000e-02, v41;
	v49 =	vmul.f32 v31, v53  }
0x2b7: {  	v42 =	vadd.f32 v57, v42;
	v13 =	vmul.f32 v31, v13;
	v12 =	vmul.f32 v31, v12  }
0x2b8: {  	v36 =	vmul.f32 v36, v7;
	v44 =	vadd.f32 v61, v44;
	v46 =	vmul.f32 $1.562500000e-02, v46  }
0x2b9: {  	v47 =	vmul.f32 $1.562500000e-02, v47;
	v48 =	vmul.f32 $1.562500000e-02, v48;
	v32 =	vsub.f32 v32, v43  }
0x2ba: {  	v60 =	vmul.f32 v43, v43;
	v33 =	vsub.f32 v33, v43;
	v34 =	vsub.f32 v34, v43  }
0x2bb: {  	v35 =	vsub.f32 v35, v43;
	v36 =	vadd.f32 v36, v11;
	v58 =	vmul.f32 v46, v46  }
0x2bc: {  	v44 =	vmul.f32 $1.562500000e-02, v44;
	v59 =	vmul.f32 v47, v47;
	v41 =	vsub.f32 v41, v60  }
0x2bd: {  	v42 =	vmul.f32 $1.562500000e-02, v42;
	v27 =	vsub.f32 v27, v46;
	v45 =	vsub.f32 v45, v58  }
0x2be: {  	v48 =	vsub.f32 v48, v59;
	v61 =	vmul.f32 v44, v44;
	v41 =	vadd.f32 $9.999999960e-13, v41  }
0x2bf: {  	v13 =	vmul.f32 v13, v5;
	v29 =	vsub.f32 v29, v46;
	v45 =	vadd.f32 $9.999999960e-13, v45  }
0x2c0: {  	v48 =	vadd.f32 $9.999999960e-13, v48;
	v42 =	vsub.f32 v42, v61;
	v52 =	vmul.f32 $5.000000000e-01, v41  }
0x2c1: {  	v41 =	vshrl.u32 v41, $0x1;
	v50 =	vmul.f32 $5.000000000e-01, v45;
	v45 =	vshrl.u32 v45, $0x1  }
0x2c2: {  	v51 =	vmul.f32 $5.000000000e-01, v48;
	v48 =	vshrl.u32 v48, $0x1;
	v42 =	vadd.f32 $9.999999960e-13, v42  }
0x2c3: {  	v41 =	vsub.s32 $0x5F3759DF, v41;
	v45 =	vsub.s32 $0x5F3759DF, v45;
	v48 =	vsub.s32 $0x5F3759DF, v48  }
0x2c4: {  	v53 =	vmul.f32 $5.000000000e-01, v42;
	v62 =	vmul.f32 v45, v50;
	v42 =	vshrl.u32 v42, $0x1  }
0x2c5: {  	v60 =	vmul.f32 v41, v52;
	v63 =	vmul.f32 v48, v51;
	v42 =	vsub.s32 $0x5F3759DF, v42  }
0x2c6: {  	v21 =	vsub.f32 v21, v46;
	v54 =	vmul.f32 v45, v62;
	v61 =	vmul.f32 v42, v53  }
0x2c7: {  	v23 =	vsub.f32 v23, v46;
	v55 =	vmul.f32 v48, v63;
	v62 =	vmul.f32 v41, v60  }
0x2c8: {  	v24 =	vsub.f32 v24, v47;
	v54 =	vsub.f32 $1.500000000e+00, v54;
	v63 =	vmul.f32 v42, v61  }
0x2c9: {  	v12 =	vmul.f32 v12, v6;
	v55 =	vsub.f32 $1.500000000e+00, v55;
	v46 =	vsub.f32 $1.500000000e+00, v62  }
0x2ca: {  	v26 =	vsub.f32 v26, v47;
	v45 =	vmul.f32 v45, v54;
	v57 =	vsub.f32 $1.500000000e+00, v63  }
0x2cb: {  	v28 =	vsub.f32 v28, v47;
	v48 =	vmul.f32 v48, v55;
	v41 =	vmul.f32 v41, v46  }
0x2cc: {  	v30 =	vsub.f32 v30, v47;
	v58 =	vmul.f32 v45, v50;
	v42 =	vmul.f32 v42, v57  }
0x2cd: {  	v13 =	vadd.f32 v13, v9;
	v59 =	vmul.f32 v48, v51;
	v60 =	vmul.f32 v41, v52  }
0x2ce: {  	v12 =	vadd.f32 v12, v10;
	[tilespmem:s3+$0xE180] =	vst v36;
	v46 =	vmul.f32 v58, v45;
	v61 =	vmul.f32 v42, v53  }
0x2cf: {  	v39 =	vsub.f32 v39, v44;
	[tilespmem:s1+$0xE0F0] =	vst v16;
	v47 =	vmul.f32 v59, v48;
	v50 =	vmul.f32 v60, v41  }
0x2d0: {  	[tilespmem:s1+$0xE100] =	vst v17;
	v54 =	vadd.f32 v18, v8;
	v62 =	vsub.f32 $1.500000000e+00, v46;
	v63 =	vmul.f32 v61, v42  }
0x2d1: {  	v49 =	vmul.f32 v49, v4;
	[tilespmem:s1+$0xE120] =	vst v15;
	v47 =	vsub.f32 $1.500000000e+00, v47;
	v50 =	vsub.f32 $1.500000000e+00, v50  }
0x2d2: {  	[tilespmem:s1+$0xE130] =	vst v14;
	v58 =	vadd.f32 v19, v11;
	v51 =	vmul.f32 v62, v45;
	v52 =	vsub.f32 $1.500000000e+00, v63  }
0x2d3: {  	[tilespmem:s1+$0xE110] =	vst v54;
	v60 =	vadd.f32 v49, v8;
	v53 =	vmul.f32 v47, v48;
	v55 =	vmul.f32 v50, v41  }
0x2d4: {  	v37 =	vsub.f32 v37, v44;
	[tilespmem:s1+$0xE140] =	vst v58;
	v56 =	vmul.f32 v52, v42;
	v57 =	vmul.f32 v51, v27  }
0x2d5: {  	[tilespmem:s3+$0xE150] =	vst v60;
	v62 =	vadd.f32 v20, v9;
	v59 =	vmul.f32 v51, v29;
	v61 =	vmul.f32 v51, v21  }
0x2d6: {  	v38 =	vsub.f32 v38, v44;
	[tilespmem:s1+$0xE170] =	vst v25;
	v63 =	vmul.f32 v51, v23;
	v16 =	vmul.f32 v57, v4  }
0x2d7: {  	v40 =	vsub.f32 v40, v44;
	v27 =	vmul.f32 v53, v24;
	[tilespmem:s1+$0xE160] =	vst v62;
	v19 =	vmul.f32 v59, v5  }
0x2d8: {  	v36 =	vmul.f32 v53, v26;
	[tilespmem:s3+$0xE160] =	vst v13;
	v14 =	vmul.f32 v61, v6;
	v29 =	vadd.f32 v16, v8  }
0x2d9: {  	v41 =	vmul.f32 v53, v28;
	[tilespmem:s3+$0xE170] =	vst v12;
	v20 =	vmul.f32 v63, v7;
	v19 =	vadd.f32 v19, v9  }
0x2da: {  	v42 =	vmul.f32 v53, v30;
	v22 =	vmul.f32 v27, v4;
	v14 =	vadd.f32 v14, v10;
	[tilespmem:s3+$0xE050] =	vst v29  }
0x2db: {  	v46 =	vmul.f32 v55, v33;
	v21 =	vmul.f32 v41, v6;
	v43 =	vadd.f32 v20, v11;
	[tilespmem:s3+$0xE060] =	vst v19  }
0x2dc: {  	v18 =	vmul.f32 v55, v35;
	v15 =	vmul.f32 v42, v7;
	v45 =	vadd.f32 v22, v8;
	[tilespmem:s3+$0xE070] =	vst v14  }
0x2dd: {  	v44 =	vmul.f32 v55, v32;
	v49 =	vmul.f32 v46, v5;
	v48 =	vadd.f32 v21, v10;
	[tilespmem:s3+$0xE080] =	vst v43  }
0x2de: {  	v50 =	vmul.f32 v56, v39;
	v18 =	vmul.f32 v18, v7;
	v15 =	vadd.f32 v15, v11;
	[tilespmem:s3+$0xE090] =	vst v45  }
0x2df: {  	v52 =	vmul.f32 v56, v37;
	v16 =	vmul.f32 v36, v5;
	v53 =	vadd.f32 v49, v9;
	[tilespmem:s3+$0xE0B0] =	vst v48  }
0x2e0: {  	v54 =	vmul.f32 v56, v38;
	v20 =	vmul.f32 v44, v4;
	v57 =	vadd.f32 v18, v11;
	[tilespmem:s3+$0xE0C0] =	vst v15  }
0x2e1: {  	v17 =	vmul.f32 v56, v40;
	v56 =	vmul.f32 v52, v5;
	v16 =	vadd.f32 v16, v9;
	[tilespmem:s3+$0xE0E0] =	vst v53  }
0x2e2: {  	v47 =	vmul.f32 v55, v34;
	v58 =	vmul.f32 v54, v6;
	v51 =	vadd.f32 v20, v8;
	[tilespmem:s3+$0xE100] =	vst v57  }
0x2e3: {  	v60 =	vmul.f32 v17, v7;
	v61 =	vadd.f32 v56, v9;
	[tilespmem:s3+$0xE0A0] =	vst v16  }
0x2e4: {  	v19 =	vmul.f32 v47, v6;
	v62 =	vadd.f32 v58, v10;
	[tilespmem:s3+$0xE0D0] =	vst v51  }
0x2e5: {  	v63 =	vadd.f32 v60, v11;
	v16 =	vmul.f32 v50, v4;
	[tilespmem:s3+$0xE120] =	vst v61  }
.Ltmp4:
0x2e6: {  	v55 =	vadd.f32 v19, v10;
	[tilespmem:s3+$0xE130] =	vst v62;
	(pc) =	sbr.rel @p1 .LBB2_8-.Ltmp4, $4  }
0x2e7: {  	s0 =	smul.u32 $0x640, s0;
	[tilespmem:s3+$0xE140] =	vst v63;
	v59 =	vadd.f32 v16, v8  }
0x2e8: {  	[tilespmem:s3+$0xE0F0] =	vst v55  }
0x2e9: {  	s0 =	sadd.s32 s4, s0;
	[tilespmem:s3+$0xE110] =	vst v59  }
0x2ea: {  	[hbm4b:s0+s5] =	stream.linear.scatter [tilespmem:s28], [sflag:$0x4], $0x3200, $0x38;
	[tilespmem:$0x11380] =	vst v63  }
0x2eb: {  	s0 =	smul.u32 $0x640, s2;
	_ =	sdelay $0x1  }
.Ltmp5:
0x2ec: {  	s0 =	sshra.s32 s0, $0x2;
	(pc) =	sbr.rel .LBB2_2-.Ltmp5, $4  }
0x2ed: {  	s1 =	sadd.s32 $0x34D8, s0  }
0x2ee: {  	[tilespmem:s21], [sflag:$0x2] =	stream.indirect.gather [hbm4b:s6+s15], $0x40, s1, s15, $0xb8;
	[tilespmem:$0x11380] =	vst v63  }
0x2ef: {  	s2 =	sadd.s32 $0x1, s2;
	s0 =	sadd.s32 $0x3540, s0  }
0x2f0: {  	[tilespmem:s23], [sflag:$0x2] =	stream.indirect.gather [hbm4b:s6+s17], $0x40, s0, s17, $0xb8;
	[tilespmem:$0x11380] =	vst v63  }
.LBB2_9:
0x2f1: {  	_ =	sfence.sel $0x180000  }
0x2f2: {  	[bflag:$0x0] =	sbarrier.arrive $0xFFFF  }
0x2f3: {  	_ =	strace $0x90000047  }
0x2f4: {  	s0 =	stileid.u32;
	[bflag:$0x2] =	sbarrier.arrive $0xFFFF  }
0x2f5: {  	p0 =	sne.s32 s0, $0x0;
	s0 =	rddreg [dreg:$0x4]  }
0x2f6: {  	s0 =	sadd.s32 @!p0 $0x100000, s0  }
0x2f7: {  	[sflag:s0] =	ssyncadd.tile.s32 @!p0 $0x1;
	_ =	shalt  }
.Lfunc_end2:
_tile_overlayer_lowered:
.L_overlay_start_2:
0x2f8: {  	(tag) =	ssettag $0x2  }
0x2f9: {  	s0 =	rddreg [dreg:$0x0];
	s2 =	stileid.u32  }
0x2fa: {  	s1 =	rddreg [dreg:$0x1];
	p0 =	sne.s32 s2, $0x0  }
0x2fb: {  	s3 =	rddreg [dreg:$0x2];
	[bflag:$0x3] =	sbarrier.arrive $0xFFFF;
	s2 =	simm.s32 @!p0 $0x1C05  }
0x2fc: {  	[timem:s3], [sflag:s2] =	dma.local @!p0 [hbm:s0], s1  }
0x2fd: {  	s0 =	simm.s32 @!p0 $0x5  }
0x2fe: {  	_ =	swait.ge @!p0 [sflag:s0], s1  }
0x2ff: {  	s1 =	ssub.s32 @!p0 $0x0, s1;
	[sflag:s0] =	ssyncset.done @!p0 $0x0  }
0x300: {  	[sflag:s0] =	ssyncadd.s32 @!p0 s1  }
0x301: {  	[bflag:$0x3] =	sbarrier.arrive $0xFFFF  }
0x302: {  	_ =	shalt  }

// kernel: sparse-core-data-format-call.cloned.1.call-start
scs
called_computation_lowered:
.L_overlay_start_0:
0x0: {  	s2 =	sld [smem:$0x3FD9]  }
0x1: {  	s3 =	sld [smem:$0x3FFE];
	_ =	sdelay $0x1  }
0x2: {  	s1 =	srdreg.scid  }
0x3: {  	s0 =	sand.u32 $0x1, s1  }
0x4: {  	s18 =	sshll.u32 s0, $0xA;
	s2 =	sadd.s32 s3, s2  }
0x5: {  	s2 =	sadd.s32 s2, s18  }
0x6: {  	[smem:$0x3FC3] =	sst s2  }
0x7: {  	_ = 	snop  }
0x8: {  	s2 =	sld [smem:$0x3FD0];
	(tm) =	ssettm $0x1  }
0x9: {  	s19 =	sld [smem:$0x3FFB];
	_ =	sdelay $0x3  }
0xa: {  	_ =	strace s19  }
0xb: {  	s3 =	sld [smem:$0x3FFC];
	_ =	sdelay $0x3  }
0xc: {  	_ =	strace s3  }
0xd: {  	s3 =	sld [smem:$0x3FFD];
	_ =	sdelay $0x3  }
0xe: {  	_ =	strace s3  }
0xf: {  	_ =	strace $0x8FFFFFFF  }
0x10: {  	s20 =	sld [smem:$0x3FDB];
	_ =	sdelay $0x1  }
0x11: {  	s4 =	simm.s32 $_scs_section_size  }
0x12: {  	s5 =	simm.s32 $_size__tile_overlayer_lowered;
	s6 =	simm.s32 $_tile_overlayer_lowered  }
0x13: {  	s23 =	simm.s32 $0x1BFF;
	s22 =	sshll.u32 s6, $0x1;
	s3 =	sadd.s32 s4, s20  }
0x14: {  	s7 =	simm.s32 $0x0;
	s21 =	sshll.u32 s5, $0x1;
	s5 =	sadd.s32 s22, s3  }
0x15: {  	[timem:s7], [sflag:s23] =	dma.local [hbm:s5], s21  }
0x16: {  	_ =	swait.ge [sflag:s23], s21  }
0x17: {  	s4 =	ssub.s32 $0x0, s21;
	[sflag:s23] =	ssyncset.done $0x0  }
0x18: {  	[sflag:s23] =	ssyncadd.s32 s4;
	_ =	sdelay $0x1  }
0x19: {  	s24 =	simm.s32 $0x1B8B  }
0x1a: {  	_ =	swait.ge [sflag:s24], $0x1  }
0x1b: {  	[sflag:s24] =	ssyncset.done $0x0  }
0x1c: {  	s26 =	simm.s32 $0x1B8E;
	s25 =	sld [smem:$0x3FFE];
	[sflag:s24] =	ssyncadd.s32 $0xFFFFFFFF  }
0x1d: {  	s27 =	simm.s32 $execute0_lowered;
	[smem:$0x3FD2] =	sst s26  }
0x1e: {  	s5 =	sshll.u32 s27, $0x1;
	_ =	strace $0x80000049;
	[dreg:$0x1] =	wrdreg $0xFFFFFFFF  }
0x1f: {  	s28 =	simm.s32 $_size_execute0_lowered;
	s3 =	sadd.s32 s3, s5;
	[dreg:$0x0] =	wrdreg $0x0  }
0x20: {  	s5 =	sshll.u32 s28, $0x1;
	[dreg:$0x2] =	wrdreg s3  }
0x21: {  	[dreg:$0x3] =	wrdreg s5  }
0x22: {  	[dreg:$0x4] =	wrdreg $0xC0  }
0x23: {  	_ =	task [dreg:s7], $0x5FFFF  }
0x24: {  	[dreg:$0x1] =	wrdreg $0xFFFFFFFF  }
0x25: {  	[dreg:$0x0] =	wrdreg $0x60  }
0x26: {  	[dreg:$0x2] =	wrdreg s25  }
0x27: {  	[dreg:$0x3] =	wrdreg s2  }
0x28: {  	[dreg:$0x4] =	wrdreg $0x9  }
0x29: {  	_ =	task.clear_ibuf [dreg:s7], $0x5FFFF;
	_ =	strace $0x90000049  }
0x2a: {  	s29 =	simm.s32 $0x9;
	_ =	strace $0x8000004B  }
0x2b: {  	_ =	swait.ge [sflag:s29], $0x1  }
0x2c: {  	[sflag:s29] =	ssyncadd.s32 $0xFFFFFFFF  }
0x2d: {  	_ =	strace $0x9000004B  }
0x2e: {  	_ =	sfence  }
0x2f: {  	s30 =	sld [smem:$0x0];
	_ =	sdelay $0x2  }
0x30: {  	s31 =	sshll.u32 s1, $0xD;
	s1 =	sshrl.u32 s1, $0x2  }
0x31: {  	s3 =	sand.u32 $0x4000, s31;
	s1 =	sadd.s32 s1, s30  }
0x32: {  	s0 =	sor.u32 s3, s0;
	s1 =	sshll.u32 s1, $0x11  }
0x33: {  	s0 =	sor.u32 s1, s0  }
0x34: {  	s0 =	sadd.s32 $0x8F2B, s0  }
0x35: {  	[sflag:s0] =	ssyncadd.remote.s32 $0x1  }
0x36: {  	_ =	sfence.sel $0xFFFF  }
0x37: {  	[dreg:$0x0] =	wrdreg $0xFFFFFFFF;
	(pc) =	sbr.abs _section_cstart, $3  }
0x38: {  	[dreg:$0x1] =	wrdreg $0xFFFFFFFF  }
0x39: {  	_ =	task.clear_ibuf [dreg:s7], $0x2FFFF;
	_ =	strace $0x9FFFFFFF  }
0x3a: {  	(tm) =	ssettm $0x7FFFFFFF  }
0x3b: {  	_ =	shalt  }
tec
execute0_lowered:
.L_overlay_start_1:
0x0: {  	(tag) =	ssettag $0x1  }
0x1: {  	s0 =	stileid.u32;
	s6 =	rddreg [dreg:$0x0]  }
0x2: {  	s2 =	rddreg [dreg:$0x1];
	s5 =	srdreg.scid  }
0x3: {  	s31 =	simm.s32 $0x2;
	s13 =	simm.s32 $0x0;
	s1 =	sshll.u32 s0, $0x7  }
0x4: {  	s14 =	simm.s32 $0x0;
	s12 =	simm.s32 $0x0;
	s3 =	sand.u32 $0x380, s1  }
0x5: {  	s5 =	sshll.u32 s5, $0x4;
	s6 =	sadd.s32 $0xE00, s6;
	s4 =	ssub.s32 $0x400, s3  }
0x6: {  	s1 =	rddreg [dreg:$0x2];
	_ =	strace $0x8000004A;
	s7 =	sand.u32 $0x380, s4  }
0x7: {  	s5 =	sand.u32 $0x10, s5;
	p0 =	sne.s32 s7, $0x0;
	s7 =	simm.s32 $0x1  }
.Ltmp0:
0x8: {  	s8 =	sshrl.u32 s4, $0xA;
	s7 =	simm.s32 @!p0 $0x0;
	(pc) =	sbr.rel .LBB1_1-.Ltmp0, $4  }
0x9: {  	s9 =	sor.u32 s0, s5;
	s4 =	simm.s32 $0x1;
	s30 =	sadd.s32 s7, s8  }
0xa: {  	s11 =	smov.u32 s3;
	[sflag:s4] =	ssyncpa.u1 $0x0;
	s5 =	smul.u32 $0x32, s30  }
0xb: {  	[sflag:s31] =	ssyncpa.u1 $0x0;
	p0 =	por $0x0, $0x0;
	s7 =	sshrl.u32 s9, $0x3  }
0xc: {  	s9 =	simm.s32 $0x2000;
	s10 =	smov.u32 s7;
	s8 =	sor.u32 $0x1, s5  }
.LBB1_4:
0xd: {  	s17 =	sand.u32 $0x1F80, s14;
	s13 =	sshll.u32 s13, $0xD  }
0xe: {  	[tilespmem:s16+$0x810 ss:$0x81] =	vst.msk $0xffff, v2;
	s18 =	sshrl.u32 s14, $0x3;
	s31 =	sand.u32 $0x7, s14;
	s17 =	sadd.s32 s2, s17  }
0xf: {  	[tilespmem:s16+$0x1020 ss:$0x81] =	vst.msk $0xffff, v0;
	s18 =	sand.u32 $0xF, s18;
	s14 =	sshll.u32 s31, $0x12;
	s13 =	sadd.s32 s13, s17  }
0x10: {  	[tilespmem:s16+$0x0 ss:$0x81] =	vst.msk $0xffff, v1;
	s14 =	sor.u32 $0x400, s14;
	s13 =	sadd.s32 s18, s13  }
0x11: {  	[hbm4b:s13+s14] =	stream.strided.scatter [tilespmem:s15], [sflag:$0x2], $0x2000, s9, s14, $0x20;
	[tilespmem:$0x8080] =	vst v63  }
.LBB1_5:
0x12: {  	s15 =	sadd.s32 $0x4, s10  }
0x13: {  	s13 =	sadd.s32 $0x400, s11;
	s17 =	smov.u32 s11;
	p2 =	sgt.s32 s15, $0xC7  }
0x14: {  	s17 =	smov.u32 @p2 s13  }
0x15: {  	s15 =	smov.u32 @p2 s7;
	p2 =	sgt.s32 s17, $0x3FF  }
0x16: {  	s17 =	smov.u32 @p2 s3;
	p2 =	sne.s32 s12, s8  }
.Ltmp1:
0x17: {  	p1 =	slt.u32 s12, $0x2;
	(pc) =	sbr.rel @!p2 .LBB1_6-.Ltmp1, $4  }
0x18: {  	s16 =	simm.s32 @!p1 $0x2  }
0x19: {  	s14 =	smov.u32 s11;
	p0 =	por !p0, !p0;
	_ =	swait.ge @!p1 [sflag:s16], $0x2000  }
0x1a: {  	s13 =	smov.u32 s10;
	[sflag:s16] =	ssyncset.done @!p1 $0x0;
	s10 =	smov.u32 s15  }
0x1b: {  	s12 =	sadd.s32 $0x1, s12;
	[sflag:s16] =	ssyncadd.s32 @!p1 $0xFFFFE000;
	s11 =	smov.u32 s17  }
.LBB1_1:
0x1c: {  	p1 =	sge.u32 s12, s5  }
0x1d: {  	s15 =	sand.u32 @!p1 $0x1FFFFFF, s10  }
0x1e: {  	s16 =	smulhi.u32 @!p1 $0x147AE15, s15;
	_ =	sdelay $0x1  }
0x1f: {  	s16 =	smul.u32 @!p1 $0xC8, s16  }
0x20: {  	s17 =	sxor.u32 @!p1 $0xFFFFFFFF, s12;
	s18 =	smul.u32 @!p1 $0xC80, s11  }
0x21: {  	s31 =	sadd.s32 $0xFFFFFFFF, s12;
	s17 =	sshll.u32 @!p1 s17, $0xD;
	s15 =	ssub.s32 @!p1 s15, s16  }
0x22: {  	s16 =	sand.u32 @!p1 $0x2000, s17;
	s17 =	sadd.s32 @!p1 s6, s18;
	s15 =	sshll.u32 @!p1 s15, $0x4  }
0x23: {  	s18 =	simm.s32 @!p1 $0x6400;
	s15 =	sadd.s32 @!p1 s15, s17;
	s17 =	simm.s32 @!p1 $0x40  }
0x24: {  	[tilespmem:s16], [sflag:$0x1] =	stream.strided.gather @!p1 [hbm4b:s15+s17], $0x2000, s18, s17, $0x38;
	[tilespmem:$0x8080] =	vst v63  }
0x25: {  	p1 =	sge.u32 s31, s5  }
.Ltmp2:
0x26: {  	_ = 	snop;
	(pc) =	sbr.rel @p1 .LBB1_5-.Ltmp2, $1  }
0x27: {  	_ =	sdelay $0x3  }
0x28: {  	s15 =	simm.s32 $0x1  }
0x29: {  	_ =	swait.ge [sflag:s4], $0x2000;
	s15 =	simm.s32 @!p0 $0x0  }
0x2a: {  	[sflag:s4] =	ssyncset.done $0x0;
	s16 =	sshll.u32 s15, $0xD  }
0x2b: {  	[sflag:s4] =	ssyncadd.s32 $0xFFFFE000;
	s19 =	sor.u32 $0x20, s16  }
0x2c: {  	s15 =	smul.u32 $0x8100, s15;
	v3 =	vld [tilespmem:s19+$0x10]  }
0x2d: {  	s30 =	sand.u32 $0x1, s12;
	v2 =	vld [tilespmem:s19+$0xFFFFFFF0]  }
0x2e: {  	s16 =	smul.u32 $0x8100, s30;
	s15 =	sshrl.u32 s15, $0x2;
	v0 =	vld [tilespmem:s19+$0x0]  }
0x2f: {  	v1 =	vld [tilespmem:s19+$0xFFFFFFE0];
	s17 =	sor.u32 $0x4000, s15  }
0x30: {  	s31 =	sshrl.u32 s16, $0x2;
	s16 =	sadd.s32 $0x0, s17  }
0x31: {  	s18 =	simm.s32 $0x4;
	s19 =	sadd.s32 $0x40, s19;
	s15 =	sor.u32 $0x4000, s31;
	[tilespmem:s16+$0x1830 ss:$0x81] =	vst.msk $0xffff, v3  }
.LBB1_3:
0x32: {  	v3 =	vld [tilespmem:s19+$0x10];
	p1 =	sne.s32 s18, $0x1FC;
	[tilespmem:s16+$0x810 ss:$0x81] =	vst.msk $0xffff, v2;
	s20 =	smov.u32 s18;
	s18 =	sadd.s32 $0x4, s18  }
.Ltmp3:
0x33: {  	v2 =	vld [tilespmem:s19+$0xFFFFFFF0];
	[tilespmem:s16+$0x1020 ss:$0x81] =	vst.msk $0xffff, v0;
	(pc) =	sbr.rel @p1 .LBB1_3-.Ltmp3, $4  }
0x34: {  	v0 =	vld [tilespmem:s19+$0x0];
	[tilespmem:s16+$0x0 ss:$0x81] =	vst.msk $0xffff, v1  }
0x35: {  	s16 =	sshra.s32 s20, $0x2;
	v1 =	vld [tilespmem:s19+$0xFFFFFFE0]  }
0x36: {  	s16 =	sadd.s32 s16, s17  }
0x37: {  	s19 =	sadd.s32 $0x40, s19;
	[tilespmem:s16+$0x1830 ss:$0x81] =	vst.msk $0xffff, v3  }
.Ltmp4:
0x38: {  	_ = 	snop;
	(pc) =	sbr.rel .LBB1_4-.Ltmp4, $1  }
0x39: {  	_ =	sdelay $0x3  }
.LBB1_6:
0x3a: {  	_ =	sfence.sel $0x180000  }
0x3b: {  	s2 =	simm.s32 $0x1;
	[bflag:$0x0] =	sbarrier.arrive $0xFFFF  }
0x3c: {  	s31 =	simm.s32 $0x2;
	[sflag:s2] =	ssyncpa.u1 $0x1  }
0x3d: {  	[sflag:s31] =	ssyncpa.u1 $0x1  }
0x3e: {  	p0 =	sne.s32 s0, $0x0;
	_ =	strace $0x9000004A  }
0x3f: {  	s0 =	sadd.s32 @!p0 $0x100000, s1;
	[bflag:$0x2] =	sbarrier.arrive $0xFFFF  }
0x40: {  	[sflag:s0] =	ssyncadd.tile.s32 @!p0 $0x1;
	_ =	shalt  }
.Lfunc_end1:
_tile_overlayer_lowered:
.L_overlay_start_2:
0x41: {  	(tag) =	ssettag $0x2  }
0x42: {  	s0 =	rddreg [dreg:$0x0];
	s2 =	stileid.u32  }
0x43: {  	s1 =	rddreg [dreg:$0x1];
	p0 =	sne.s32 s2, $0x0  }
0x44: {  	s3 =	rddreg [dreg:$0x2];
	[bflag:$0x3] =	sbarrier.arrive $0xFFFF;
	s2 =	simm.s32 @!p0 $0x1C01  }
0x45: {  	[timem:s3], [sflag:s2] =	dma.local @!p0 [hbm:s0], s1  }
0x46: {  	s0 =	simm.s32 @!p0 $0x1  }
0x47: {  	_ =	swait.ge @!p0 [sflag:s0], s1  }
0x48: {  	s1 =	ssub.s32 @!p0 $0x0, s1;
	[sflag:s0] =	ssyncset.done @!p0 $0x0  }
0x49: {  	[sflag:s0] =	ssyncadd.s32 @!p0 s1  }
0x4a: {  	[bflag:$0x3] =	sbarrier.arrive $0xFFFF  }
0x4b: {  	_ =	shalt  }

</sc_bundles>
